<compile_context>
chip_gen: v7x
topology: tpu7x:2x2x1
jax: 0.10.2.dev20260603
libtpu: 0.0.44.dev20260713+nightly
codegen_flags: <defaults>
</compile_context>

<pallas_src>
import functools

import jax
import jax.numpy as jnp
from jax import lax
from jax.experimental import pallas as pl
from jax.experimental.pallas import tpu as pltpu
from jax.experimental.pallas import tpu_sc as plsc

B = 4096
L = 200
N = B * L
EMB = 64
PD = 32
OUT_D = EMB + 2 * PD
NW = 32
G = 128
NG = N // (NW * G)
NSEG = 2
SEGG = NG // NSEG
NBUF = 5
AHEAD = 3

_mesh = plsc.VectorSubcoreMesh(core_axis_name="c", subcore_axis_name="s")


@functools.partial(
    pl.kernel,
    mesh=_mesh,
    compiler_params=pltpu.CompilerParams(use_tc_tiling_on_sc=False),
    out_type=jax.ShapeDtypeStruct((N, OUT_D), jnp.float32),
    scratch_types=[
        pltpu.VMEM((SEGG, G), jnp.int32),
        pltpu.VMEM((SEGG, G), jnp.int32),
        pltpu.VMEM((SEGG, G), jnp.int32),
        pltpu.VMEM((NBUF, G, EMB), jnp.float32),
        pltpu.VMEM((NBUF, G, PD), jnp.float32),
        pltpu.VMEM((NBUF, G, PD), jnp.float32),
        pltpu.SemaphoreType.DMA,
        pltpu.SemaphoreType.DMA,
        pltpu.SemaphoreType.DMA,
        pltpu.SemaphoreType.DMA,
        pltpu.SemaphoreType.DMA,
        pltpu.SemaphoreType.DMA,
        pltpu.SemaphoreType.DMA,
        pltpu.SemaphoreType.DMA,
        pltpu.SemaphoreType.DMA,
        pltpu.SemaphoreType.DMA,
    ],
)
def _sc_embed(word_hbm, pos1_hbm, pos2_hbm, wtab_hbm, p1tab_hbm, p2tab_hbm,
              out_hbm, widx_v, p1idx_v, p2idx_v, wrows_v, p1rows_v, p2rows_v,
              gs0, gs1, gs2, gs3, gs4, ws0, ws1, ws2, ws3, ws4):
    gsems = [gs0, gs1, gs2, gs3, gs4]
    wsems = [ws0, ws1, ws2, ws3, ws4]
    wid = lax.axis_index("s") * 2 + lax.axis_index("c")
    gbase = wid * NG

    def gather_start(g, b):
        pltpu.async_copy(wtab_hbm.at[widx_v.at[g]], wrows_v.at[b], gsems[b])
        pltpu.async_copy(p1tab_hbm.at[p1idx_v.at[g]], p1rows_v.at[b], gsems[b])
        pltpu.async_copy(p2tab_hbm.at[p2idx_v.at[g]], p2rows_v.at[b], gsems[b])

    def gather_wait(b):
        pltpu.make_async_copy(wtab_hbm.at[pl.ds(0, G)], wrows_v.at[b],
                              gsems[b]).wait()
        pltpu.make_async_copy(p1tab_hbm.at[pl.ds(0, G)], p1rows_v.at[b],
                              gsems[b]).wait()
        pltpu.make_async_copy(p2tab_hbm.at[pl.ds(0, G)], p2rows_v.at[b],
                              gsems[b]).wait()

    def write_start(g, b, seg_off):
        row0 = (gbase + seg_off + g) * G
        pltpu.async_copy(wrows_v.at[b],
                         out_hbm.at[pl.ds(row0, G), pl.ds(0, EMB)], wsems[b])
        pltpu.async_copy(p1rows_v.at[b],
                         out_hbm.at[pl.ds(row0, G), pl.ds(EMB, PD)], wsems[b])
        pltpu.async_copy(p2rows_v.at[b],
                         out_hbm.at[pl.ds(row0, G), pl.ds(EMB + PD, PD)],
                         wsems[b])

    def write_wait(b):
        row0 = gbase * G
        pltpu.make_async_copy(wrows_v.at[b],
                              out_hbm.at[pl.ds(row0, G), pl.ds(0, EMB)],
                              wsems[b]).wait()
        pltpu.make_async_copy(p1rows_v.at[b],
                              out_hbm.at[pl.ds(row0, G), pl.ds(EMB, PD)],
                              wsems[b]).wait()
        pltpu.make_async_copy(p2rows_v.at[b],
                              out_hbm.at[pl.ds(row0, G), pl.ds(EMB + PD, PD)],
                              wsems[b]).wait()

    for seg in range(NSEG):
        seg_off = seg * SEGG
        pltpu.sync_copy(word_hbm.at[pl.ds(gbase + seg_off, SEGG)], widx_v)
        pltpu.sync_copy(pos1_hbm.at[pl.ds(gbase + seg_off, SEGG)], p1idx_v)
        pltpu.sync_copy(pos2_hbm.at[pl.ds(gbase + seg_off, SEGG)], p2idx_v)

        for p in range(AHEAD):
            gather_start(p, p)

        def outer(i, carry):
            go = i * NBUF
            for b in range(NBUF):
                g = go + b
                gather_wait(b)
                write_start(g, b, seg_off)
                bn = (b + AHEAD) % NBUF

                @pl.when(g >= NBUF - AHEAD)
                def _():
                    write_wait(bn)

                @pl.when(g + AHEAD < SEGG)
                def _():
                    gather_start(g + AHEAD, bn)
            return carry

        lax.fori_loop(0, SEGG // NBUF, outer, 0)
        write_wait((SEGG - 2) % NBUF)
        write_wait((SEGG - 1) % NBUF)


def kernel(word, pos1, pos2, word_table, pos1_table, pos2_table):
    word2d = jnp.reshape(word, (N // G, G))
    pos1_2d = jnp.reshape(pos1, (N // G, G))
    pos2_2d = jnp.reshape(pos2, (N // G, G))
    out = _sc_embed(word2d, pos1_2d, pos2_2d,
                    word_table, pos1_table, pos2_table)
    return jnp.reshape(out, (B, L, OUT_D))

# --- scband reference (transcript-rebuilt; emitter-appended) ---
"""Pipeline reference for scband-embedding-layer-76158360092705 (READ-ONLY COPY).

The authoritative reference and input builder live on the scoring server;
editing this copy changes nothing except your own understanding.
"""

import jax, jax.numpy as jnp
import numpy as np

VOCAB = 1000000
EMB_DIM = 64
MAX_LEN = 200
POS_DIM = 32
B = 4096
L = 200

def setup_inputs(seed: int = 0) -> dict:
    key = jax.random.key(seed)
    k1, k2, k3, k4, k5, k6 = jax.random.split(key, 6)
    word = jax.random.randint(k1, (B, L), 0, VOCAB, dtype=jnp.int64 if jax.config.jax_enable_x64 else jnp.int32)
    pos1 = jax.random.randint(k2, (B, L), 0, 2 * MAX_LEN, dtype=jnp.int32)
    pos2 = jax.random.randint(k3, (B, L), 0, 2 * MAX_LEN, dtype=jnp.int32)
    word_table = jax.random.normal(k4, (VOCAB, EMB_DIM), dtype=jnp.float32) * 0.02
    pos1_table = jax.random.normal(k5, (2 * MAX_LEN, POS_DIM), dtype=jnp.float32) * 0.02
    pos2_table = jax.random.normal(k6, (2 * MAX_LEN, POS_DIM), dtype=jnp.float32) * 0.02
    return {"word": word, "pos1": pos1, "pos2": pos2,
            "word_table": word_table, "pos1_table": pos1_table, "pos2_table": pos2_table}

def reference(word, pos1, pos2, word_table, pos1_table, pos2_table):
    w = jnp.take(word_table, word, axis=0)
    p1 = jnp.take(pos1_table, pos1, axis=0)
    p2 = jnp.take(pos2_table, pos2, axis=0)
    x = jnp.concatenate([w, p1, p2], axis=2)
    return x

if __name__ == "__main__":
    import jax
    _d = setup_inputs()
    print(jax.jit(kernel)(*tuple(_d.values())))

</pallas_src>

<mosaic_0001>
#map = affine_map<(d0, d1) -> (0, 0)>
module attributes {stable_mosaic.version = 14 : i64} {
  func.func @_sc_embed(%arg0: i32, %arg1: i32, %arg2: memref<6400x128xi32, #tpu.memory_space<hbm>>, %arg3: memref<6400x128xi32, #tpu.memory_space<hbm>>, %arg4: memref<6400x128xi32, #tpu.memory_space<hbm>>, %arg5: memref<1000000x64xf32, #tpu.memory_space<hbm>>, %arg6: memref<400x32xf32, #tpu.memory_space<hbm>>, %arg7: memref<400x32xf32, #tpu.memory_space<hbm>>, %arg8: memref<819200x128xf32, #tpu.memory_space<hbm>>, %arg9: memref<100x128xi32, #tpu.memory_space<vmem>>, %arg10: memref<100x128xi32, #tpu.memory_space<vmem>>, %arg11: memref<100x128xi32, #tpu.memory_space<vmem>>, %arg12: memref<5x128x64xf32, #tpu.memory_space<vmem>>, %arg13: memref<5x128x32xf32, #tpu.memory_space<vmem>>, %arg14: memref<5x128x32xf32, #tpu.memory_space<vmem>>, %arg15: memref<!tpu.dma_semaphore, #tpu.memory_space<semaphore_mem>>, %arg16: memref<!tpu.dma_semaphore, #tpu.memory_space<semaphore_mem>>, %arg17: memref<!tpu.dma_semaphore, #tpu.memory_space<semaphore_mem>>, %arg18: memref<!tpu.dma_semaphore, #tpu.memory_space<semaphore_mem>>, %arg19: memref<!tpu.dma_semaphore, #tpu.memory_space<semaphore_mem>>, %arg20: memref<!tpu.dma_semaphore, #tpu.memory_space<semaphore_mem>>, %arg21: memref<!tpu.dma_semaphore, #tpu.memory_space<semaphore_mem>>, %arg22: memref<!tpu.dma_semaphore, #tpu.memory_space<semaphore_mem>>, %arg23: memref<!tpu.dma_semaphore, #tpu.memory_space<semaphore_mem>>, %arg24: memref<!tpu.dma_semaphore, #tpu.memory_space<semaphore_mem>>) attributes {dimension_semantics = [#tpu.dimension_semantics<core_parallel>, #tpu.dimension_semantics<subcore_parallel>], iteration_bounds = array<i64: 2, 16>, scalar_prefetch = 0 : i64, scratch_operands = 16 : i64, tpu.core_type = #tpu.core_type<sc_vector_subcore>, window_params = [{transform_indices = #map}, {transform_indices = #map}, {transform_indices = #map}, {transform_indices = #map}, {transform_indices = #map}, {transform_indices = #map}, {transform_indices = #map}]} {
    %mul3A = arith.constant 2 : i32
    %mul3A_0 = arith.muli %arg1, %mul3A : i32
    %add3A = arith.addi %mul3A_0, %arg0 : i32
    %mul3A_1 = arith.constant 200 : i32
    %mul3A_2 = arith.muli %add3A, %mul3A_1 : i32
    %add3A_3 = arith.constant 0 : i32
    %add3A_4 = arith.addi %mul3A_2, %add3A_3 : i32
    "tpu.region"() ({
      %run_scoped3A = tpu.sem_alloc : memref<!tpu.dma_semaphore, #tpu.memory_space<semaphore_mem>>
      %dma_start3A_404 = arith.constant 0 : i32
      %dma_start3A_405 = tpu.memref_slice %arg2[%add3A_4, %dma_start3A_404] : memref<6400x128xi32, #tpu.memory_space<hbm>> -> memref<100x128xi32, #tpu.memory_space<hbm>>
      %dma_start3A_406 = arith.constant 0 : i32
      %dma_start3A_407 = tpu.memref_slice %arg2[%add3A_4, %dma_start3A_406] : memref<6400x128xi32, #tpu.memory_space<hbm>> -> memref<100x128xi32, #tpu.memory_space<hbm>>
      tpu.enqueue_dma source(%dma_start3A_407 : memref<100x128xi32, #tpu.memory_space<hbm>>) target(%arg9 : memref<100x128xi32, #tpu.memory_space<vmem>>) target_semaphore(%run_scoped3A : memref<!tpu.dma_semaphore, #tpu.memory_space<semaphore_mem>>)
      %dma_wait3A_408 = arith.constant 0 : i32
      %dma_wait3A_409 = tpu.memref_slice %arg2[%add3A_4, %dma_wait3A_408] : memref<6400x128xi32, #tpu.memory_space<hbm>> -> memref<100x128xi32, #tpu.memory_space<hbm>>
      %dma_wait3A_410 = arith.constant 0 : i32
      %dma_wait3A_411 = tpu.memref_slice %arg2[%add3A_4, %dma_wait3A_410] : memref<6400x128xi32, #tpu.memory_space<hbm>> -> memref<100x128xi32, #tpu.memory_space<hbm>>
      tpu.wait_dma2 semaphore(%run_scoped3A : memref<!tpu.dma_semaphore, #tpu.memory_space<semaphore_mem>>) src(%dma_wait3A_411 : memref<100x128xi32, #tpu.memory_space<hbm>>) dst(%arg9 : memref<100x128xi32, #tpu.memory_space<vmem>>)
      tpu.yield
    }) : () -> ()
    %add3A_5 = arith.constant 0 : i32
    %add3A_6 = arith.addi %mul3A_2, %add3A_5 : i32
    "tpu.region"() ({
      %run_scoped3A = tpu.sem_alloc : memref<!tpu.dma_semaphore, #tpu.memory_space<semaphore_mem>>
      %dma_start3A_404 = arith.constant 0 : i32
      %dma_start3A_405 = tpu.memref_slice %arg3[%add3A_6, %dma_start3A_404] : memref<6400x128xi32, #tpu.memory_space<hbm>> -> memref<100x128xi32, #tpu.memory_space<hbm>>
      %dma_start3A_406 = arith.constant 0 : i32
      %dma_start3A_407 = tpu.memref_slice %arg3[%add3A_6, %dma_start3A_406] : memref<6400x128xi32, #tpu.memory_space<hbm>> -> memref<100x128xi32, #tpu.memory_space<hbm>>
      tpu.enqueue_dma source(%dma_start3A_407 : memref<100x128xi32, #tpu.memory_space<hbm>>) target(%arg10 : memref<100x128xi32, #tpu.memory_space<vmem>>) target_semaphore(%run_scoped3A : memref<!tpu.dma_semaphore, #tpu.memory_space<semaphore_mem>>)
      %dma_wait3A_408 = arith.constant 0 : i32
      %dma_wait3A_409 = tpu.memref_slice %arg3[%add3A_6, %dma_wait3A_408] : memref<6400x128xi32, #tpu.memory_space<hbm>> -> memref<100x128xi32, #tpu.memory_space<hbm>>
      %dma_wait3A_410 = arith.constant 0 : i32
      %dma_wait3A_411 = tpu.memref_slice %arg3[%add3A_6, %dma_wait3A_410] : memref<6400x128xi32, #tpu.memory_space<hbm>> -> memref<100x128xi32, #tpu.memory_space<hbm>>
      tpu.wait_dma2 semaphore(%run_scoped3A : memref<!tpu.dma_semaphore, #tpu.memory_space<semaphore_mem>>) src(%dma_wait3A_411 : memref<100x128xi32, #tpu.memory_space<hbm>>) dst(%arg10 : memref<100x128xi32, #tpu.memory_space<vmem>>)
      tpu.yield
    }) : () -> ()
    %add3A_7 = arith.constant 0 : i32
    %add3A_8 = arith.addi %mul3A_2, %add3A_7 : i32
    "tpu.region"() ({
      %run_scoped3A = tpu.sem_alloc : memref<!tpu.dma_semaphore, #tpu.memory_space<semaphore_mem>>
      %dma_start3A_404 = arith.constant 0 : i32
      %dma_start3A_405 = tpu.memref_slice %arg4[%add3A_8, %dma_start3A_404] : memref<6400x128xi32, #tpu.memory_space<hbm>> -> memref<100x128xi32, #tpu.memory_space<hbm>>
      %dma_start3A_406 = arith.constant 0 : i32
      %dma_start3A_407 = tpu.memref_slice %arg4[%add3A_8, %dma_start3A_406] : memref<6400x128xi32, #tpu.memory_space<hbm>> -> memref<100x128xi32, #tpu.memory_space<hbm>>
      tpu.enqueue_dma source(%dma_start3A_407 : memref<100x128xi32, #tpu.memory_space<hbm>>) target(%arg11 : memref<100x128xi32, #tpu.memory_space<vmem>>) target_semaphore(%run_scoped3A : memref<!tpu.dma_semaphore, #tpu.memory_space<semaphore_mem>>)
      %dma_wait3A_408 = arith.constant 0 : i32
      %dma_wait3A_409 = tpu.memref_slice %arg4[%add3A_8, %dma_wait3A_408] : memref<6400x128xi32, #tpu.memory_space<hbm>> -> memref<100x128xi32, #tpu.memory_space<hbm>>
      %dma_wait3A_410 = arith.constant 0 : i32
      %dma_wait3A_411 = tpu.memref_slice %arg4[%add3A_8, %dma_wait3A_410] : memref<6400x128xi32, #tpu.memory_space<hbm>> -> memref<100x128xi32, #tpu.memory_space<hbm>>
      tpu.wait_dma2 semaphore(%run_scoped3A : memref<!tpu.dma_semaphore, #tpu.memory_space<semaphore_mem>>) src(%dma_wait3A_411 : memref<100x128xi32, #tpu.memory_space<hbm>>) dst(%arg11 : memref<100x128xi32, #tpu.memory_space<vmem>>)
      tpu.yield
    }) : () -> ()
    %dma_start3A = arith.constant 0 : i32
    %dma_start3A_9 = arith.constant 0 : i32
    %dma_start3A_10 = arith.constant 0 : i32
    %dma_start3A_11 = arith.constant 0 : i32
    %dma_start3A_12 = tpu.memref_slice %arg12[%dma_start3A_9, %dma_start3A_10, %dma_start3A_11] : memref<5x128x64xf32, #tpu.memory_space<vmem>> -> memref<1x128x64xf32, #tpu.memory_space<vmem>>
    %dma_start3A_13 = tpu.memref_squeeze %dma_start3A_12 : memref<1x128x64xf32, #tpu.memory_space<vmem>> -> memref<128x64xf32, #tpu.memory_space<vmem>>
    %dma_start3A_14 = arith.constant 0 : i32
    %dma_start3A_15 = tpu.memref_slice %arg9[%dma_start3A, %dma_start3A_14] : memref<100x128xi32, #tpu.memory_space<vmem>> -> memref<1x128xi32, #tpu.memory_space<vmem>>
    %dma_start3A_16 = tpu.memref_squeeze %dma_start3A_15 : memref<1x128xi32, #tpu.memory_space<vmem>> -> memref<128xi32, #tpu.memory_space<vmem>>
    %dma_start3A_17 = arith.constant 0 : i32
    %dma_start3A_18 = arith.constant 0 : i32
    %dma_start3A_19 = tpu.memref_slice %arg5[%dma_start3A_17, %dma_start3A_18] : memref<1000000x64xf32, #tpu.memory_space<hbm>> -> memref<1000000x64xf32, #tpu.memory_space<hbm>>
    tpu.enqueue_indirect_dma source(%dma_start3A_19 : memref<1000000x64xf32, #tpu.memory_space<hbm>>) target(%dma_start3A_13 : memref<128x64xf32, #tpu.memory_space<vmem>>) offsets(%dma_start3A_16 : memref<128xi32, #tpu.memory_space<vmem>>) semaphore(%arg15 : memref<!tpu.dma_semaphore, #tpu.memory_space<semaphore_mem>>)
    %dma_start3A_20 = arith.constant 0 : i32
    %dma_start3A_21 = arith.constant 0 : i32
    %dma_start3A_22 = arith.constant 0 : i32
    %dma_start3A_23 = arith.constant 0 : i32
    %dma_start3A_24 = tpu.memref_slice %arg13[%dma_start3A_21, %dma_start3A_22, %dma_start3A_23] : memref<5x128x32xf32, #tpu.memory_space<vmem>> -> memref<1x128x32xf32, #tpu.memory_space<vmem>>
    %dma_start3A_25 = tpu.memref_squeeze %dma_start3A_24 : memref<1x128x32xf32, #tpu.memory_space<vmem>> -> memref<128x32xf32, #tpu.memory_space<vmem>>
    %dma_start3A_26 = arith.constant 0 : i32
    %dma_start3A_27 = tpu.memref_slice %arg10[%dma_start3A_20, %dma_start3A_26] : memref<100x128xi32, #tpu.memory_space<vmem>> -> memref<1x128xi32, #tpu.memory_space<vmem>>
    %dma_start3A_28 = tpu.memref_squeeze %dma_start3A_27 : memref<1x128xi32, #tpu.memory_space<vmem>> -> memref<128xi32, #tpu.memory_space<vmem>>
    %dma_start3A_29 = arith.constant 0 : i32
    %dma_start3A_30 = arith.constant 0 : i32
    %dma_start3A_31 = tpu.memref_slice %arg6[%dma_start3A_29, %dma_start3A_30] : memref<400x32xf32, #tpu.memory_space<hbm>> -> memref<400x32xf32, #tpu.memory_space<hbm>>
    tpu.enqueue_indirect_dma source(%dma_start3A_31 : memref<400x32xf32, #tpu.memory_space<hbm>>) target(%dma_start3A_25 : memref<128x32xf32, #tpu.memory_space<vmem>>) offsets(%dma_start3A_28 : memref<128xi32, #tpu.memory_space<vmem>>) semaphore(%arg15 : memref<!tpu.dma_semaphore, #tpu.memory_space<semaphore_mem>>)
    %dma_start3A_32 = arith.constant 0 : i32
    %dma_start3A_33 = arith.constant 0 : i32
    %dma_start3A_34 = arith.constant 0 : i32
    %dma_start3A_35 = arith.constant 0 : i32
    %dma_start3A_36 = tpu.memref_slice %arg14[%dma_start3A_33, %dma_start3A_34, %dma_start3A_35] : memref<5x128x32xf32, #tpu.memory_space<vmem>> -> memref<1x128x32xf32, #tpu.memory_space<vmem>>
    %dma_start3A_37 = tpu.memref_squeeze %dma_start3A_36 : memref<1x128x32xf32, #tpu.memory_space<vmem>> -> memref<128x32xf32, #tpu.memory_space<vmem>>
    %dma_start3A_38 = arith.constant 0 : i32
    %dma_start3A_39 = tpu.memref_slice %arg11[%dma_start3A_32, %dma_start3A_38] : memref<100x128xi32, #tpu.memory_space<vmem>> -> memref<1x128xi32, #tpu.memory_space<vmem>>
    %dma_start3A_40 = tpu.memref_squeeze %dma_start3A_39 : memref<1x128xi32, #tpu.memory_space<vmem>> -> memref<128xi32, #tpu.memory_space<vmem>>
    %dma_start3A_41 = arith.constant 0 : i32
    %dma_start3A_42 = arith.constant 0 : i32
    %dma_start3A_43 = tpu.memref_slice %arg7[%dma_start3A_41, %dma_start3A_42] : memref<400x32xf32, #tpu.memory_space<hbm>> -> memref<400x32xf32, #tpu.memory_space<hbm>>
    tpu.enqueue_indirect_dma source(%dma_start3A_43 : memref<400x32xf32, #tpu.memory_space<hbm>>) target(%dma_start3A_37 : memref<128x32xf32, #tpu.memory_space<vmem>>) offsets(%dma_start3A_40 : memref<128xi32, #tpu.memory_space<vmem>>) semaphore(%arg15 : memref<!tpu.dma_semaphore, #tpu.memory_space<semaphore_mem>>)
    %dma_start3A_44 = arith.constant 1 : i32
    %dma_start3A_45 = arith.constant 1 : i32
    %dma_start3A_46 = arith.constant 0 : i32
    %dma_start3A_47 = arith.constant 0 : i32
    %dma_start3A_48 = tpu.memref_slice %arg12[%dma_start3A_45, %dma_start3A_46, %dma_start3A_47] : memref<5x128x64xf32, #tpu.memory_space<vmem>> -> memref<1x128x64xf32, #tpu.memory_space<vmem>>
    %dma_start3A_49 = tpu.memref_squeeze %dma_start3A_48 : memref<1x128x64xf32, #tpu.memory_space<vmem>> -> memref<128x64xf32, #tpu.memory_space<vmem>>
    %dma_start3A_50 = arith.constant 0 : i32
    %dma_start3A_51 = tpu.memref_slice %arg9[%dma_start3A_44, %dma_start3A_50] : memref<100x128xi32, #tpu.memory_space<vmem>> -> memref<1x128xi32, #tpu.memory_space<vmem>>
    %dma_start3A_52 = tpu.memref_squeeze %dma_start3A_51 : memref<1x128xi32, #tpu.memory_space<vmem>> -> memref<128xi32, #tpu.memory_space<vmem>>
    %dma_start3A_53 = arith.constant 0 : i32
    %dma_start3A_54 = arith.constant 0 : i32
    %dma_start3A_55 = tpu.memref_slice %arg5[%dma_start3A_53, %dma_start3A_54] : memref<1000000x64xf32, #tpu.memory_space<hbm>> -> memref<1000000x64xf32, #tpu.memory_space<hbm>>
    tpu.enqueue_indirect_dma source(%dma_start3A_55 : memref<1000000x64xf32, #tpu.memory_space<hbm>>) target(%dma_start3A_49 : memref<128x64xf32, #tpu.memory_space<vmem>>) offsets(%dma_start3A_52 : memref<128xi32, #tpu.memory_space<vmem>>) semaphore(%arg16 : memref<!tpu.dma_semaphore, #tpu.memory_space<semaphore_mem>>)
    %dma_start3A_56 = arith.constant 1 : i32
    %dma_start3A_57 = arith.constant 1 : i32
    %dma_start3A_58 = arith.constant 0 : i32
    %dma_start3A_59 = arith.constant 0 : i32
    %dma_start3A_60 = tpu.memref_slice %arg13[%dma_start3A_57, %dma_start3A_58, %dma_start3A_59] : memref<5x128x32xf32, #tpu.memory_space<vmem>> -> memref<1x128x32xf32, #tpu.memory_space<vmem>>
    %dma_start3A_61 = tpu.memref_squeeze %dma_start3A_60 : memref<1x128x32xf32, #tpu.memory_space<vmem>> -> memref<128x32xf32, #tpu.memory_space<vmem>>
    %dma_start3A_62 = arith.constant 0 : i32
    %dma_start3A_63 = tpu.memref_slice %arg10[%dma_start3A_56, %dma_start3A_62] : memref<100x128xi32, #tpu.memory_space<vmem>> -> memref<1x128xi32, #tpu.memory_space<vmem>>
    %dma_start3A_64 = tpu.memref_squeeze %dma_start3A_63 : memref<1x128xi32, #tpu.memory_space<vmem>> -> memref<128xi32, #tpu.memory_space<vmem>>
    %dma_start3A_65 = arith.constant 0 : i32
    %dma_start3A_66 = arith.constant 0 : i32
    %dma_start3A_67 = tpu.memref_slice %arg6[%dma_start3A_65, %dma_start3A_66] : memref<400x32xf32, #tpu.memory_space<hbm>> -> memref<400x32xf32, #tpu.memory_space<hbm>>
    tpu.enqueue_indirect_dma source(%dma_start3A_67 : memref<400x32xf32, #tpu.memory_space<hbm>>) target(%dma_start3A_61 : memref<128x32xf32, #tpu.memory_space<vmem>>) offsets(%dma_start3A_64 : memref<128xi32, #tpu.memory_space<vmem>>) semaphore(%arg16 : memref<!tpu.dma_semaphore, #tpu.memory_space<semaphore_mem>>)
    %dma_start3A_68 = arith.constant 1 : i32
    %dma_start3A_69 = arith.constant 1 : i32
    %dma_start3A_70 = arith.constant 0 : i32
    %dma_start3A_71 = arith.constant 0 : i32
    %dma_start3A_72 = tpu.memref_slice %arg14[%dma_start3A_69, %dma_start3A_70, %dma_start3A_71] : memref<5x128x32xf32, #tpu.memory_space<vmem>> -> memref<1x128x32xf32, #tpu.memory_space<vmem>>
    %dma_start3A_73 = tpu.memref_squeeze %dma_start3A_72 : memref<1x128x32xf32, #tpu.memory_space<vmem>> -> memref<128x32xf32, #tpu.memory_space<vmem>>
    %dma_start3A_74 = arith.constant 0 : i32
    %dma_start3A_75 = tpu.memref_slice %arg11[%dma_start3A_68, %dma_start3A_74] : memref<100x128xi32, #tpu.memory_space<vmem>> -> memref<1x128xi32, #tpu.memory_space<vmem>>
    %dma_start3A_76 = tpu.memref_squeeze %dma_start3A_75 : memref<1x128xi32, #tpu.memory_space<vmem>> -> memref<128xi32, #tpu.memory_space<vmem>>
    %dma_start3A_77 = arith.constant 0 : i32
    %dma_start3A_78 = arith.constant 0 : i32
    %dma_start3A_79 = tpu.memref_slice %arg7[%dma_start3A_77, %dma_start3A_78] : memref<400x32xf32, #tpu.memory_space<hbm>> -> memref<400x32xf32, #tpu.memory_space<hbm>>
    tpu.enqueue_indirect_dma source(%dma_start3A_79 : memref<400x32xf32, #tpu.memory_space<hbm>>) target(%dma_start3A_73 : memref<128x32xf32, #tpu.memory_space<vmem>>) offsets(%dma_start3A_76 : memref<128xi32, #tpu.memory_space<vmem>>) semaphore(%arg16 : memref<!tpu.dma_semaphore, #tpu.memory_space<semaphore_mem>>)
    %dma_start3A_80 = arith.constant 2 : i32
    %dma_start3A_81 = arith.constant 2 : i32
    %dma_start3A_82 = arith.constant 0 : i32
    %dma_start3A_83 = arith.constant 0 : i32
    %dma_start3A_84 = tpu.memref_slice %arg12[%dma_start3A_81, %dma_start3A_82, %dma_start3A_83] : memref<5x128x64xf32, #tpu.memory_space<vmem>> -> memref<1x128x64xf32, #tpu.memory_space<vmem>>
    %dma_start3A_85 = tpu.memref_squeeze %dma_start3A_84 : memref<1x128x64xf32, #tpu.memory_space<vmem>> -> memref<128x64xf32, #tpu.memory_space<vmem>>
    %dma_start3A_86 = arith.constant 0 : i32
    %dma_start3A_87 = tpu.memref_slice %arg9[%dma_start3A_80, %dma_start3A_86] : memref<100x128xi32, #tpu.memory_space<vmem>> -> memref<1x128xi32, #tpu.memory_space<vmem>>
    %dma_start3A_88 = tpu.memref_squeeze %dma_start3A_87 : memref<1x128xi32, #tpu.memory_space<vmem>> -> memref<128xi32, #tpu.memory_space<vmem>>
    %dma_start3A_89 = arith.constant 0 : i32
    %dma_start3A_90 = arith.constant 0 : i32
    %dma_start3A_91 = tpu.memref_slice %arg5[%dma_start3A_89, %dma_start3A_90] : memref<1000000x64xf32, #tpu.memory_space<hbm>> -> memref<1000000x64xf32, #tpu.memory_space<hbm>>
    tpu.enqueue_indirect_dma source(%dma_start3A_91 : memref<1000000x64xf32, #tpu.memory_space<hbm>>) target(%dma_start3A_85 : memref<128x64xf32, #tpu.memory_space<vmem>>) offsets(%dma_start3A_88 : memref<128xi32, #tpu.memory_space<vmem>>) semaphore(%arg17 : memref<!tpu.dma_semaphore, #tpu.memory_space<semaphore_mem>>)
    %dma_start3A_92 = arith.constant 2 : i32
    %dma_start3A_93 = arith.constant 2 : i32
    %dma_start3A_94 = arith.constant 0 : i32
    %dma_start3A_95 = arith.constant 0 : i32
    %dma_start3A_96 = tpu.memref_slice %arg13[%dma_start3A_93, %dma_start3A_94, %dma_start3A_95] : memref<5x128x32xf32, #tpu.memory_space<vmem>> -> memref<1x128x32xf32, #tpu.memory_space<vmem>>
    %dma_start3A_97 = tpu.memref_squeeze %dma_start3A_96 : memref<1x128x32xf32, #tpu.memory_space<vmem>> -> memref<128x32xf32, #tpu.memory_space<vmem>>
    %dma_start3A_98 = arith.constant 0 : i32
    %dma_start3A_99 = tpu.memref_slice %arg10[%dma_start3A_92, %dma_start3A_98] : memref<100x128xi32, #tpu.memory_space<vmem>> -> memref<1x128xi32, #tpu.memory_space<vmem>>
    %dma_start3A_100 = tpu.memref_squeeze %dma_start3A_99 : memref<1x128xi32, #tpu.memory_space<vmem>> -> memref<128xi32, #tpu.memory_space<vmem>>
    %dma_start3A_101 = arith.constant 0 : i32
    %dma_start3A_102 = arith.constant 0 : i32
    %dma_start3A_103 = tpu.memref_slice %arg6[%dma_start3A_101, %dma_start3A_102] : memref<400x32xf32, #tpu.memory_space<hbm>> -> memref<400x32xf32, #tpu.memory_space<hbm>>
    tpu.enqueue_indirect_dma source(%dma_start3A_103 : memref<400x32xf32, #tpu.memory_space<hbm>>) target(%dma_start3A_97 : memref<128x32xf32, #tpu.memory_space<vmem>>) offsets(%dma_start3A_100 : memref<128xi32, #tpu.memory_space<vmem>>) semaphore(%arg17 : memref<!tpu.dma_semaphore, #tpu.memory_space<semaphore_mem>>)
    %dma_start3A_104 = arith.constant 2 : i32
    %dma_start3A_105 = arith.constant 2 : i32
    %dma_start3A_106 = arith.constant 0 : i32
    %dma_start3A_107 = arith.constant 0 : i32
    %dma_start3A_108 = tpu.memref_slice %arg14[%dma_start3A_105, %dma_start3A_106, %dma_start3A_107] : memref<5x128x32xf32, #tpu.memory_space<vmem>> -> memref<1x128x32xf32, #tpu.memory_space<vmem>>
    %dma_start3A_109 = tpu.memref_squeeze %dma_start3A_108 : memref<1x128x32xf32, #tpu.memory_space<vmem>> -> memref<128x32xf32, #tpu.memory_space<vmem>>
    %dma_start3A_110 = arith.constant 0 : i32
    %dma_start3A_111 = tpu.memref_slice %arg11[%dma_start3A_104, %dma_start3A_110] : memref<100x128xi32, #tpu.memory_space<vmem>> -> memref<1x128xi32, #tpu.memory_space<vmem>>
    %dma_start3A_112 = tpu.memref_squeeze %dma_start3A_111 : memref<1x128xi32, #tpu.memory_space<vmem>> -> memref<128xi32, #tpu.memory_space<vmem>>
    %dma_start3A_113 = arith.constant 0 : i32
    %dma_start3A_114 = arith.constant 0 : i32
    %dma_start3A_115 = tpu.memref_slice %arg7[%dma_start3A_113, %dma_start3A_114] : memref<400x32xf32, #tpu.memory_space<hbm>> -> memref<400x32xf32, #tpu.memory_space<hbm>>
    tpu.enqueue_indirect_dma source(%dma_start3A_115 : memref<400x32xf32, #tpu.memory_space<hbm>>) target(%dma_start3A_109 : memref<128x32xf32, #tpu.memory_space<vmem>>) offsets(%dma_start3A_112 : memref<128xi32, #tpu.memory_space<vmem>>) semaphore(%arg17 : memref<!tpu.dma_semaphore, #tpu.memory_space<semaphore_mem>>)
    %scan3A = arith.constant 0 : i32
    %scan3A_116 = arith.constant 0 : i32
    %scan3A_117 = arith.constant 20 : i32
    %scan3A_118 = arith.addi %scan3A_116, %scan3A_117 : i32
    %scan3A_119 = arith.constant 1 : i32
    scf.for %scan3A_404 = %scan3A_116 to %scan3A_118 step %scan3A_119  : i32 {
      %mul3A_405 = arith.constant 5 : i32
      %mul3A_406 = arith.muli %scan3A_404, %mul3A_405 : i32
      %add3A_407 = arith.constant 0 : i32
      %add3A_408 = arith.addi %mul3A_406, %add3A_407 : i32
      %dma_wait3A_409 = arith.constant 0 : i32
      %dma_wait3A_410 = arith.constant 0 : i32
      %dma_wait3A_411 = arith.constant 0 : i32
      %dma_wait3A_412 = tpu.memref_slice %arg12[%dma_wait3A_409, %dma_wait3A_410, %dma_wait3A_411] : memref<5x128x64xf32, #tpu.memory_space<vmem>> -> memref<1x128x64xf32, #tpu.memory_space<vmem>>
      %dma_wait3A_413 = tpu.memref_squeeze %dma_wait3A_412 : memref<1x128x64xf32, #tpu.memory_space<vmem>> -> memref<128x64xf32, #tpu.memory_space<vmem>>
      %dma_wait3A_414 = arith.constant 0 : i32
      %dma_wait3A_415 = arith.constant 0 : i32
      %dma_wait3A_416 = tpu.memref_slice %arg5[%dma_wait3A_414, %dma_wait3A_415] : memref<1000000x64xf32, #tpu.memory_space<hbm>> -> memref<128x64xf32, #tpu.memory_space<hbm>>
      %dma_wait3A_417 = arith.constant 0 : i32
      %dma_wait3A_418 = arith.constant 0 : i32
      %dma_wait3A_419 = tpu.memref_slice %arg12[%dma_wait3A_409, %dma_wait3A_417, %dma_wait3A_418] : memref<5x128x64xf32, #tpu.memory_space<vmem>> -> memref<1x128x64xf32, #tpu.memory_space<vmem>>
      %dma_wait3A_420 = tpu.memref_squeeze %dma_wait3A_419 : memref<1x128x64xf32, #tpu.memory_space<vmem>> -> memref<128x64xf32, #tpu.memory_space<vmem>>
      %dma_wait3A_421 = arith.constant 0 : i32
      %dma_wait3A_422 = arith.constant 0 : i32
      %dma_wait3A_423 = tpu.memref_slice %arg5[%dma_wait3A_421, %dma_wait3A_422] : memref<1000000x64xf32, #tpu.memory_space<hbm>> -> memref<128x64xf32, #tpu.memory_space<hbm>>
      tpu.wait_dma2 semaphore(%arg15 : memref<!tpu.dma_semaphore, #tpu.memory_space<semaphore_mem>>) src(%dma_wait3A_423 : memref<128x64xf32, #tpu.memory_space<hbm>>) dst(%dma_wait3A_420 : memref<128x64xf32, #tpu.memory_space<vmem>>)
      %dma_wait3A_424 = arith.constant 0 : i32
      %dma_wait3A_425 = arith.constant 0 : i32
      %dma_wait3A_426 = arith.constant 0 : i32
      %dma_wait3A_427 = tpu.memref_slice %arg13[%dma_wait3A_424, %dma_wait3A_425, %dma_wait3A_426] : memref<5x128x32xf32, #tpu.memory_space<vmem>> -> memref<1x128x32xf32, #tpu.memory_space<vmem>>
      %dma_wait3A_428 = tpu.memref_squeeze %dma_wait3A_427 : memref<1x128x32xf32, #tpu.memory_space<vmem>> -> memref<128x32xf32, #tpu.memory_space<vmem>>
      %dma_wait3A_429 = arith.constant 0 : i32
      %dma_wait3A_430 = arith.constant 0 : i32
      %dma_wait3A_431 = tpu.memref_slice %arg6[%dma_wait3A_429, %dma_wait3A_430] : memref<400x32xf32, #tpu.memory_space<hbm>> -> memref<128x32xf32, #tpu.memory_space<hbm>>
      %dma_wait3A_432 = arith.constant 0 : i32
      %dma_wait3A_433 = arith.constant 0 : i32
      %dma_wait3A_434 = tpu.memref_slice %arg13[%dma_wait3A_424, %dma_wait3A_432, %dma_wait3A_433] : memref<5x128x32xf32, #tpu.memory_space<vmem>> -> memref<1x128x32xf32, #tpu.memory_space<vmem>>
      %dma_wait3A_435 = tpu.memref_squeeze %dma_wait3A_434 : memref<1x128x32xf32, #tpu.memory_space<vmem>> -> memref<128x32xf32, #tpu.memory_space<vmem>>
      %dma_wait3A_436 = arith.constant 0 : i32
      %dma_wait3A_437 = arith.constant 0 : i32
      %dma_wait3A_438 = tpu.memref_slice %arg6[%dma_wait3A_436, %dma_wait3A_437] : memref<400x32xf32, #tpu.memory_space<hbm>> -> memref<128x32xf32, #tpu.memory_space<hbm>>
      tpu.wait_dma2 semaphore(%arg15 : memref<!tpu.dma_semaphore, #tpu.memory_space<semaphore_mem>>) src(%dma_wait3A_438 : memref<128x32xf32, #tpu.memory_space<hbm>>) dst(%dma_wait3A_435 : memref<128x32xf32, #tpu.memory_space<vmem>>)
      %dma_wait3A_439 = arith.constant 0 : i32
      %dma_wait3A_440 = arith.constant 0 : i32
      %dma_wait3A_441 = arith.constant 0 : i32
      %dma_wait3A_442 = tpu.memref_slice %arg14[%dma_wait3A_439, %dma_wait3A_440, %dma_wait3A_441] : memref<5x128x32xf32, #tpu.memory_space<vmem>> -> memref<1x128x32xf32, #tpu.memory_space<vmem>>
      %dma_wait3A_443 = tpu.memref_squeeze %dma_wait3A_442 : memref<1x128x32xf32, #tpu.memory_space<vmem>> -> memref<128x32xf32, #tpu.memory_space<vmem>>
      %dma_wait3A_444 = arith.constant 0 : i32
      %dma_wait3A_445 = arith.constant 0 : i32
      %dma_wait3A_446 = tpu.memref_slice %arg7[%dma_wait3A_444, %dma_wait3A_445] : memref<400x32xf32, #tpu.memory_space<hbm>> -> memref<128x32xf32, #tpu.memory_space<hbm>>
      %dma_wait3A_447 = arith.constant 0 : i32
      %dma_wait3A_448 = arith.constant 0 : i32
      %dma_wait3A_449 = tpu.memref_slice %arg14[%dma_wait3A_439, %dma_wait3A_447, %dma_wait3A_448] : memref<5x128x32xf32, #tpu.memory_space<vmem>> -> memref<1x128x32xf32, #tpu.memory_space<vmem>>
      %dma_wait3A_450 = tpu.memref_squeeze %dma_wait3A_449 : memref<1x128x32xf32, #tpu.memory_space<vmem>> -> memref<128x32xf32, #tpu.memory_space<vmem>>
      %dma_wait3A_451 = arith.constant 0 : i32
      %dma_wait3A_452 = arith.constant 0 : i32
      %dma_wait3A_453 = tpu.memref_slice %arg7[%dma_wait3A_451, %dma_wait3A_452] : memref<400x32xf32, #tpu.memory_space<hbm>> -> memref<128x32xf32, #tpu.memory_space<hbm>>
      tpu.wait_dma2 semaphore(%arg15 : memref<!tpu.dma_semaphore, #tpu.memory_space<semaphore_mem>>) src(%dma_wait3A_453 : memref<128x32xf32, #tpu.memory_space<hbm>>) dst(%dma_wait3A_450 : memref<128x32xf32, #tpu.memory_space<vmem>>)
      %add3A_454 = arith.constant 0 : i32
      %add3A_455 = arith.addi %mul3A_2, %add3A_454 : i32
      %add3A_456 = arith.addi %add3A_455, %add3A_408 : i32
      %mul3A_457 = arith.constant 128 : i32
      %mul3A_458 = arith.muli %add3A_456, %mul3A_457 : i32
      %dma_start3A_459 = arith.constant 0 : i32
      %dma_start3A_460 = arith.constant 0 : i32
      %dma_start3A_461 = arith.constant 0 : i32
      %dma_start3A_462 = tpu.memref_slice %arg12[%dma_start3A_459, %dma_start3A_460, %dma_start3A_461] : memref<5x128x64xf32, #tpu.memory_space<vmem>> -> memref<1x128x64xf32, #tpu.memory_space<vmem>>
      %dma_start3A_463 = tpu.memref_squeeze %dma_start3A_462 : memref<1x128x64xf32, #tpu.memory_space<vmem>> -> memref<128x64xf32, #tpu.memory_space<vmem>>
      %dma_start3A_464 = arith.constant 0 : i32
      %dma_start3A_465 = tpu.memref_slice %arg8[%mul3A_458, %dma_start3A_464] : memref<819200x128xf32, #tpu.memory_space<hbm>> -> memref<128x64xf32, #tpu.memory_space<hbm>>
      %dma_start3A_466 = arith.constant 0 : i32
      %dma_start3A_467 = tpu.memref_slice %arg8[%mul3A_458, %dma_start3A_466] : memref<819200x128xf32, #tpu.memory_space<hbm>> -> memref<128x64xf32, #tpu.memory_space<hbm>>
      %dma_start3A_468 = arith.constant 0 : i32
      %dma_start3A_469 = arith.constant 0 : i32
      %dma_start3A_470 = tpu.memref_slice %arg12[%dma_start3A_459, %dma_start3A_468, %dma_start3A_469] : memref<5x128x64xf32, #tpu.memory_space<vmem>> -> memref<1x128x64xf32, #tpu.memory_space<vmem>>
      %dma_start3A_471 = tpu.memref_squeeze %dma_start3A_470 : memref<1x128x64xf32, #tpu.memory_space<vmem>> -> memref<128x64xf32, #tpu.memory_space<vmem>>
      tpu.enqueue_dma source(%dma_start3A_471 : memref<128x64xf32, #tpu.memory_space<vmem>>) target(%dma_start3A_467 : memref<128x64xf32, #tpu.memory_space<hbm>>) target_semaphore(%arg20 : memref<!tpu.dma_semaphore, #tpu.memory_space<semaphore_mem>>)
      %dma_start3A_472 = arith.constant 0 : i32
      %dma_start3A_473 = arith.constant 0 : i32
      %dma_start3A_474 = arith.constant 0 : i32
      %dma_start3A_475 = tpu.memref_slice %arg13[%dma_start3A_472, %dma_start3A_473, %dma_start3A_474] : memref<5x128x32xf32, #tpu.memory_space<vmem>> -> memref<1x128x32xf32, #tpu.memory_space<vmem>>
      %dma_start3A_476 = tpu.memref_squeeze %dma_start3A_475 : memref<1x128x32xf32, #tpu.memory_space<vmem>> -> memref<128x32xf32, #tpu.memory_space<vmem>>
      %dma_start3A_477 = arith.constant 64 : i32
      %dma_start3A_478 = tpu.memref_slice %arg8[%mul3A_458, %dma_start3A_477] : memref<819200x128xf32, #tpu.memory_space<hbm>> -> memref<128x32xf32, #tpu.memory_space<hbm>>
      %dma_start3A_479 = arith.constant 64 : i32
      %dma_start3A_480 = tpu.memref_slice %arg8[%mul3A_458, %dma_start3A_479] : memref<819200x128xf32, #tpu.memory_space<hbm>> -> memref<128x32xf32, #tpu.memory_space<hbm>>
      %dma_start3A_481 = arith.constant 0 : i32
      %dma_start3A_482 = arith.constant 0 : i32
      %dma_start3A_483 = tpu.memref_slice %arg13[%dma_start3A_472, %dma_start3A_481, %dma_start3A_482] : memref<5x128x32xf32, #tpu.memory_space<vmem>> -> memref<1x128x32xf32, #tpu.memory_space<vmem>>
      %dma_start3A_484 = tpu.memref_squeeze %dma_start3A_483 : memref<1x128x32xf32, #tpu.memory_space<vmem>> -> memref<128x32xf32, #tpu.memory_space<vmem>>
      tpu.enqueue_dma source(%dma_start3A_484 : memref<128x32xf32, #tpu.memory_space<vmem>>) target(%dma_start3A_480 : memref<128x32xf32, #tpu.memory_space<hbm>>) target_semaphore(%arg20 : memref<!tpu.dma_semaphore, #tpu.memory_space<semaphore_mem>>)
      %dma_start3A_485 = arith.constant 0 : i32
      %dma_start3A_486 = arith.constant 0 : i32
      %dma_start3A_487 = arith.constant 0 : i32
      %dma_start3A_488 = tpu.memref_slice %arg14[%dma_start3A_485, %dma_start3A_486, %dma_start3A_487] : memref<5x128x32xf32, #tpu.memory_space<vmem>> -> memref<1x128x32xf32, #tpu.memory_space<vmem>>
      %dma_start3A_489 = tpu.memref_squeeze %dma_start3A_488 : memref<1x128x32xf32, #tpu.memory_space<vmem>> -> memref<128x32xf32, #tpu.memory_space<vmem>>
      %dma_start3A_490 = arith.constant 96 : i32
      %dma_start3A_491 = tpu.memref_slice %arg8[%mul3A_458, %dma_start3A_490] : memref<819200x128xf32, #tpu.memory_space<hbm>> -> memref<128x32xf32, #tpu.memory_space<hbm>>
      %dma_start3A_492 = arith.constant 96 : i32
      %dma_start3A_493 = tpu.memref_slice %arg8[%mul3A_458, %dma_start3A_492] : memref<819200x128xf32, #tpu.memory_space<hbm>> -> memref<128x32xf32, #tpu.memory_space<hbm>>
      %dma_start3A_494 = arith.constant 0 : i32
      %dma_start3A_495 = arith.constant 0 : i32
      %dma_start3A_496 = tpu.memref_slice %arg14[%dma_start3A_485, %dma_start3A_494, %dma_start3A_495] : memref<5x128x32xf32, #tpu.memory_space<vmem>> -> memref<1x128x32xf32, #tpu.memory_space<vmem>>
      %dma_start3A_497 = tpu.memref_squeeze %dma_start3A_496 : memref<1x128x32xf32, #tpu.memory_space<vmem>> -> memref<128x32xf32, #tpu.memory_space<vmem>>
      tpu.enqueue_dma source(%dma_start3A_497 : memref<128x32xf32, #tpu.memory_space<vmem>>) target(%dma_start3A_493 : memref<128x32xf32, #tpu.memory_space<hbm>>) target_semaphore(%arg20 : memref<!tpu.dma_semaphore, #tpu.memory_space<semaphore_mem>>)
      %ge3A = arith.constant 2 : i32
      %ge3A_498 = arith.cmpi sge, %add3A_408, %ge3A : i32
      %convert_element_type3A = arith.extui %ge3A_498 : i1 to i32
      %cond3A = arith.constant 0 : i32
      %cond3A_499 = arith.cmpi ne, %convert_element_type3A, %cond3A : i32
      scf.if %cond3A_499 {
        %mul3A_918 = arith.constant 128 : i32
        %mul3A_919 = arith.muli %mul3A_2, %mul3A_918 : i32
        %dma_wait3A_920 = arith.constant 3 : i32
        %dma_wait3A_921 = arith.constant 0 : i32
        %dma_wait3A_922 = arith.constant 0 : i32
        %dma_wait3A_923 = tpu.memref_slice %arg12[%dma_wait3A_920, %dma_wait3A_921, %dma_wait3A_922] : memref<5x128x64xf32, #tpu.memory_space<vmem>> -> memref<1x128x64xf32, #tpu.memory_space<vmem>>
        %dma_wait3A_924 = tpu.memref_squeeze %dma_wait3A_923 : memref<1x128x64xf32, #tpu.memory_space<vmem>> -> memref<128x64xf32, #tpu.memory_space<vmem>>
        %dma_wait3A_925 = arith.constant 0 : i32
        %dma_wait3A_926 = tpu.memref_slice %arg8[%mul3A_919, %dma_wait3A_925] : memref<819200x128xf32, #tpu.memory_space<hbm>> -> memref<128x64xf32, #tpu.memory_space<hbm>>
        %dma_wait3A_927 = arith.constant 0 : i32
        %dma_wait3A_928 = tpu.memref_slice %arg8[%mul3A_919, %dma_wait3A_927] : memref<819200x128xf32, #tpu.memory_space<hbm>> -> memref<128x64xf32, #tpu.memory_space<hbm>>
        %dma_wait3A_929 = arith.constant 0 : i32
        %dma_wait3A_930 = arith.constant 0 : i32
        %dma_wait3A_931 = tpu.memref_slice %arg12[%dma_wait3A_920, %dma_wait3A_929, %dma_wait3A_930] : memref<5x128x64xf32, #tpu.memory_space<vmem>> -> memref<1x128x64xf32, #tpu.memory_space<vmem>>
        %dma_wait3A_932 = tpu.memref_squeeze %dma_wait3A_931 : memref<1x128x64xf32, #tpu.memory_space<vmem>> -> memref<128x64xf32, #tpu.memory_space<vmem>>
        tpu.wait_dma2 semaphore(%arg23 : memref<!tpu.dma_semaphore, #tpu.memory_space<semaphore_mem>>) src(%dma_wait3A_932 : memref<128x64xf32, #tpu.memory_space<vmem>>) dst(%dma_wait3A_928 : memref<128x64xf32, #tpu.memory_space<hbm>>)
        %dma_wait3A_933 = arith.constant 3 : i32
        %dma_wait3A_934 = arith.constant 0 : i32
        %dma_wait3A_935 = arith.constant 0 : i32
        %dma_wait3A_936 = tpu.memref_slice %arg13[%dma_wait3A_933, %dma_wait3A_934, %dma_wait3A_935] : memref<5x128x32xf32, #tpu.memory_space<vmem>> -> memref<1x128x32xf32, #tpu.memory_space<vmem>>
        %dma_wait3A_937 = tpu.memref_squeeze %dma_wait3A_936 : memref<1x128x32xf32, #tpu.memory_space<vmem>> -> memref<128x32xf32, #tpu.memory_space<vmem>>
        %dma_wait3A_938 = arith.constant 64 : i32
        %dma_wait3A_939 = tpu.memref_slice %arg8[%mul3A_919, %dma_wait3A_938] : memref<819200x128xf32, #tpu.memory_space<hbm>> -> memref<128x32xf32, #tpu.memory_space<hbm>>
        %dma_wait3A_940 = arith.constant 64 : i32
        %dma_wait3A_941 = tpu.memref_slice %arg8[%mul3A_919, %dma_wait3A_940] : memref<819200x128xf32, #tpu.memory_space<hbm>> -> memref<128x32xf32, #tpu.memory_space<hbm>>
        %dma_wait3A_942 = arith.constant 0 : i32
        %dma_wait3A_943 = arith.constant 0 : i32
        %dma_wait3A_944 = tpu.memref_slice %arg13[%dma_wait3A_933, %dma_wait3A_942, %dma_wait3A_943] : memref<5x128x32xf32, #tpu.memory_space<vmem>> -> memref<1x128x32xf32, #tpu.memory_space<vmem>>
        %dma_wait3A_945 = tpu.memref_squeeze %dma_wait3A_944 : memref<1x128x32xf32, #tpu.memory_space<vmem>> -> memref<128x32xf32, #tpu.memory_space<vmem>>
        tpu.wait_dma2 semaphore(%arg23 : memref<!tpu.dma_semaphore, #tpu.memory_space<semaphore_mem>>) src(%dma_wait3A_945 : memref<128x32xf32, #tpu.memory_space<vmem>>) dst(%dma_wait3A_941 : memref<128x32xf32, #tpu.memory_space<hbm>>)
        %dma_wait3A_946 = arith.constant 3 : i32
        %dma_wait3A_947 = arith.constant 0 : i32
        %dma_wait3A_948 = arith.constant 0 : i32
        %dma_wait3A_949 = tpu.memref_slice %arg14[%dma_wait3A_946, %dma_wait3A_947, %dma_wait3A_948] : memref<5x128x32xf32, #tpu.memory_space<vmem>> -> memref<1x128x32xf32, #tpu.memory_space<vmem>>
        %dma_wait3A_950 = tpu.memref_squeeze %dma_wait3A_949 : memref<1x128x32xf32, #tpu.memory_space<vmem>> -> memref<128x32xf32, #tpu.memory_space<vmem>>
        %dma_wait3A_951 = arith.constant 96 : i32
        %dma_wait3A_952 = tpu.memref_slice %arg8[%mul3A_919, %dma_wait3A_951] : memref<819200x128xf32, #tpu.memory_space<hbm>> -> memref<128x32xf32, #tpu.memory_space<hbm>>
        %dma_wait3A_953 = arith.constant 96 : i32
        %dma_wait3A_954 = tpu.memref_slice %arg8[%mul3A_919, %dma_wait3A_953] : memref<819200x128xf32, #tpu.memory_space<hbm>> -> memref<128x32xf32, #tpu.memory_space<hbm>>
        %dma_wait3A_955 = arith.constant 0 : i32
        %dma_wait3A_956 = arith.constant 0 : i32
        %dma_wait3A_957 = tpu.memref_slice %arg14[%dma_wait3A_946, %dma_wait3A_955, %dma_wait3A_956] : memref<5x128x32xf32, #tpu.memory_space<vmem>> -> memref<1x128x32xf32, #tpu.memory_space<vmem>>
        %dma_wait3A_958 = tpu.memref_squeeze %dma_wait3A_957 : memref<1x128x32xf32, #tpu.memory_space<vmem>> -> memref<128x32xf32, #tpu.memory_space<vmem>>
        tpu.wait_dma2 semaphore(%arg23 : memref<!tpu.dma_semaphore, #tpu.memory_space<semaphore_mem>>) src(%dma_wait3A_958 : memref<128x32xf32, #tpu.memory_space<vmem>>) dst(%dma_wait3A_954 : memref<128x32xf32, #tpu.memory_space<hbm>>)
      } else {
      }
      %add3A_500 = arith.constant 3 : i32
      %add3A_501 = arith.addi %add3A_408, %add3A_500 : i32
      %lt3A = arith.constant 100 : i32
      %lt3A_502 = arith.cmpi slt, %add3A_501, %lt3A : i32
      %convert_element_type3A_503 = arith.extui %lt3A_502 : i1 to i32
      %cond3A_504 = arith.constant 0 : i32
      %cond3A_505 = arith.cmpi ne, %convert_element_type3A_503, %cond3A_504 : i32
      scf.if %cond3A_505 {
        %add3A_918 = arith.constant 3 : i32
        %add3A_919 = arith.addi %add3A_408, %add3A_918 : i32
        %dma_start3A_920 = arith.constant 3 : i32
        %dma_start3A_921 = arith.constant 0 : i32
        %dma_start3A_922 = arith.constant 0 : i32
        %dma_start3A_923 = tpu.memref_slice %arg12[%dma_start3A_920, %dma_start3A_921, %dma_start3A_922] : memref<5x128x64xf32, #tpu.memory_space<vmem>> -> memref<1x128x64xf32, #tpu.memory_space<vmem>>
        %dma_start3A_924 = tpu.memref_squeeze %dma_start3A_923 : memref<1x128x64xf32, #tpu.memory_space<vmem>> -> memref<128x64xf32, #tpu.memory_space<vmem>>
        %dma_start3A_925 = arith.constant 0 : i32
        %dma_start3A_926 = tpu.memref_slice %arg9[%add3A_919, %dma_start3A_925] : memref<100x128xi32, #tpu.memory_space<vmem>> -> memref<1x128xi32, #tpu.memory_space<vmem>>
        %dma_start3A_927 = tpu.memref_squeeze %dma_start3A_926 : memref<1x128xi32, #tpu.memory_space<vmem>> -> memref<128xi32, #tpu.memory_space<vmem>>
        %dma_start3A_928 = arith.constant 0 : i32
        %dma_start3A_929 = arith.constant 0 : i32
        %dma_start3A_930 = tpu.memref_slice %arg5[%dma_start3A_928, %dma_start3A_929] : memref<1000000x64xf32, #tpu.memory_space<hbm>> -> memref<1000000x64xf32, #tpu.memory_space<hbm>>
        tpu.enqueue_indirect_dma source(%dma_start3A_930 : memref<1000000x64xf32, #tpu.memory_space<hbm>>) target(%dma_start3A_924 : memref<128x64xf32, #tpu.memory_space<vmem>>) offsets(%dma_start3A_927 : memref<128xi32, #tpu.memory_space<vmem>>) semaphore(%arg18 : memref<!tpu.dma_semaphore, #tpu.memory_space<semaphore_mem>>)
        %dma_start3A_931 = arith.constant 3 : i32
        %dma_start3A_932 = arith.constant 0 : i32
        %dma_start3A_933 = arith.constant 0 : i32
        %dma_start3A_934 = tpu.memref_slice %arg13[%dma_start3A_931, %dma_start3A_932, %dma_start3A_933] : memref<5x128x32xf32, #tpu.memory_space<vmem>> -> memref<1x128x32xf32, #tpu.memory_space<vmem>>
        %dma_start3A_935 = tpu.memref_squeeze %dma_start3A_934 : memref<1x128x32xf32, #tpu.memory_space<vmem>> -> memref<128x32xf32, #tpu.memory_space<vmem>>
        %dma_start3A_936 = arith.constant 0 : i32
        %dma_start3A_937 = tpu.memref_slice %arg10[%add3A_919, %dma_start3A_936] : memref<100x128xi32, #tpu.memory_space<vmem>> -> memref<1x128xi32, #tpu.memory_space<vmem>>
        %dma_start3A_938 = tpu.memref_squeeze %dma_start3A_937 : memref<1x128xi32, #tpu.memory_space<vmem>> -> memref<128xi32, #tpu.memory_space<vmem>>
        %dma_start3A_939 = arith.constant 0 : i32
        %dma_start3A_940 = arith.constant 0 : i32
        %dma_start3A_941 = tpu.memref_slice %arg6[%dma_start3A_939, %dma_start3A_940] : memref<400x32xf32, #tpu.memory_space<hbm>> -> memref<400x32xf32, #tpu.memory_space<hbm>>
        tpu.enqueue_indirect_dma source(%dma_start3A_941 : memref<400x32xf32, #tpu.memory_space<hbm>>) target(%dma_start3A_935 : memref<128x32xf32, #tpu.memory_space<vmem>>) offsets(%dma_start3A_938 : memref<128xi32, #tpu.memory_space<vmem>>) semaphore(%arg18 : memref<!tpu.dma_semaphore, #tpu.memory_space<semaphore_mem>>)
        %dma_start3A_942 = arith.constant 3 : i32
        %dma_start3A_943 = arith.constant 0 : i32
        %dma_start3A_944 = arith.constant 0 : i32
        %dma_start3A_945 = tpu.memref_slice %arg14[%dma_start3A_942, %dma_start3A_943, %dma_start3A_944] : memref<5x128x32xf32, #tpu.memory_space<vmem>> -> memref<1x128x32xf32, #tpu.memory_space<vmem>>
        %dma_start3A_946 = tpu.memref_squeeze %dma_start3A_945 : memref<1x128x32xf32, #tpu.memory_space<vmem>> -> memref<128x32xf32, #tpu.memory_space<vmem>>
        %dma_start3A_947 = arith.constant 0 : i32
        %dma_start3A_948 = tpu.memref_slice %arg11[%add3A_919, %dma_start3A_947] : memref<100x128xi32, #tpu.memory_space<vmem>> -> memref<1x128xi32, #tpu.memory_space<vmem>>
        %dma_start3A_949 = tpu.memref_squeeze %dma_start3A_948 : memref<1x128xi32, #tpu.memory_space<vmem>> -> memref<128xi32, #tpu.memory_space<vmem>>
        %dma_start3A_950 = arith.constant 0 : i32
        %dma_start3A_951 = arith.constant 0 : i32
        %dma_start3A_952 = tpu.memref_slice %arg7[%dma_start3A_950, %dma_start3A_951] : memref<400x32xf32, #tpu.memory_space<hbm>> -> memref<400x32xf32, #tpu.memory_space<hbm>>
        tpu.enqueue_indirect_dma source(%dma_start3A_952 : memref<400x32xf32, #tpu.memory_space<hbm>>) target(%dma_start3A_946 : memref<128x32xf32, #tpu.memory_space<vmem>>) offsets(%dma_start3A_949 : memref<128xi32, #tpu.memory_space<vmem>>) semaphore(%arg18 : memref<!tpu.dma_semaphore, #tpu.memory_space<semaphore_mem>>)
      } else {
      }
      %add3A_506 = arith.constant 1 : i32
      %add3A_507 = arith.addi %mul3A_406, %add3A_506 : i32
      %dma_wait3A_508 = arith.constant 1 : i32
      %dma_wait3A_509 = arith.constant 0 : i32
      %dma_wait3A_510 = arith.constant 0 : i32
      %dma_wait3A_511 = tpu.memref_slice %arg12[%dma_wait3A_508, %dma_wait3A_509, %dma_wait3A_510] : memref<5x128x64xf32, #tpu.memory_space<vmem>> -> memref<1x128x64xf32, #tpu.memory_space<vmem>>
      %dma_wait3A_512 = tpu.memref_squeeze %dma_wait3A_511 : memref<1x128x64xf32, #tpu.memory_space<vmem>> -> memref<128x64xf32, #tpu.memory_space<vmem>>
      %dma_wait3A_513 = arith.constant 0 : i32
      %dma_wait3A_514 = arith.constant 0 : i32
      %dma_wait3A_515 = tpu.memref_slice %arg5[%dma_wait3A_513, %dma_wait3A_514] : memref<1000000x64xf32, #tpu.memory_space<hbm>> -> memref<128x64xf32, #tpu.memory_space<hbm>>
      %dma_wait3A_516 = arith.constant 0 : i32
      %dma_wait3A_517 = arith.constant 0 : i32
      %dma_wait3A_518 = tpu.memref_slice %arg12[%dma_wait3A_508, %dma_wait3A_516, %dma_wait3A_517] : memref<5x128x64xf32, #tpu.memory_space<vmem>> -> memref<1x128x64xf32, #tpu.memory_space<vmem>>
      %dma_wait3A_519 = tpu.memref_squeeze %dma_wait3A_518 : memref<1x128x64xf32, #tpu.memory_space<vmem>> -> memref<128x64xf32, #tpu.memory_space<vmem>>
      %dma_wait3A_520 = arith.constant 0 : i32
      %dma_wait3A_521 = arith.constant 0 : i32
      %dma_wait3A_522 = tpu.memref_slice %arg5[%dma_wait3A_520, %dma_wait3A_521] : memref<1000000x64xf32, #tpu.memory_space<hbm>> -> memref<128x64xf32, #tpu.memory_space<hbm>>
      tpu.wait_dma2 semaphore(%arg16 : memref<!tpu.dma_semaphore, #tpu.memory_space<semaphore_mem>>) src(%dma_wait3A_522 : memref<128x64xf32, #tpu.memory_space<hbm>>) dst(%dma_wait3A_519 : memref<128x64xf32, #tpu.memory_space<vmem>>)
      %dma_wait3A_523 = arith.constant 1 : i32
      %dma_wait3A_524 = arith.constant 0 : i32
      %dma_wait3A_525 = arith.constant 0 : i32
      %dma_wait3A_526 = tpu.memref_slice %arg13[%dma_wait3A_523, %dma_wait3A_524, %dma_wait3A_525] : memref<5x128x32xf32, #tpu.memory_space<vmem>> -> memref<1x128x32xf32, #tpu.memory_space<vmem>>
      %dma_wait3A_527 = tpu.memref_squeeze %dma_wait3A_526 : memref<1x128x32xf32, #tpu.memory_space<vmem>> -> memref<128x32xf32, #tpu.memory_space<vmem>>
      %dma_wait3A_528 = arith.constant 0 : i32
      %dma_wait3A_529 = arith.constant 0 : i32
      %dma_wait3A_530 = tpu.memref_slice %arg6[%dma_wait3A_528, %dma_wait3A_529] : memref<400x32xf32, #tpu.memory_space<hbm>> -> memref<128x32xf32, #tpu.memory_space<hbm>>
      %dma_wait3A_531 = arith.constant 0 : i32
      %dma_wait3A_532 = arith.constant 0 : i32
      %dma_wait3A_533 = tpu.memref_slice %arg13[%dma_wait3A_523, %dma_wait3A_531, %dma_wait3A_532] : memref<5x128x32xf32, #tpu.memory_space<vmem>> -> memref<1x128x32xf32, #tpu.memory_space<vmem>>
      %dma_wait3A_534 = tpu.memref_squeeze %dma_wait3A_533 : memref<1x128x32xf32, #tpu.memory_space<vmem>> -> memref<128x32xf32, #tpu.memory_space<vmem>>
      %dma_wait3A_535 = arith.constant 0 : i32
      %dma_wait3A_536 = arith.constant 0 : i32
      %dma_wait3A_537 = tpu.memref_slice %arg6[%dma_wait3A_535, %dma_wait3A_536] : memref<400x32xf32, #tpu.memory_space<hbm>> -> memref<128x32xf32, #tpu.memory_space<hbm>>
      tpu.wait_dma2 semaphore(%arg16 : memref<!tpu.dma_semaphore, #tpu.memory_space<semaphore_mem>>) src(%dma_wait3A_537 : memref<128x32xf32, #tpu.memory_space<hbm>>) dst(%dma_wait3A_534 : memref<128x32xf32, #tpu.memory_space<vmem>>)
      %dma_wait3A_538 = arith.constant 1 : i32
      %dma_wait3A_539 = arith.constant 0 : i32
      %dma_wait3A_540 = arith.constant 0 : i32
      %dma_wait3A_541 = tpu.memref_slice %arg14[%dma_wait3A_538, %dma_wait3A_539, %dma_wait3A_540] : memref<5x128x32xf32, #tpu.memory_space<vmem>> -> memref<1x128x32xf32, #tpu.memory_space<vmem>>
      %dma_wait3A_542 = tpu.memref_squeeze %dma_wait3A_541 : memref<1x128x32xf32, #tpu.memory_space<vmem>> -> memref<128x32xf32, #tpu.memory_space<vmem>>
      %dma_wait3A_543 = arith.constant 0 : i32
      %dma_wait3A_544 = arith.constant 0 : i32
      %dma_wait3A_545 = tpu.memref_slice %arg7[%dma_wait3A_543, %dma_wait3A_544] : memref<400x32xf32, #tpu.memory_space<hbm>> -> memref<128x32xf32, #tpu.memory_space<hbm>>
      %dma_wait3A_546 = arith.constant 0 : i32
      %dma_wait3A_547 = arith.constant 0 : i32
      %dma_wait3A_548 = tpu.memref_slice %arg14[%dma_wait3A_538, %dma_wait3A_546, %dma_wait3A_547] : memref<5x128x32xf32, #tpu.memory_space<vmem>> -> memref<1x128x32xf32, #tpu.memory_space<vmem>>
      %dma_wait3A_549 = tpu.memref_squeeze %dma_wait3A_548 : memref<1x128x32xf32, #tpu.memory_space<vmem>> -> memref<128x32xf32, #tpu.memory_space<vmem>>
      %dma_wait3A_550 = arith.constant 0 : i32
      %dma_wait3A_551 = arith.constant 0 : i32
      %dma_wait3A_552 = tpu.memref_slice %arg7[%dma_wait3A_550, %dma_wait3A_551] : memref<400x32xf32, #tpu.memory_space<hbm>> -> memref<128x32xf32, #tpu.memory_space<hbm>>
      tpu.wait_dma2 semaphore(%arg16 : memref<!tpu.dma_semaphore, #tpu.memory_space<semaphore_mem>>) src(%dma_wait3A_552 : memref<128x32xf32, #tpu.memory_space<hbm>>) dst(%dma_wait3A_549 : memref<128x32xf32, #tpu.memory_space<vmem>>)
      %add3A_553 = arith.constant 0 : i32
      %add3A_554 = arith.addi %mul3A_2, %add3A_553 : i32
      %add3A_555 = arith.addi %add3A_554, %add3A_507 : i32
      %mul3A_556 = arith.constant 128 : i32
      %mul3A_557 = arith.muli %add3A_555, %mul3A_556 : i32
      %dma_start3A_558 = arith.constant 1 : i32
      %dma_start3A_559 = arith.constant 0 : i32
      %dma_start3A_560 = arith.constant 0 : i32
      %dma_start3A_561 = tpu.memref_slice %arg12[%dma_start3A_558, %dma_start3A_559, %dma_start3A_560] : memref<5x128x64xf32, #tpu.memory_space<vmem>> -> memref<1x128x64xf32, #tpu.memory_space<vmem>>
      %dma_start3A_562 = tpu.memref_squeeze %dma_start3A_561 : memref<1x128x64xf32, #tpu.memory_space<vmem>> -> memref<128x64xf32, #tpu.memory_space<vmem>>
      %dma_start3A_563 = arith.constant 0 : i32
      %dma_start3A_564 = tpu.memref_slice %arg8[%mul3A_557, %dma_start3A_563] : memref<819200x128xf32, #tpu.memory_space<hbm>> -> memref<128x64xf32, #tpu.memory_space<hbm>>
      %dma_start3A_565 = arith.constant 0 : i32
      %dma_start3A_566 = tpu.memref_slice %arg8[%mul3A_557, %dma_start3A_565] : memref<819200x128xf32, #tpu.memory_space<hbm>> -> memref<128x64xf32, #tpu.memory_space<hbm>>
      %dma_start3A_567 = arith.constant 0 : i32
      %dma_start3A_568 = arith.constant 0 : i32
      %dma_start3A_569 = tpu.memref_slice %arg12[%dma_start3A_558, %dma_start3A_567, %dma_start3A_568] : memref<5x128x64xf32, #tpu.memory_space<vmem>> -> memref<1x128x64xf32, #tpu.memory_space<vmem>>
      %dma_start3A_570 = tpu.memref_squeeze %dma_start3A_569 : memref<1x128x64xf32, #tpu.memory_space<vmem>> -> memref<128x64xf32, #tpu.memory_space<vmem>>
      tpu.enqueue_dma source(%dma_start3A_570 : memref<128x64xf32, #tpu.memory_space<vmem>>) target(%dma_start3A_566 : memref<128x64xf32, #tpu.memory_space<hbm>>) target_semaphore(%arg21 : memref<!tpu.dma_semaphore, #tpu.memory_space<semaphore_mem>>)
      %dma_start3A_571 = arith.constant 1 : i32
      %dma_start3A_572 = arith.constant 0 : i32
      %dma_start3A_573 = arith.constant 0 : i32
      %dma_start3A_574 = tpu.memref_slice %arg13[%dma_start3A_571, %dma_start3A_572, %dma_start3A_573] : memref<5x128x32xf32, #tpu.memory_space<vmem>> -> memref<1x128x32xf32, #tpu.memory_space<vmem>>
      %dma_start3A_575 = tpu.memref_squeeze %dma_start3A_574 : memref<1x128x32xf32, #tpu.memory_space<vmem>> -> memref<128x32xf32, #tpu.memory_space<vmem>>
      %dma_start3A_576 = arith.constant 64 : i32
      %dma_start3A_577 = tpu.memref_slice %arg8[%mul3A_557, %dma_start3A_576] : memref<819200x128xf32, #tpu.memory_space<hbm>> -> memref<128x32xf32, #tpu.memory_space<hbm>>
      %dma_start3A_578 = arith.constant 64 : i32
      %dma_start3A_579 = tpu.memref_slice %arg8[%mul3A_557, %dma_start3A_578] : memref<819200x128xf32, #tpu.memory_space<hbm>> -> memref<128x32xf32, #tpu.memory_space<hbm>>
      %dma_start3A_580 = arith.constant 0 : i32
      %dma_start3A_581 = arith.constant 0 : i32
      %dma_start3A_582 = tpu.memref_slice %arg13[%dma_start3A_571, %dma_start3A_580, %dma_start3A_581] : memref<5x128x32xf32, #tpu.memory_space<vmem>> -> memref<1x128x32xf32, #tpu.memory_space<vmem>>
      %dma_start3A_583 = tpu.memref_squeeze %dma_start3A_582 : memref<1x128x32xf32, #tpu.memory_space<vmem>> -> memref<128x32xf32, #tpu.memory_space<vmem>>
      tpu.enqueue_dma source(%dma_start3A_583 : memref<128x32xf32, #tpu.memory_space<vmem>>) target(%dma_start3A_579 : memref<128x32xf32, #tpu.memory_space<hbm>>) target_semaphore(%arg21 : memref<!tpu.dma_semaphore, #tpu.memory_space<semaphore_mem>>)
      %dma_start3A_584 = arith.constant 1 : i32
      %dma_start3A_585 = arith.constant 0 : i32
      %dma_start3A_586 = arith.constant 0 : i32
      %dma_start3A_587 = tpu.memref_slice %arg14[%dma_start3A_584, %dma_start3A_585, %dma_start3A_586] : memref<5x128x32xf32, #tpu.memory_space<vmem>> -> memref<1x128x32xf32, #tpu.memory_space<vmem>>
      %dma_start3A_588 = tpu.memref_squeeze %dma_start3A_587 : memref<1x128x32xf32, #tpu.memory_space<vmem>> -> memref<128x32xf32, #tpu.memory_space<vmem>>
      %dma_start3A_589 = arith.constant 96 : i32
      %dma_start3A_590 = tpu.memref_slice %arg8[%mul3A_557, %dma_start3A_589] : memref<819200x128xf32, #tpu.memory_space<hbm>> -> memref<128x32xf32, #tpu.memory_space<hbm>>
      %dma_start3A_591 = arith.constant 96 : i32
      %dma_start3A_592 = tpu.memref_slice %arg8[%mul3A_557, %dma_start3A_591] : memref<819200x128xf32, #tpu.memory_space<hbm>> -> memref<128x32xf32, #tpu.memory_space<hbm>>
      %dma_start3A_593 = arith.constant 0 : i32
      %dma_start3A_594 = arith.constant 0 : i32
      %dma_start3A_595 = tpu.memref_slice %arg14[%dma_start3A_584, %dma_start3A_593, %dma_start3A_594] : memref<5x128x32xf32, #tpu.memory_space<vmem>> -> memref<1x128x32xf32, #tpu.memory_space<vmem>>
      %dma_start3A_596 = tpu.memref_squeeze %dma_start3A_595 : memref<1x128x32xf32, #tpu.memory_space<vmem>> -> memref<128x32xf32, #tpu.memory_space<vmem>>
      tpu.enqueue_dma source(%dma_start3A_596 : memref<128x32xf32, #tpu.memory_space<vmem>>) target(%dma_start3A_592 : memref<128x32xf32, #tpu.memory_space<hbm>>) target_semaphore(%arg21 : memref<!tpu.dma_semaphore, #tpu.memory_space<semaphore_mem>>)
      %ge3A_597 = arith.constant 2 : i32
      %ge3A_598 = arith.cmpi sge, %add3A_507, %ge3A_597 : i32
      %convert_element_type3A_599 = arith.extui %ge3A_598 : i1 to i32
      %cond3A_600 = arith.constant 0 : i32
      %cond3A_601 = arith.cmpi ne, %convert_element_type3A_599, %cond3A_600 : i32
      scf.if %cond3A_601 {
        %mul3A_918 = arith.constant 128 : i32
        %mul3A_919 = arith.muli %mul3A_2, %mul3A_918 : i32
        %dma_wait3A_920 = arith.constant 4 : i32
        %dma_wait3A_921 = arith.constant 0 : i32
        %dma_wait3A_922 = arith.constant 0 : i32
        %dma_wait3A_923 = tpu.memref_slice %arg12[%dma_wait3A_920, %dma_wait3A_921, %dma_wait3A_922] : memref<5x128x64xf32, #tpu.memory_space<vmem>> -> memref<1x128x64xf32, #tpu.memory_space<vmem>>
        %dma_wait3A_924 = tpu.memref_squeeze %dma_wait3A_923 : memref<1x128x64xf32, #tpu.memory_space<vmem>> -> memref<128x64xf32, #tpu.memory_space<vmem>>
        %dma_wait3A_925 = arith.constant 0 : i32
        %dma_wait3A_926 = tpu.memref_slice %arg8[%mul3A_919, %dma_wait3A_925] : memref<819200x128xf32, #tpu.memory_space<hbm>> -> memref<128x64xf32, #tpu.memory_space<hbm>>
        %dma_wait3A_927 = arith.constant 0 : i32
        %dma_wait3A_928 = tpu.memref_slice %arg8[%mul3A_919, %dma_wait3A_927] : memref<819200x128xf32, #tpu.memory_space<hbm>> -> memref<128x64xf32, #tpu.memory_space<hbm>>
        %dma_wait3A_929 = arith.constant 0 : i32
        %dma_wait3A_930 = arith.constant 0 : i32
        %dma_wait3A_931 = tpu.memref_slice %arg12[%dma_wait3A_920, %dma_wait3A_929, %dma_wait3A_930] : memref<5x128x64xf32, #tpu.memory_space<vmem>> -> memref<1x128x64xf32, #tpu.memory_space<vmem>>
        %dma_wait3A_932 = tpu.memref_squeeze %dma_wait3A_931 : memref<1x128x64xf32, #tpu.memory_space<vmem>> -> memref<128x64xf32, #tpu.memory_space<vmem>>
        tpu.wait_dma2 semaphore(%arg24 : memref<!tpu.dma_semaphore, #tpu.memory_space<semaphore_mem>>) src(%dma_wait3A_932 : memref<128x64xf32, #tpu.memory_space<vmem>>) dst(%dma_wait3A_928 : memref<128x64xf32, #tpu.memory_space<hbm>>)
        %dma_wait3A_933 = arith.constant 4 : i32
        %dma_wait3A_934 = arith.constant 0 : i32
        %dma_wait3A_935 = arith.constant 0 : i32
        %dma_wait3A_936 = tpu.memref_slice %arg13[%dma_wait3A_933, %dma_wait3A_934, %dma_wait3A_935] : memref<5x128x32xf32, #tpu.memory_space<vmem>> -> memref<1x128x32xf32, #tpu.memory_space<vmem>>
        %dma_wait3A_937 = tpu.memref_squeeze %dma_wait3A_936 : memref<1x128x32xf32, #tpu.memory_space<vmem>> -> memref<128x32xf32, #tpu.memory_space<vmem>>
        %dma_wait3A_938 = arith.constant 64 : i32
        %dma_wait3A_939 = tpu.memref_slice %arg8[%mul3A_919, %dma_wait3A_938] : memref<819200x128xf32, #tpu.memory_space<hbm>> -> memref<128x32xf32, #tpu.memory_space<hbm>>
        %dma_wait3A_940 = arith.constant 64 : i32
        %dma_wait3A_941 = tpu.memref_slice %arg8[%mul3A_919, %dma_wait3A_940] : memref<819200x128xf32, #tpu.memory_space<hbm>> -> memref<128x32xf32, #tpu.memory_space<hbm>>
        %dma_wait3A_942 = arith.constant 0 : i32
        %dma_wait3A_943 = arith.constant 0 : i32
        %dma_wait3A_944 = tpu.memref_slice %arg13[%dma_wait3A_933, %dma_wait3A_942, %dma_wait3A_943] : memref<5x128x32xf32, #tpu.memory_space<vmem>> -> memref<1x128x32xf32, #tpu.memory_space<vmem>>
        %dma_wait3A_945 = tpu.memref_squeeze %dma_wait3A_944 : memref<1x128x32xf32, #tpu.memory_space<vmem>> -> memref<128x32xf32, #tpu.memory_space<vmem>>
        tpu.wait_dma2 semaphore(%arg24 : memref<!tpu.dma_semaphore, #tpu.memory_space<semaphore_mem>>) src(%dma_wait3A_945 : memref<128x32xf32, #tpu.memory_space<vmem>>) dst(%dma_wait3A_941 : memref<128x32xf32, #tpu.memory_space<hbm>>)
        %dma_wait3A_946 = arith.constant 4 : i32
        %dma_wait3A_947 = arith.constant 0 : i32
        %dma_wait3A_948 = arith.constant 0 : i32
        %dma_wait3A_949 = tpu.memref_slice %arg14[%dma_wait3A_946, %dma_wait3A_947, %dma_wait3A_948] : memref<5x128x32xf32, #tpu.memory_space<vmem>> -> memref<1x128x32xf32, #tpu.memory_space<vmem>>
        %dma_wait3A_950 = tpu.memref_squeeze %dma_wait3A_949 : memref<1x128x32xf32, #tpu.memory_space<vmem>> -> memref<128x32xf32, #tpu.memory_space<vmem>>
        %dma_wait3A_951 = arith.constant 96 : i32
        %dma_wait3A_952 = tpu.memref_slice %arg8[%mul3A_919, %dma_wait3A_951] : memref<819200x128xf32, #tpu.memory_space<hbm>> -> memref<128x32xf32, #tpu.memory_space<hbm>>
        %dma_wait3A_953 = arith.constant 96 : i32
        %dma_wait3A_954 = tpu.memref_slice %arg8[%mul3A_919, %dma_wait3A_953] : memref<819200x128xf32, #tpu.memory_space<hbm>> -> memref<128x32xf32, #tpu.memory_space<hbm>>
        %dma_wait3A_955 = arith.constant 0 : i32
        %dma_wait3A_956 = arith.constant 0 : i32
        %dma_wait3A_957 = tpu.memref_slice %arg14[%dma_wait3A_946, %dma_wait3A_955, %dma_wait3A_956] : memref<5x128x32xf32, #tpu.memory_space<vmem>> -> memref<1x128x32xf32, #tpu.memory_space<vmem>>
        %dma_wait3A_958 = tpu.memref_squeeze %dma_wait3A_957 : memref<1x128x32xf32, #tpu.memory_space<vmem>> -> memref<128x32xf32, #tpu.memory_space<vmem>>
        tpu.wait_dma2 semaphore(%arg24 : memref<!tpu.dma_semaphore, #tpu.memory_space<semaphore_mem>>) src(%dma_wait3A_958 : memref<128x32xf32, #tpu.memory_space<vmem>>) dst(%dma_wait3A_954 : memref<128x32xf32, #tpu.memory_space<hbm>>)
      } else {
      }
      %add3A_602 = arith.constant 3 : i32
      %add3A_603 = arith.addi %add3A_507, %add3A_602 : i32
      %lt3A_604 = arith.constant 100 : i32
      %lt3A_605 = arith.cmpi slt, %add3A_603, %lt3A_604 : i32
      %convert_element_type3A_606 = arith.extui %lt3A_605 : i1 to i32
      %cond3A_607 = arith.constant 0 : i32
      %cond3A_608 = arith.cmpi ne, %convert_element_type3A_606, %cond3A_607 : i32
      scf.if %cond3A_608 {
        %add3A_918 = arith.constant 3 : i32
        %add3A_919 = arith.addi %add3A_507, %add3A_918 : i32
        %dma_start3A_920 = arith.constant 4 : i32
        %dma_start3A_921 = arith.constant 0 : i32
        %dma_start3A_922 = arith.constant 0 : i32
        %dma_start3A_923 = tpu.memref_slice %arg12[%dma_start3A_920, %dma_start3A_921, %dma_start3A_922] : memref<5x128x64xf32, #tpu.memory_space<vmem>> -> memref<1x128x64xf32, #tpu.memory_space<vmem>>
        %dma_start3A_924 = tpu.memref_squeeze %dma_start3A_923 : memref<1x128x64xf32, #tpu.memory_space<vmem>> -> memref<128x64xf32, #tpu.memory_space<vmem>>
        %dma_start3A_925 = arith.constant 0 : i32
        %dma_start3A_926 = tpu.memref_slice %arg9[%add3A_919, %dma_start3A_925] : memref<100x128xi32, #tpu.memory_space<vmem>> -> memref<1x128xi32, #tpu.memory_space<vmem>>
        %dma_start3A_927 = tpu.memref_squeeze %dma_start3A_926 : memref<1x128xi32, #tpu.memory_space<vmem>> -> memref<128xi32, #tpu.memory_space<vmem>>
        %dma_start3A_928 = arith.constant 0 : i32
        %dma_start3A_929 = arith.constant 0 : i32
        %dma_start3A_930 = tpu.memref_slice %arg5[%dma_start3A_928, %dma_start3A_929] : memref<1000000x64xf32, #tpu.memory_space<hbm>> -> memref<1000000x64xf32, #tpu.memory_space<hbm>>
        tpu.enqueue_indirect_dma source(%dma_start3A_930 : memref<1000000x64xf32, #tpu.memory_space<hbm>>) target(%dma_start3A_924 : memref<128x64xf32, #tpu.memory_space<vmem>>) offsets(%dma_start3A_927 : memref<128xi32, #tpu.memory_space<vmem>>) semaphore(%arg19 : memref<!tpu.dma_semaphore, #tpu.memory_space<semaphore_mem>>)
        %dma_start3A_931 = arith.constant 4 : i32
        %dma_start3A_932 = arith.constant 0 : i32
        %dma_start3A_933 = arith.constant 0 : i32
        %dma_start3A_934 = tpu.memref_slice %arg13[%dma_start3A_931, %dma_start3A_932, %dma_start3A_933] : memref<5x128x32xf32, #tpu.memory_space<vmem>> -> memref<1x128x32xf32, #tpu.memory_space<vmem>>
        %dma_start3A_935 = tpu.memref_squeeze %dma_start3A_934 : memref<1x128x32xf32, #tpu.memory_space<vmem>> -> memref<128x32xf32, #tpu.memory_space<vmem>>
        %dma_start3A_936 = arith.constant 0 : i32
        %dma_start3A_937 = tpu.memref_slice %arg10[%add3A_919, %dma_start3A_936] : memref<100x128xi32, #tpu.memory_space<vmem>> -> memref<1x128xi32, #tpu.memory_space<vmem>>
        %dma_start3A_938 = tpu.memref_squeeze %dma_start3A_937 : memref<1x128xi32, #tpu.memory_space<vmem>> -> memref<128xi32, #tpu.memory_space<vmem>>
        %dma_start3A_939 = arith.constant 0 : i32
        %dma_start3A_940 = arith.constant 0 : i32
        %dma_start3A_941 = tpu.memref_slice %arg6[%dma_start3A_939, %dma_start3A_940] : memref<400x32xf32, #tpu.memory_space<hbm>> -> memref<400x32xf32, #tpu.memory_space<hbm>>
        tpu.enqueue_indirect_dma source(%dma_start3A_941 : memref<400x32xf32, #tpu.memory_space<hbm>>) target(%dma_start3A_935 : memref<128x32xf32, #tpu.memory_space<vmem>>) offsets(%dma_start3A_938 : memref<128xi32, #tpu.memory_space<vmem>>) semaphore(%arg19 : memref<!tpu.dma_semaphore, #tpu.memory_space<semaphore_mem>>)
        %dma_start3A_942 = arith.constant 4 : i32
        %dma_start3A_943 = arith.constant 0 : i32
        %dma_start3A_944 = arith.constant 0 : i32
        %dma_start3A_945 = tpu.memref_slice %arg14[%dma_start3A_942, %dma_start3A_943, %dma_start3A_944] : memref<5x128x32xf32, #tpu.memory_space<vmem>> -> memref<1x128x32xf32, #tpu.memory_space<vmem>>
        %dma_start3A_946 = tpu.memref_squeeze %dma_start3A_945 : memref<1x128x32xf32, #tpu.memory_space<vmem>> -> memref<128x32xf32, #tpu.memory_space<vmem>>
        %dma_start3A_947 = arith.constant 0 : i32
        %dma_start3A_948 = tpu.memref_slice %arg11[%add3A_919, %dma_start3A_947] : memref<100x128xi32, #tpu.memory_space<vmem>> -> memref<1x128xi32, #tpu.memory_space<vmem>>
        %dma_start3A_949 = tpu.memref_squeeze %dma_start3A_948 : memref<1x128xi32, #tpu.memory_space<vmem>> -> memref<128xi32, #tpu.memory_space<vmem>>
        %dma_start3A_950 = arith.constant 0 : i32
        %dma_start3A_951 = arith.constant 0 : i32
        %dma_start3A_952 = tpu.memref_slice %arg7[%dma_start3A_950, %dma_start3A_951] : memref<400x32xf32, #tpu.memory_space<hbm>> -> memref<400x32xf32, #tpu.memory_space<hbm>>
        tpu.enqueue_indirect_dma source(%dma_start3A_952 : memref<400x32xf32, #tpu.memory_space<hbm>>) target(%dma_start3A_946 : memref<128x32xf32, #tpu.memory_space<vmem>>) offsets(%dma_start3A_949 : memref<128xi32, #tpu.memory_space<vmem>>) semaphore(%arg19 : memref<!tpu.dma_semaphore, #tpu.memory_space<semaphore_mem>>)
      } else {
      }
      %add3A_609 = arith.constant 2 : i32
      %add3A_610 = arith.addi %mul3A_406, %add3A_609 : i32
      %dma_wait3A_611 = arith.constant 2 : i32
      %dma_wait3A_612 = arith.constant 0 : i32
      %dma_wait3A_613 = arith.constant 0 : i32
      %dma_wait3A_614 = tpu.memref_slice %arg12[%dma_wait3A_611, %dma_wait3A_612, %dma_wait3A_613] : memref<5x128x64xf32, #tpu.memory_space<vmem>> -> memref<1x128x64xf32, #tpu.memory_space<vmem>>
      %dma_wait3A_615 = tpu.memref_squeeze %dma_wait3A_614 : memref<1x128x64xf32, #tpu.memory_space<vmem>> -> memref<128x64xf32, #tpu.memory_space<vmem>>
      %dma_wait3A_616 = arith.constant 0 : i32
      %dma_wait3A_617 = arith.constant 0 : i32
      %dma_wait3A_618 = tpu.memref_slice %arg5[%dma_wait3A_616, %dma_wait3A_617] : memref<1000000x64xf32, #tpu.memory_space<hbm>> -> memref<128x64xf32, #tpu.memory_space<hbm>>
      %dma_wait3A_619 = arith.constant 0 : i32
      %dma_wait3A_620 = arith.constant 0 : i32
      %dma_wait3A_621 = tpu.memref_slice %arg12[%dma_wait3A_611, %dma_wait3A_619, %dma_wait3A_620] : memref<5x128x64xf32, #tpu.memory_space<vmem>> -> memref<1x128x64xf32, #tpu.memory_space<vmem>>
      %dma_wait3A_622 = tpu.memref_squeeze %dma_wait3A_621 : memref<1x128x64xf32, #tpu.memory_space<vmem>> -> memref<128x64xf32, #tpu.memory_space<vmem>>
      %dma_wait3A_623 = arith.constant 0 : i32
      %dma_wait3A_624 = arith.constant 0 : i32
      %dma_wait3A_625 = tpu.memref_slice %arg5[%dma_wait3A_623, %dma_wait3A_624] : memref<1000000x64xf32, #tpu.memory_space<hbm>> -> memref<128x64xf32, #tpu.memory_space<hbm>>
      tpu.wait_dma2 semaphore(%arg17 : memref<!tpu.dma_semaphore, #tpu.memory_space<semaphore_mem>>) src(%dma_wait3A_625 : memref<128x64xf32, #tpu.memory_space<hbm>>) dst(%dma_wait3A_622 : memref<128x64xf32, #tpu.memory_space<vmem>>)
      %dma_wait3A_626 = arith.constant 2 : i32
      %dma_wait3A_627 = arith.constant 0 : i32
      %dma_wait3A_628 = arith.constant 0 : i32
      %dma_wait3A_629 = tpu.memref_slice %arg13[%dma_wait3A_626, %dma_wait3A_627, %dma_wait3A_628] : memref<5x128x32xf32, #tpu.memory_space<vmem>> -> memref<1x128x32xf32, #tpu.memory_space<vmem>>
      %dma_wait3A_630 = tpu.memref_squeeze %dma_wait3A_629 : memref<1x128x32xf32, #tpu.memory_space<vmem>> -> memref<128x32xf32, #tpu.memory_space<vmem>>
      %dma_wait3A_631 = arith.constant 0 : i32
      %dma_wait3A_632 = arith.constant 0 : i32
      %dma_wait3A_633 = tpu.memref_slice %arg6[%dma_wait3A_631, %dma_wait3A_632] : memref<400x32xf32, #tpu.memory_space<hbm>> -> memref<128x32xf32, #tpu.memory_space<hbm>>
      %dma_wait3A_634 = arith.constant 0 : i32
      %dma_wait3A_635 = arith.constant 0 : i32
      %dma_wait3A_636 = tpu.memref_slice %arg13[%dma_wait3A_626, %dma_wait3A_634, %dma_wait3A_635] : memref<5x128x32xf32, #tpu.memory_space<vmem>> -> memref<1x128x32xf32, #tpu.memory_space<vmem>>
      %dma_wait3A_637 = tpu.memref_squeeze %dma_wait3A_636 : memref<1x128x32xf32, #tpu.memory_space<vmem>> -> memref<128x32xf32, #tpu.memory_space<vmem>>
      %dma_wait3A_638 = arith.constant 0 : i32
      %dma_wait3A_639 = arith.constant 0 : i32
      %dma_wait3A_640 = tpu.memref_slice %arg6[%dma_wait3A_638, %dma_wait3A_639] : memref<400x32xf32, #tpu.memory_space<hbm>> -> memref<128x32xf32, #tpu.memory_space<hbm>>
      tpu.wait_dma2 semaphore(%arg17 : memref<!tpu.dma_semaphore, #tpu.memory_space<semaphore_mem>>) src(%dma_wait3A_640 : memref<128x32xf32, #tpu.memory_space<hbm>>) dst(%dma_wait3A_637 : memref<128x32xf32, #tpu.memory_space<vmem>>)
      %dma_wait3A_641 = arith.constant 2 : i32
      %dma_wait3A_642 = arith.constant 0 : i32
      %dma_wait3A_643 = arith.constant 0 : i32
      %dma_wait3A_644 = tpu.memref_slice %arg14[%dma_wait3A_641, %dma_wait3A_642, %dma_wait3A_643] : memref<5x128x32xf32, #tpu.memory_space<vmem>> -> memref<1x128x32xf32, #tpu.memory_space<vmem>>
      %dma_wait3A_645 = tpu.memref_squeeze %dma_wait3A_644 : memref<1x128x32xf32, #tpu.memory_space<vmem>> -> memref<128x32xf32, #tpu.memory_space<vmem>>
      %dma_wait3A_646 = arith.constant 0 : i32
      %dma_wait3A_647 = arith.constant 0 : i32
      %dma_wait3A_648 = tpu.memref_slice %arg7[%dma_wait3A_646, %dma_wait3A_647] : memref<400x32xf32, #tpu.memory_space<hbm>> -> memref<128x32xf32, #tpu.memory_space<hbm>>
      %dma_wait3A_649 = arith.constant 0 : i32
      %dma_wait3A_650 = arith.constant 0 : i32
      %dma_wait3A_651 = tpu.memref_slice %arg14[%dma_wait3A_641, %dma_wait3A_649, %dma_wait3A_650] : memref<5x128x32xf32, #tpu.memory_space<vmem>> -> memref<1x128x32xf32, #tpu.memory_space<vmem>>
      %dma_wait3A_652 = tpu.memref_squeeze %dma_wait3A_651 : memref<1x128x32xf32, #tpu.memory_space<vmem>> -> memref<128x32xf32, #tpu.memory_space<vmem>>
      %dma_wait3A_653 = arith.constant 0 : i32
      %dma_wait3A_654 = arith.constant 0 : i32
      %dma_wait3A_655 = tpu.memref_slice %arg7[%dma_wait3A_653, %dma_wait3A_654] : memref<400x32xf32, #tpu.memory_space<hbm>> -> memref<128x32xf32, #tpu.memory_space<hbm>>
      tpu.wait_dma2 semaphore(%arg17 : memref<!tpu.dma_semaphore, #tpu.memory_space<semaphore_mem>>) src(%dma_wait3A_655 : memref<128x32xf32, #tpu.memory_space<hbm>>) dst(%dma_wait3A_652 : memref<128x32xf32, #tpu.memory_space<vmem>>)
      %add3A_656 = arith.constant 0 : i32
      %add3A_657 = arith.addi %mul3A_2, %add3A_656 : i32
      %add3A_658 = arith.addi %add3A_657, %add3A_610 : i32
      %mul3A_659 = arith.constant 128 : i32
      %mul3A_660 = arith.muli %add3A_658, %mul3A_659 : i32
      %dma_start3A_661 = arith.constant 2 : i32
      %dma_start3A_662 = arith.constant 0 : i32
      %dma_start3A_663 = arith.constant 0 : i32
      %dma_start3A_664 = tpu.memref_slice %arg12[%dma_start3A_661, %dma_start3A_662, %dma_start3A_663] : memref<5x128x64xf32, #tpu.memory_space<vmem>> -> memref<1x128x64xf32, #tpu.memory_space<vmem>>
      %dma_start3A_665 = tpu.memref_squeeze %dma_start3A_664 : memref<1x128x64xf32, #tpu.memory_space<vmem>> -> memref<128x64xf32, #tpu.memory_space<vmem>>
      %dma_start3A_666 = arith.constant 0 : i32
      %dma_start3A_667 = tpu.memref_slice %arg8[%mul3A_660, %dma_start3A_666] : memref<819200x128xf32, #tpu.memory_space<hbm>> -> memref<128x64xf32, #tpu.memory_space<hbm>>
      %dma_start3A_668 = arith.constant 0 : i32
      %dma_start3A_669 = tpu.memref_slice %arg8[%mul3A_660, %dma_start3A_668] : memref<819200x128xf32, #tpu.memory_space<hbm>> -> memref<128x64xf32, #tpu.memory_space<hbm>>
      %dma_start3A_670 = arith.constant 0 : i32
      %dma_start3A_671 = arith.constant 0 : i32
      %dma_start3A_672 = tpu.memref_slice %arg12[%dma_start3A_661, %dma_start3A_670, %dma_start3A_671] : memref<5x128x64xf32, #tpu.memory_space<vmem>> -> memref<1x128x64xf32, #tpu.memory_space<vmem>>
      %dma_start3A_673 = tpu.memref_squeeze %dma_start3A_672 : memref<1x128x64xf32, #tpu.memory_space<vmem>> -> memref<128x64xf32, #tpu.memory_space<vmem>>
      tpu.enqueue_dma source(%dma_start3A_673 : memref<128x64xf32, #tpu.memory_space<vmem>>) target(%dma_start3A_669 : memref<128x64xf32, #tpu.memory_space<hbm>>) target_semaphore(%arg22 : memref<!tpu.dma_semaphore, #tpu.memory_space<semaphore_mem>>)
      %dma_start3A_674 = arith.constant 2 : i32
      %dma_start3A_675 = arith.constant 0 : i32
      %dma_start3A_676 = arith.constant 0 : i32
      %dma_start3A_677 = tpu.memref_slice %arg13[%dma_start3A_674, %dma_start3A_675, %dma_start3A_676] : memref<5x128x32xf32, #tpu.memory_space<vmem>> -> memref<1x128x32xf32, #tpu.memory_space<vmem>>
      %dma_start3A_678 = tpu.memref_squeeze %dma_start3A_677 : memref<1x128x32xf32, #tpu.memory_space<vmem>> -> memref<128x32xf32, #tpu.memory_space<vmem>>
      %dma_start3A_679 = arith.constant 64 : i32
      %dma_start3A_680 = tpu.memref_slice %arg8[%mul3A_660, %dma_start3A_679] : memref<819200x128xf32, #tpu.memory_space<hbm>> -> memref<128x32xf32, #tpu.memory_space<hbm>>
      %dma_start3A_681 = arith.constant 64 : i32
      %dma_start3A_682 = tpu.memref_slice %arg8[%mul3A_660, %dma_start3A_681] : memref<819200x128xf32, #tpu.memory_space<hbm>> -> memref<128x32xf32, #tpu.memory_space<hbm>>
      %dma_start3A_683 = arith.constant 0 : i32
      %dma_start3A_684 = arith.constant 0 : i32
      %dma_start3A_685 = tpu.memref_slice %arg13[%dma_start3A_674, %dma_start3A_683, %dma_start3A_684] : memref<5x128x32xf32, #tpu.memory_space<vmem>> -> memref<1x128x32xf32, #tpu.memory_space<vmem>>
      %dma_start3A_686 = tpu.memref_squeeze %dma_start3A_685 : memref<1x128x32xf32, #tpu.memory_space<vmem>> -> memref<128x32xf32, #tpu.memory_space<vmem>>
      tpu.enqueue_dma source(%dma_start3A_686 : memref<128x32xf32, #tpu.memory_space<vmem>>) target(%dma_start3A_682 : memref<128x32xf32, #tpu.memory_space<hbm>>) target_semaphore(%arg22 : memref<!tpu.dma_semaphore, #tpu.memory_space<semaphore_mem>>)
      %dma_start3A_687 = arith.constant 2 : i32
      %dma_start3A_688 = arith.constant 0 : i32
      %dma_start3A_689 = arith.constant 0 : i32
      %dma_start3A_690 = tpu.memref_slice %arg14[%dma_start3A_687, %dma_start3A_688, %dma_start3A_689] : memref<5x128x32xf32, #tpu.memory_space<vmem>> -> memref<1x128x32xf32, #tpu.memory_space<vmem>>
      %dma_start3A_691 = tpu.memref_squeeze %dma_start3A_690 : memref<1x128x32xf32, #tpu.memory_space<vmem>> -> memref<128x32xf32, #tpu.memory_space<vmem>>
      %dma_start3A_692 = arith.constant 96 : i32
      %dma_start3A_693 = tpu.memref_slice %arg8[%mul3A_660, %dma_start3A_692] : memref<819200x128xf32, #tpu.memory_space<hbm>> -> memref<128x32xf32, #tpu.memory_space<hbm>>
      %dma_start3A_694 = arith.constant 96 : i32
      %dma_start3A_695 = tpu.memref_slice %arg8[%mul3A_660, %dma_start3A_694] : memref<819200x128xf32, #tpu.memory_space<hbm>> -> memref<128x32xf32, #tpu.memory_space<hbm>>
      %dma_start3A_696 = arith.constant 0 : i32
      %dma_start3A_697 = arith.constant 0 : i32
      %dma_start3A_698 = tpu.memref_slice %arg14[%dma_start3A_687, %dma_start3A_696, %dma_start3A_697] : memref<5x128x32xf32, #tpu.memory_space<vmem>> -> memref<1x128x32xf32, #tpu.memory_space<vmem>>
      %dma_start3A_699 = tpu.memref_squeeze %dma_start3A_698 : memref<1x128x32xf32, #tpu.memory_space<vmem>> -> memref<128x32xf32, #tpu.memory_space<vmem>>
      tpu.enqueue_dma source(%dma_start3A_699 : memref<128x32xf32, #tpu.memory_space<vmem>>) target(%dma_start3A_695 : memref<128x32xf32, #tpu.memory_space<hbm>>) target_semaphore(%arg22 : memref<!tpu.dma_semaphore, #tpu.memory_space<semaphore_mem>>)
      %ge3A_700 = arith.constant 2 : i32
      %ge3A_701 = arith.cmpi sge, %add3A_610, %ge3A_700 : i32
      %convert_element_type3A_702 = arith.extui %ge3A_701 : i1 to i32
      %cond3A_703 = arith.constant 0 : i32
      %cond3A_704 = arith.cmpi ne, %convert_element_type3A_702, %cond3A_703 : i32
      scf.if %cond3A_704 {
        %mul3A_918 = arith.constant 128 : i32
        %mul3A_919 = arith.muli %mul3A_2, %mul3A_918 : i32
        %dma_wait3A_920 = arith.constant 0 : i32
        %dma_wait3A_921 = arith.constant 0 : i32
        %dma_wait3A_922 = arith.constant 0 : i32
        %dma_wait3A_923 = tpu.memref_slice %arg12[%dma_wait3A_920, %dma_wait3A_921, %dma_wait3A_922] : memref<5x128x64xf32, #tpu.memory_space<vmem>> -> memref<1x128x64xf32, #tpu.memory_space<vmem>>
        %dma_wait3A_924 = tpu.memref_squeeze %dma_wait3A_923 : memref<1x128x64xf32, #tpu.memory_space<vmem>> -> memref<128x64xf32, #tpu.memory_space<vmem>>
        %dma_wait3A_925 = arith.constant 0 : i32
        %dma_wait3A_926 = tpu.memref_slice %arg8[%mul3A_919, %dma_wait3A_925] : memref<819200x128xf32, #tpu.memory_space<hbm>> -> memref<128x64xf32, #tpu.memory_space<hbm>>
        %dma_wait3A_927 = arith.constant 0 : i32
        %dma_wait3A_928 = tpu.memref_slice %arg8[%mul3A_919, %dma_wait3A_927] : memref<819200x128xf32, #tpu.memory_space<hbm>> -> memref<128x64xf32, #tpu.memory_space<hbm>>
        %dma_wait3A_929 = arith.constant 0 : i32
        %dma_wait3A_930 = arith.constant 0 : i32
        %dma_wait3A_931 = tpu.memref_slice %arg12[%dma_wait3A_920, %dma_wait3A_929, %dma_wait3A_930] : memref<5x128x64xf32, #tpu.memory_space<vmem>> -> memref<1x128x64xf32, #tpu.memory_space<vmem>>
        %dma_wait3A_932 = tpu.memref_squeeze %dma_wait3A_931 : memref<1x128x64xf32, #tpu.memory_space<vmem>> -> memref<128x64xf32, #tpu.memory_space<vmem>>
        tpu.wait_dma2 semaphore(%arg20 : memref<!tpu.dma_semaphore, #tpu.memory_space<semaphore_mem>>) src(%dma_wait3A_932 : memref<128x64xf32, #tpu.memory_space<vmem>>) dst(%dma_wait3A_928 : memref<128x64xf32, #tpu.memory_space<hbm>>)
        %dma_wait3A_933 = arith.constant 0 : i32
        %dma_wait3A_934 = arith.constant 0 : i32
        %dma_wait3A_935 = arith.constant 0 : i32
        %dma_wait3A_936 = tpu.memref_slice %arg13[%dma_wait3A_933, %dma_wait3A_934, %dma_wait3A_935] : memref<5x128x32xf32, #tpu.memory_space<vmem>> -> memref<1x128x32xf32, #tpu.memory_space<vmem>>
        %dma_wait3A_937 = tpu.memref_squeeze %dma_wait3A_936 : memref<1x128x32xf32, #tpu.memory_space<vmem>> -> memref<128x32xf32, #tpu.memory_space<vmem>>
        %dma_wait3A_938 = arith.constant 64 : i32
        %dma_wait3A_939 = tpu.memref_slice %arg8[%mul3A_919, %dma_wait3A_938] : memref<819200x128xf32, #tpu.memory_space<hbm>> -> memref<128x32xf32, #tpu.memory_space<hbm>>
        %dma_wait3A_940 = arith.constant 64 : i32
        %dma_wait3A_941 = tpu.memref_slice %arg8[%mul3A_919, %dma_wait3A_940] : memref<819200x128xf32, #tpu.memory_space<hbm>> -> memref<128x32xf32, #tpu.memory_space<hbm>>
        %dma_wait3A_942 = arith.constant 0 : i32
        %dma_wait3A_943 = arith.constant 0 : i32
        %dma_wait3A_944 = tpu.memref_slice %arg13[%dma_wait3A_933, %dma_wait3A_942, %dma_wait3A_943] : memref<5x128x32xf32, #tpu.memory_space<vmem>> -> memref<1x128x32xf32, #tpu.memory_space<vmem>>
        %dma_wait3A_945 = tpu.memref_squeeze %dma_wait3A_944 : memref<1x128x32xf32, #tpu.memory_space<vmem>> -> memref<128x32xf32, #tpu.memory_space<vmem>>
        tpu.wait_dma2 semaphore(%arg20 : memref<!tpu.dma_semaphore, #tpu.memory_space<semaphore_mem>>) src(%dma_wait3A_945 : memref<128x32xf32, #tpu.memory_space<vmem>>) dst(%dma_wait3A_941 : memref<128x32xf32, #tpu.memory_space<hbm>>)
        %dma_wait3A_946 = arith.constant 0 : i32
        %dma_wait3A_947 = arith.constant 0 : i32
        %dma_wait3A_948 = arith.constant 0 : i32
        %dma_wait3A_949 = tpu.memref_slice %arg14[%dma_wait3A_946, %dma_wait3A_947, %dma_wait3A_948] : memref<5x128x32xf32, #tpu.memory_space<vmem>> -> memref<1x128x32xf32, #tpu.memory_space<vmem>>
        %dma_wait3A_950 = tpu.memref_squeeze %dma_wait3A_949 : memref<1x128x32xf32, #tpu.memory_space<vmem>> -> memref<128x32xf32, #tpu.memory_space<vmem>>
        %dma_wait3A_951 = arith.constant 96 : i32
        %dma_wait3A_952 = tpu.memref_slice %arg8[%mul3A_919, %dma_wait3A_951] : memref<819200x128xf32, #tpu.memory_space<hbm>> -> memref<128x32xf32, #tpu.memory_space<hbm>>
        %dma_wait3A_953 = arith.constant 96 : i32
        %dma_wait3A_954 = tpu.memref_slice %arg8[%mul3A_919, %dma_wait3A_953] : memref<819200x128xf32, #tpu.memory_space<hbm>> -> memref<128x32xf32, #tpu.memory_space<hbm>>
        %dma_wait3A_955 = arith.constant 0 : i32
        %dma_wait3A_956 = arith.constant 0 : i32
        %dma_wait3A_957 = tpu.memref_slice %arg14[%dma_wait3A_946, %dma_wait3A_955, %dma_wait3A_956] : memref<5x128x32xf32, #tpu.memory_space<vmem>> -> memref<1x128x32xf32, #tpu.memory_space<vmem>>
        %dma_wait3A_958 = tpu.memref_squeeze %dma_wait3A_957 : memref<1x128x32xf32, #tpu.memory_space<vmem>> -> memref<128x32xf32, #tpu.memory_space<vmem>>
        tpu.wait_dma2 semaphore(%arg20 : memref<!tpu.dma_semaphore, #tpu.memory_space<semaphore_mem>>) src(%dma_wait3A_958 : memref<128x32xf32, #tpu.memory_space<vmem>>) dst(%dma_wait3A_954 : memref<128x32xf32, #tpu.memory_space<hbm>>)
      } else {
      }
      %add3A_705 = arith.constant 3 : i32
      %add3A_706 = arith.addi %add3A_610, %add3A_705 : i32
      %lt3A_707 = arith.constant 100 : i32
      %lt3A_708 = arith.cmpi slt, %add3A_706, %lt3A_707 : i32
      %convert_element_type3A_709 = arith.extui %lt3A_708 : i1 to i32
      %cond3A_710 = arith.constant 0 : i32
      %cond3A_711 = arith.cmpi ne, %convert_element_type3A_709, %cond3A_710 : i32
      scf.if %cond3A_711 {
        %add3A_918 = arith.constant 3 : i32
        %add3A_919 = arith.addi %add3A_610, %add3A_918 : i32
        %dma_start3A_920 = arith.constant 0 : i32
        %dma_start3A_921 = arith.constant 0 : i32
        %dma_start3A_922 = arith.constant 0 : i32
        %dma_start3A_923 = tpu.memref_slice %arg12[%dma_start3A_920, %dma_start3A_921, %dma_start3A_922] : memref<5x128x64xf32, #tpu.memory_space<vmem>> -> memref<1x128x64xf32, #tpu.memory_space<vmem>>
        %dma_start3A_924 = tpu.memref_squeeze %dma_start3A_923 : memref<1x128x64xf32, #tpu.memory_space<vmem>> -> memref<128x64xf32, #tpu.memory_space<vmem>>
        %dma_start3A_925 = arith.constant 0 : i32
        %dma_start3A_926 = tpu.memref_slice %arg9[%add3A_919, %dma_start3A_925] : memref<100x128xi32, #tpu.memory_space<vmem>> -> memref<1x128xi32, #tpu.memory_space<vmem>>
        %dma_start3A_927 = tpu.memref_squeeze %dma_start3A_926 : memref<1x128xi32, #tpu.memory_space<vmem>> -> memref<128xi32, #tpu.memory_space<vmem>>
        %dma_start3A_928 = arith.constant 0 : i32
        %dma_start3A_929 = arith.constant 0 : i32
        %dma_start3A_930 = tpu.memref_slice %arg5[%dma_start3A_928, %dma_start3A_929] : memref<1000000x64xf32, #tpu.memory_space<hbm>> -> memref<1000000x64xf32, #tpu.memory_space<hbm>>
        tpu.enqueue_indirect_dma source(%dma_start3A_930 : memref<1000000x64xf32, #tpu.memory_space<hbm>>) target(%dma_start3A_924 : memref<128x64xf32, #tpu.memory_space<vmem>>) offsets(%dma_start3A_927 : memref<128xi32, #tpu.memory_space<vmem>>) semaphore(%arg15 : memref<!tpu.dma_semaphore, #tpu.memory_space<semaphore_mem>>)
        %dma_start3A_931 = arith.constant 0 : i32
        %dma_start3A_932 = arith.constant 0 : i32
        %dma_start3A_933 = arith.constant 0 : i32
        %dma_start3A_934 = tpu.memref_slice %arg13[%dma_start3A_931, %dma_start3A_932, %dma_start3A_933] : memref<5x128x32xf32, #tpu.memory_space<vmem>> -> memref<1x128x32xf32, #tpu.memory_space<vmem>>
        %dma_start3A_935 = tpu.memref_squeeze %dma_start3A_934 : memref<1x128x32xf32, #tpu.memory_space<vmem>> -> memref<128x32xf32, #tpu.memory_space<vmem>>
        %dma_start3A_936 = arith.constant 0 : i32
        %dma_start3A_937 = tpu.memref_slice %arg10[%add3A_919, %dma_start3A_936] : memref<100x128xi32, #tpu.memory_space<vmem>> -> memref<1x128xi32, #tpu.memory_space<vmem>>
        %dma_start3A_938 = tpu.memref_squeeze %dma_start3A_937 : memref<1x128xi32, #tpu.memory_space<vmem>> -> memref<128xi32, #tpu.memory_space<vmem>>
        %dma_start3A_939 = arith.constant 0 : i32
        %dma_start3A_940 = arith.constant 0 : i32
        %dma_start3A_941 = tpu.memref_slice %arg6[%dma_start3A_939, %dma_start3A_940] : memref<400x32xf32, #tpu.memory_space<hbm>> -> memref<400x32xf32, #tpu.memory_space<hbm>>
        tpu.enqueue_indirect_dma source(%dma_start3A_941 : memref<400x32xf32, #tpu.memory_space<hbm>>) target(%dma_start3A_935 : memref<128x32xf32, #tpu.memory_space<vmem>>) offsets(%dma_start3A_938 : memref<128xi32, #tpu.memory_space<vmem>>) semaphore(%arg15 : memref<!tpu.dma_semaphore, #tpu.memory_space<semaphore_mem>>)
        %dma_start3A_942 = arith.constant 0 : i32
        %dma_start3A_943 = arith.constant 0 : i32
        %dma_start3A_944 = arith.constant 0 : i32
        %dma_start3A_945 = tpu.memref_slice %arg14[%dma_start3A_942, %dma_start3A_943, %dma_start3A_944] : memref<5x128x32xf32, #tpu.memory_space<vmem>> -> memref<1x128x32xf32, #tpu.memory_space<vmem>>
        %dma_start3A_946 = tpu.memref_squeeze %dma_start3A_945 : memref<1x128x32xf32, #tpu.memory_space<vmem>> -> memref<128x32xf32, #tpu.memory_space<vmem>>
        %dma_start3A_947 = arith.constant 0 : i32
        %dma_start3A_948 = tpu.memref_slice %arg11[%add3A_919, %dma_start3A_947] : memref<100x128xi32, #tpu.memory_space<vmem>> -> memref<1x128xi32, #tpu.memory_space<vmem>>
        %dma_start3A_949 = tpu.memref_squeeze %dma_start3A_948 : memref<1x128xi32, #tpu.memory_space<vmem>> -> memref<128xi32, #tpu.memory_space<vmem>>
        %dma_start3A_950 = arith.constant 0 : i32
        %dma_start3A_951 = arith.constant 0 : i32
        %dma_start3A_952 = tpu.memref_slice %arg7[%dma_start3A_950, %dma_start3A_951] : memref<400x32xf32, #tpu.memory_space<hbm>> -> memref<400x32xf32, #tpu.memory_space<hbm>>
        tpu.enqueue_indirect_dma source(%dma_start3A_952 : memref<400x32xf32, #tpu.memory_space<hbm>>) target(%dma_start3A_946 : memref<128x32xf32, #tpu.memory_space<vmem>>) offsets(%dma_start3A_949 : memref<128xi32, #tpu.memory_space<vmem>>) semaphore(%arg15 : memref<!tpu.dma_semaphore, #tpu.memory_space<semaphore_mem>>)
      } else {
      }
      %add3A_712 = arith.constant 3 : i32
      %add3A_713 = arith.addi %mul3A_406, %add3A_712 : i32
      %dma_wait3A_714 = arith.constant 3 : i32
      %dma_wait3A_715 = arith.constant 0 : i32
      %dma_wait3A_716 = arith.constant 0 : i32
      %dma_wait3A_717 = tpu.memref_slice %arg12[%dma_wait3A_714, %dma_wait3A_715, %dma_wait3A_716] : memref<5x128x64xf32, #tpu.memory_space<vmem>> -> memref<1x128x64xf32, #tpu.memory_space<vmem>>
      %dma_wait3A_718 = tpu.memref_squeeze %dma_wait3A_717 : memref<1x128x64xf32, #tpu.memory_space<vmem>> -> memref<128x64xf32, #tpu.memory_space<vmem>>
      %dma_wait3A_719 = arith.constant 0 : i32
      %dma_wait3A_720 = arith.constant 0 : i32
      %dma_wait3A_721 = tpu.memref_slice %arg5[%dma_wait3A_719, %dma_wait3A_720] : memref<1000000x64xf32, #tpu.memory_space<hbm>> -> memref<128x64xf32, #tpu.memory_space<hbm>>
      %dma_wait3A_722 = arith.constant 0 : i32
      %dma_wait3A_723 = arith.constant 0 : i32
      %dma_wait3A_724 = tpu.memref_slice %arg12[%dma_wait3A_714, %dma_wait3A_722, %dma_wait3A_723] : memref<5x128x64xf32, #tpu.memory_space<vmem>> -> memref<1x128x64xf32, #tpu.memory_space<vmem>>
      %dma_wait3A_725 = tpu.memref_squeeze %dma_wait3A_724 : memref<1x128x64xf32, #tpu.memory_space<vmem>> -> memref<128x64xf32, #tpu.memory_space<vmem>>
      %dma_wait3A_726 = arith.constant 0 : i32
      %dma_wait3A_727 = arith.constant 0 : i32
      %dma_wait3A_728 = tpu.memref_slice %arg5[%dma_wait3A_726, %dma_wait3A_727] : memref<1000000x64xf32, #tpu.memory_space<hbm>> -> memref<128x64xf32, #tpu.memory_space<hbm>>
      tpu.wait_dma2 semaphore(%arg18 : memref<!tpu.dma_semaphore, #tpu.memory_space<semaphore_mem>>) src(%dma_wait3A_728 : memref<128x64xf32, #tpu.memory_space<hbm>>) dst(%dma_wait3A_725 : memref<128x64xf32, #tpu.memory_space<vmem>>)
      %dma_wait3A_729 = arith.constant 3 : i32
      %dma_wait3A_730 = arith.constant 0 : i32
      %dma_wait3A_731 = arith.constant 0 : i32
      %dma_wait3A_732 = tpu.memref_slice %arg13[%dma_wait3A_729, %dma_wait3A_730, %dma_wait3A_731] : memref<5x128x32xf32, #tpu.memory_space<vmem>> -> memref<1x128x32xf32, #tpu.memory_space<vmem>>
      %dma_wait3A_733 = tpu.memref_squeeze %dma_wait3A_732 : memref<1x128x32xf32, #tpu.memory_space<vmem>> -> memref<128x32xf32, #tpu.memory_space<vmem>>
      %dma_wait3A_734 = arith.constant 0 : i32
      %dma_wait3A_735 = arith.constant 0 : i32
      %dma_wait3A_736 = tpu.memref_slice %arg6[%dma_wait3A_734, %dma_wait3A_735] : memref<400x32xf32, #tpu.memory_space<hbm>> -> memref<128x32xf32, #tpu.memory_space<hbm>>
      %dma_wait3A_737 = arith.constant 0 : i32
      %dma_wait3A_738 = arith.constant 0 : i32
      %dma_wait3A_739 = tpu.memref_slice %arg13[%dma_wait3A_729, %dma_wait3A_737, %dma_wait3A_738] : memref<5x128x32xf32, #tpu.memory_space<vmem>> -> memref<1x128x32xf32, #tpu.memory_space<vmem>>
      %dma_wait3A_740 = tpu.memref_squeeze %dma_wait3A_739 : memref<1x128x32xf32, #tpu.memory_space<vmem>> -> memref<128x32xf32, #tpu.memory_space<vmem>>
      %dma_wait3A_741 = arith.constant 0 : i32
      %dma_wait3A_742 = arith.constant 0 : i32
      %dma_wait3A_743 = tpu.memref_slice %arg6[%dma_wait3A_741, %dma_wait3A_742] : memref<400x32xf32, #tpu.memory_space<hbm>> -> memref<128x32xf32, #tpu.memory_space<hbm>>
      tpu.wait_dma2 semaphore(%arg18 : memref<!tpu.dma_semaphore, #tpu.memory_space<semaphore_mem>>) src(%dma_wait3A_743 : memref<128x32xf32, #tpu.memory_space<hbm>>) dst(%dma_wait3A_740 : memref<128x32xf32, #tpu.memory_space<vmem>>)
      %dma_wait3A_744 = arith.constant 3 : i32
      %dma_wait3A_745 = arith.constant 0 : i32
      %dma_wait3A_746 = arith.constant 0 : i32
      %dma_wait3A_747 = tpu.memref_slice %arg14[%dma_wait3A_744, %dma_wait3A_745, %dma_wait3A_746] : memref<5x128x32xf32, #tpu.memory_space<vmem>> -> memref<1x128x32xf32, #tpu.memory_space<vmem>>
      %dma_wait3A_748 = tpu.memref_squeeze %dma_wait3A_747 : memref<1x128x32xf32, #tpu.memory_space<vmem>> -> memref<128x32xf32, #tpu.memory_space<vmem>>
      %dma_wait3A_749 = arith.constant 0 : i32
      %dma_wait3A_750 = arith.constant 0 : i32
      %dma_wait3A_751 = tpu.memref_slice %arg7[%dma_wait3A_749, %dma_wait3A_750] : memref<400x32xf32, #tpu.memory_space<hbm>> -> memref<128x32xf32, #tpu.memory_space<hbm>>
      %dma_wait3A_752 = arith.constant 0 : i32
      %dma_wait3A_753 = arith.constant 0 : i32
      %dma_wait3A_754 = tpu.memref_slice %arg14[%dma_wait3A_744, %dma_wait3A_752, %dma_wait3A_753] : memref<5x128x32xf32, #tpu.memory_space<vmem>> -> memref<1x128x32xf32, #tpu.memory_space<vmem>>
      %dma_wait3A_755 = tpu.memref_squeeze %dma_wait3A_754 : memref<1x128x32xf32, #tpu.memory_space<vmem>> -> memref<128x32xf32, #tpu.memory_space<vmem>>
      %dma_wait3A_756 = arith.constant 0 : i32
      %dma_wait3A_757 = arith.constant 0 : i32
      %dma_wait3A_758 = tpu.memref_slice %arg7[%dma_wait3A_756, %dma_wait3A_757] : memref<400x32xf32, #tpu.memory_space<hbm>> -> memref<128x32xf32, #tpu.memory_space<hbm>>
      tpu.wait_dma2 semaphore(%arg18 : memref<!tpu.dma_semaphore, #tpu.memory_space<semaphore_mem>>) src(%dma_wait3A_758 : memref<128x32xf32, #tpu.memory_space<hbm>>) dst(%dma_wait3A_755 : memref<128x32xf32, #tpu.memory_space<vmem>>)
      %add3A_759 = arith.constant 0 : i32
      %add3A_760 = arith.addi %mul3A_2, %add3A_759 : i32
      %add3A_761 = arith.addi %add3A_760, %add3A_713 : i32
      %mul3A_762 = arith.constant 128 : i32
      %mul3A_763 = arith.muli %add3A_761, %mul3A_762 : i32
      %dma_start3A_764 = arith.constant 3 : i32
      %dma_start3A_765 = arith.constant 0 : i32
      %dma_start3A_766 = arith.constant 0 : i32
      %dma_start3A_767 = tpu.memref_slice %arg12[%dma_start3A_764, %dma_start3A_765, %dma_start3A_766] : memref<5x128x64xf32, #tpu.memory_space<vmem>> -> memref<1x128x64xf32, #tpu.memory_space<vmem>>
      %dma_start3A_768 = tpu.memref_squeeze %dma_start3A_767 : memref<1x128x64xf32, #tpu.memory_space<vmem>> -> memref<128x64xf32, #tpu.memory_space<vmem>>
      %dma_start3A_769 = arith.constant 0 : i32
      %dma_start3A_770 = tpu.memref_slice %arg8[%mul3A_763, %dma_start3A_769] : memref<819200x128xf32, #tpu.memory_space<hbm>> -> memref<128x64xf32, #tpu.memory_space<hbm>>
      %dma_start3A_771 = arith.constant 0 : i32
      %dma_start3A_772 = tpu.memref_slice %arg8[%mul3A_763, %dma_start3A_771] : memref<819200x128xf32, #tpu.memory_space<hbm>> -> memref<128x64xf32, #tpu.memory_space<hbm>>
      %dma_start3A_773 = arith.constant 0 : i32
      %dma_start3A_774 = arith.constant 0 : i32
      %dma_start3A_775 = tpu.memref_slice %arg12[%dma_start3A_764, %dma_start3A_773, %dma_start3A_774] : memref<5x128x64xf32, #tpu.memory_space<vmem>> -> memref<1x128x64xf32, #tpu.memory_space<vmem>>
      %dma_start3A_776 = tpu.memref_squeeze %dma_start3A_775 : memref<1x128x64xf32, #tpu.memory_space<vmem>> -> memref<128x64xf32, #tpu.memory_space<vmem>>
      tpu.enqueue_dma source(%dma_start3A_776 : memref<128x64xf32, #tpu.memory_space<vmem>>) target(%dma_start3A_772 : memref<128x64xf32, #tpu.memory_space<hbm>>) target_semaphore(%arg23 : memref<!tpu.dma_semaphore, #tpu.memory_space<semaphore_mem>>)
      %dma_start3A_777 = arith.constant 3 : i32
      %dma_start3A_778 = arith.constant 0 : i32
      %dma_start3A_779 = arith.constant 0 : i32
      %dma_start3A_780 = tpu.memref_slice %arg13[%dma_start3A_777, %dma_start3A_778, %dma_start3A_779] : memref<5x128x32xf32, #tpu.memory_space<vmem>> -> memref<1x128x32xf32, #tpu.memory_space<vmem>>
      %dma_start3A_781 = tpu.memref_squeeze %dma_start3A_780 : memref<1x128x32xf32, #tpu.memory_space<vmem>> -> memref<128x32xf32, #tpu.memory_space<vmem>>
      %dma_start3A_782 = arith.constant 64 : i32
      %dma_start3A_783 = tpu.memref_slice %arg8[%mul3A_763, %dma_start3A_782] : memref<819200x128xf32, #tpu.memory_space<hbm>> -> memref<128x32xf32, #tpu.memory_space<hbm>>
      %dma_start3A_784 = arith.constant 64 : i32
      %dma_start3A_785 = tpu.memref_slice %arg8[%mul3A_763, %dma_start3A_784] : memref<819200x128xf32, #tpu.memory_space<hbm>> -> memref<128x32xf32, #tpu.memory_space<hbm>>
      %dma_start3A_786 = arith.constant 0 : i32
      %dma_start3A_787 = arith.constant 0 : i32
      %dma_start3A_788 = tpu.memref_slice %arg13[%dma_start3A_777, %dma_start3A_786, %dma_start3A_787] : memref<5x128x32xf32, #tpu.memory_space<vmem>> -> memref<1x128x32xf32, #tpu.memory_space<vmem>>
      %dma_start3A_789 = tpu.memref_squeeze %dma_start3A_788 : memref<1x128x32xf32, #tpu.memory_space<vmem>> -> memref<128x32xf32, #tpu.memory_space<vmem>>
      tpu.enqueue_dma source(%dma_start3A_789 : memref<128x32xf32, #tpu.memory_space<vmem>>) target(%dma_start3A_785 : memref<128x32xf32, #tpu.memory_space<hbm>>) target_semaphore(%arg23 : memref<!tpu.dma_semaphore, #tpu.memory_space<semaphore_mem>>)
      %dma_start3A_790 = arith.constant 3 : i32
      %dma_start3A_791 = arith.constant 0 : i32
      %dma_start3A_792 = arith.constant 0 : i32
      %dma_start3A_793 = tpu.memref_slice %arg14[%dma_start3A_790, %dma_start3A_791, %dma_start3A_792] : memref<5x128x32xf32, #tpu.memory_space<vmem>> -> memref<1x128x32xf32, #tpu.memory_space<vmem>>
      %dma_start3A_794 = tpu.memref_squeeze %dma_start3A_793 : memref<1x128x32xf32, #tpu.memory_space<vmem>> -> memref<128x32xf32, #tpu.memory_space<vmem>>
      %dma_start3A_795 = arith.constant 96 : i32
      %dma_start3A_796 = tpu.memref_slice %arg8[%mul3A_763, %dma_start3A_795] : memref<819200x128xf32, #tpu.memory_space<hbm>> -> memref<128x32xf32, #tpu.memory_space<hbm>>
      %dma_start3A_797 = arith.constant 96 : i32
      %dma_start3A_798 = tpu.memref_slice %arg8[%mul3A_763, %dma_start3A_797] : memref<819200x128xf32, #tpu.memory_space<hbm>> -> memref<128x32xf32, #tpu.memory_space<hbm>>
      %dma_start3A_799 = arith.constant 0 : i32
      %dma_start3A_800 = arith.constant 0 : i32
      %dma_start3A_801 = tpu.memref_slice %arg14[%dma_start3A_790, %dma_start3A_799, %dma_start3A_800] : memref<5x128x32xf32, #tpu.memory_space<vmem>> -> memref<1x128x32xf32, #tpu.memory_space<vmem>>
      %dma_start3A_802 = tpu.memref_squeeze %dma_start3A_801 : memref<1x128x32xf32, #tpu.memory_space<vmem>> -> memref<128x32xf32, #tpu.memory_space<vmem>>
      tpu.enqueue_dma source(%dma_start3A_802 : memref<128x32xf32, #tpu.memory_space<vmem>>) target(%dma_start3A_798 : memref<128x32xf32, #tpu.memory_space<hbm>>) target_semaphore(%arg23 : memref<!tpu.dma_semaphore, #tpu.memory_space<semaphore_mem>>)
      %ge3A_803 = arith.constant 2 : i32
      %ge3A_804 = arith.cmpi sge, %add3A_713, %ge3A_803 : i32
      %convert_element_type3A_805 = arith.extui %ge3A_804 : i1 to i32
      %cond3A_806 = arith.constant 0 : i32
      %cond3A_807 = arith.cmpi ne, %convert_element_type3A_805, %cond3A_806 : i32
      scf.if %cond3A_807 {
        %mul3A_918 = arith.constant 128 : i32
        %mul3A_919 = arith.muli %mul3A_2, %mul3A_918 : i32
        %dma_wait3A_920 = arith.constant 1 : i32
        %dma_wait3A_921 = arith.constant 0 : i32
        %dma_wait3A_922 = arith.constant 0 : i32
        %dma_wait3A_923 = tpu.memref_slice %arg12[%dma_wait3A_920, %dma_wait3A_921, %dma_wait3A_922] : memref<5x128x64xf32, #tpu.memory_space<vmem>> -> memref<1x128x64xf32, #tpu.memory_space<vmem>>
        %dma_wait3A_924 = tpu.memref_squeeze %dma_wait3A_923 : memref<1x128x64xf32, #tpu.memory_space<vmem>> -> memref<128x64xf32, #tpu.memory_space<vmem>>
        %dma_wait3A_925 = arith.constant 0 : i32
        %dma_wait3A_926 = tpu.memref_slice %arg8[%mul3A_919, %dma_wait3A_925] : memref<819200x128xf32, #tpu.memory_space<hbm>> -> memref<128x64xf32, #tpu.memory_space<hbm>>
        %dma_wait3A_927 = arith.constant 0 : i32
        %dma_wait3A_928 = tpu.memref_slice %arg8[%mul3A_919, %dma_wait3A_927] : memref<819200x128xf32, #tpu.memory_space<hbm>> -> memref<128x64xf32, #tpu.memory_space<hbm>>
        %dma_wait3A_929 = arith.constant 0 : i32
        %dma_wait3A_930 = arith.constant 0 : i32
        %dma_wait3A_931 = tpu.memref_slice %arg12[%dma_wait3A_920, %dma_wait3A_929, %dma_wait3A_930] : memref<5x128x64xf32, #tpu.memory_space<vmem>> -> memref<1x128x64xf32, #tpu.memory_space<vmem>>
        %dma_wait3A_932 = tpu.memref_squeeze %dma_wait3A_931 : memref<1x128x64xf32, #tpu.memory_space<vmem>> -> memref<128x64xf32, #tpu.memory_space<vmem>>
        tpu.wait_dma2 semaphore(%arg21 : memref<!tpu.dma_semaphore, #tpu.memory_space<semaphore_mem>>) src(%dma_wait3A_932 : memref<128x64xf32, #tpu.memory_space<vmem>>) dst(%dma_wait3A_928 : memref<128x64xf32, #tpu.memory_space<hbm>>)
        %dma_wait3A_933 = arith.constant 1 : i32
        %dma_wait3A_934 = arith.constant 0 : i32
        %dma_wait3A_935 = arith.constant 0 : i32
        %dma_wait3A_936 = tpu.memref_slice %arg13[%dma_wait3A_933, %dma_wait3A_934, %dma_wait3A_935] : memref<5x128x32xf32, #tpu.memory_space<vmem>> -> memref<1x128x32xf32, #tpu.memory_space<vmem>>
        %dma_wait3A_937 = tpu.memref_squeeze %dma_wait3A_936 : memref<1x128x32xf32, #tpu.memory_space<vmem>> -> memref<128x32xf32, #tpu.memory_space<vmem>>
        %dma_wait3A_938 = arith.constant 64 : i32
        %dma_wait3A_939 = tpu.memref_slice %arg8[%mul3A_919, %dma_wait3A_938] : memref<819200x128xf32, #tpu.memory_space<hbm>> -> memref<128x32xf32, #tpu.memory_space<hbm>>
        %dma_wait3A_940 = arith.constant 64 : i32
        %dma_wait3A_941 = tpu.memref_slice %arg8[%mul3A_919, %dma_wait3A_940] : memref<819200x128xf32, #tpu.memory_space<hbm>> -> memref<128x32xf32, #tpu.memory_space<hbm>>
        %dma_wait3A_942 = arith.constant 0 : i32
        %dma_wait3A_943 = arith.constant 0 : i32
        %dma_wait3A_944 = tpu.memref_slice %arg13[%dma_wait3A_933, %dma_wait3A_942, %dma_wait3A_943] : memref<5x128x32xf32, #tpu.memory_space<vmem>> -> memref<1x128x32xf32, #tpu.memory_space<vmem>>
        %dma_wait3A_945 = tpu.memref_squeeze %dma_wait3A_944 : memref<1x128x32xf32, #tpu.memory_space<vmem>> -> memref<128x32xf32, #tpu.memory_space<vmem>>
        tpu.wait_dma2 semaphore(%arg21 : memref<!tpu.dma_semaphore, #tpu.memory_space<semaphore_mem>>) src(%dma_wait3A_945 : memref<128x32xf32, #tpu.memory_space<vmem>>) dst(%dma_wait3A_941 : memref<128x32xf32, #tpu.memory_space<hbm>>)
        %dma_wait3A_946 = arith.constant 1 : i32
        %dma_wait3A_947 = arith.constant 0 : i32
        %dma_wait3A_948 = arith.constant 0 : i32
        %dma_wait3A_949 = tpu.memref_slice %arg14[%dma_wait3A_946, %dma_wait3A_947, %dma_wait3A_948] : memref<5x128x32xf32, #tpu.memory_space<vmem>> -> memref<1x128x32xf32, #tpu.memory_space<vmem>>
        %dma_wait3A_950 = tpu.memref_squeeze %dma_wait3A_949 : memref<1x128x32xf32, #tpu.memory_space<vmem>> -> memref<128x32xf32, #tpu.memory_space<vmem>>
        %dma_wait3A_951 = arith.constant 96 : i32
        %dma_wait3A_952 = tpu.memref_slice %arg8[%mul3A_919, %dma_wait3A_951] : memref<819200x128xf32, #tpu.memory_space<hbm>> -> memref<128x32xf32, #tpu.memory_space<hbm>>
        %dma_wait3A_953 = arith.constant 96 : i32
        %dma_wait3A_954 = tpu.memref_slice %arg8[%mul3A_919, %dma_wait3A_953] : memref<819200x128xf32, #tpu.memory_space<hbm>> -> memref<128x32xf32, #tpu.memory_space<hbm>>
        %dma_wait3A_955 = arith.constant 0 : i32
        %dma_wait3A_956 = arith.constant 0 : i32
        %dma_wait3A_957 = tpu.memref_slice %arg14[%dma_wait3A_946, %dma_wait3A_955, %dma_wait3A_956] : memref<5x128x32xf32, #tpu.memory_space<vmem>> -> memref<1x128x32xf32, #tpu.memory_space<vmem>>
        %dma_wait3A_958 = tpu.memref_squeeze %dma_wait3A_957 : memref<1x128x32xf32, #tpu.memory_space<vmem>> -> memref<128x32xf32, #tpu.memory_space<vmem>>
        tpu.wait_dma2 semaphore(%arg21 : memref<!tpu.dma_semaphore, #tpu.memory_space<semaphore_mem>>) src(%dma_wait3A_958 : memref<128x32xf32, #tpu.memory_space<vmem>>) dst(%dma_wait3A_954 : memref<128x32xf32, #tpu.memory_space<hbm>>)
      } else {
      }
      %add3A_808 = arith.constant 3 : i32
      %add3A_809 = arith.addi %add3A_713, %add3A_808 : i32
      %lt3A_810 = arith.constant 100 : i32
      %lt3A_811 = arith.cmpi slt, %add3A_809, %lt3A_810 : i32
      %convert_element_type3A_812 = arith.extui %lt3A_811 : i1 to i32
      %cond3A_813 = arith.constant 0 : i32
      %cond3A_814 = arith.cmpi ne, %convert_element_type3A_812, %cond3A_813 : i32
      scf.if %cond3A_814 {
        %add3A_918 = arith.constant 3 : i32
        %add3A_919 = arith.addi %add3A_713, %add3A_918 : i32
        %dma_start3A_920 = arith.constant 1 : i32
        %dma_start3A_921 = arith.constant 0 : i32
        %dma_start3A_922 = arith.constant 0 : i32
        %dma_start3A_923 = tpu.memref_slice %arg12[%dma_start3A_920, %dma_start3A_921, %dma_start3A_922] : memref<5x128x64xf32, #tpu.memory_space<vmem>> -> memref<1x128x64xf32, #tpu.memory_space<vmem>>
        %dma_start3A_924 = tpu.memref_squeeze %dma_start3A_923 : memref<1x128x64xf32, #tpu.memory_space<vmem>> -> memref<128x64xf32, #tpu.memory_space<vmem>>
        %dma_start3A_925 = arith.constant 0 : i32
        %dma_start3A_926 = tpu.memref_slice %arg9[%add3A_919, %dma_start3A_925] : memref<100x128xi32, #tpu.memory_space<vmem>> -> memref<1x128xi32, #tpu.memory_space<vmem>>
        %dma_start3A_927 = tpu.memref_squeeze %dma_start3A_926 : memref<1x128xi32, #tpu.memory_space<vmem>> -> memref<128xi32, #tpu.memory_space<vmem>>
        %dma_start3A_928 = arith.constant 0 : i32
        %dma_start3A_929 = arith.constant 0 : i32
        %dma_start3A_930 = tpu.memref_slice %arg5[%dma_start3A_928, %dma_start3A_929] : memref<1000000x64xf32, #tpu.memory_space<hbm>> -> memref<1000000x64xf32, #tpu.memory_space<hbm>>
        tpu.enqueue_indirect_dma source(%dma_start3A_930 : memref<1000000x64xf32, #tpu.memory_space<hbm>>) target(%dma_start3A_924 : memref<128x64xf32, #tpu.memory_space<vmem>>) offsets(%dma_start3A_927 : memref<128xi32, #tpu.memory_space<vmem>>) semaphore(%arg16 : memref<!tpu.dma_semaphore, #tpu.memory_space<semaphore_mem>>)
        %dma_start3A_931 = arith.constant 1 : i32
        %dma_start3A_932 = arith.constant 0 : i32
        %dma_start3A_933 = arith.constant 0 : i32
        %dma_start3A_934 = tpu.memref_slice %arg13[%dma_start3A_931, %dma_start3A_932, %dma_start3A_933] : memref<5x128x32xf32, #tpu.memory_space<vmem>> -> memref<1x128x32xf32, #tpu.memory_space<vmem>>
        %dma_start3A_935 = tpu.memref_squeeze %dma_start3A_934 : memref<1x128x32xf32, #tpu.memory_space<vmem>> -> memref<128x32xf32, #tpu.memory_space<vmem>>
        %dma_start3A_936 = arith.constant 0 : i32
        %dma_start3A_937 = tpu.memref_slice %arg10[%add3A_919, %dma_start3A_936] : memref<100x128xi32, #tpu.memory_space<vmem>> -> memref<1x128xi32, #tpu.memory_space<vmem>>
        %dma_start3A_938 = tpu.memref_squeeze %dma_start3A_937 : memref<1x128xi32, #tpu.memory_space<vmem>> -> memref<128xi32, #tpu.memory_space<vmem>>
        %dma_start3A_939 = arith.constant 0 : i32
        %dma_start3A_940 = arith.constant 0 : i32
        %dma_start3A_941 = tpu.memref_slice %arg6[%dma_start3A_939, %dma_start3A_940] : memref<400x32xf32, #tpu.memory_space<hbm>> -> memref<400x32xf32, #tpu.memory_space<hbm>>
        tpu.enqueue_indirect_dma source(%dma_start3A_941 : memref<400x32xf32, #tpu.memory_space<hbm>>) target(%dma_start3A_935 : memref<128x32xf32, #tpu.memory_space<vmem>>) offsets(%dma_start3A_938 : memref<128xi32, #tpu.memory_space<vmem>>) semaphore(%arg16 : memref<!tpu.dma_semaphore, #tpu.memory_space<semaphore_mem>>)
        %dma_start3A_942 = arith.constant 1 : i32
        %dma_start3A_943 = arith.constant 0 : i32
        %dma_start3A_944 = arith.constant 0 : i32
        %dma_start3A_945 = tpu.memref_slice %arg14[%dma_start3A_942, %dma_start3A_943, %dma_start3A_944] : memref<5x128x32xf32, #tpu.memory_space<vmem>> -> memref<1x128x32xf32, #tpu.memory_space<vmem>>
        %dma_start3A_946 = tpu.memref_squeeze %dma_start3A_945 : memref<1x128x32xf32, #tpu.memory_space<vmem>> -> memref<128x32xf32, #tpu.memory_space<vmem>>
        %dma_start3A_947 = arith.constant 0 : i32
        %dma_start3A_948 = tpu.memref_slice %arg11[%add3A_919, %dma_start3A_947] : memref<100x128xi32, #tpu.memory_space<vmem>> -> memref<1x128xi32, #tpu.memory_space<vmem>>
        %dma_start3A_949 = tpu.memref_squeeze %dma_start3A_948 : memref<1x128xi32, #tpu.memory_space<vmem>> -> memref<128xi32, #tpu.memory_space<vmem>>
        %dma_start3A_950 = arith.constant 0 : i32
        %dma_start3A_951 = arith.constant 0 : i32
        %dma_start3A_952 = tpu.memref_slice %arg7[%dma_start3A_950, %dma_start3A_951] : memref<400x32xf32, #tpu.memory_space<hbm>> -> memref<400x32xf32, #tpu.memory_space<hbm>>
        tpu.enqueue_indirect_dma source(%dma_start3A_952 : memref<400x32xf32, #tpu.memory_space<hbm>>) target(%dma_start3A_946 : memref<128x32xf32, #tpu.memory_space<vmem>>) offsets(%dma_start3A_949 : memref<128xi32, #tpu.memory_space<vmem>>) semaphore(%arg16 : memref<!tpu.dma_semaphore, #tpu.memory_space<semaphore_mem>>)
      } else {
      }
      %add3A_815 = arith.constant 4 : i32
      %add3A_816 = arith.addi %mul3A_406, %add3A_815 : i32
      %dma_wait3A_817 = arith.constant 4 : i32
      %dma_wait3A_818 = arith.constant 0 : i32
      %dma_wait3A_819 = arith.constant 0 : i32
      %dma_wait3A_820 = tpu.memref_slice %arg12[%dma_wait3A_817, %dma_wait3A_818, %dma_wait3A_819] : memref<5x128x64xf32, #tpu.memory_space<vmem>> -> memref<1x128x64xf32, #tpu.memory_space<vmem>>
      %dma_wait3A_821 = tpu.memref_squeeze %dma_wait3A_820 : memref<1x128x64xf32, #tpu.memory_space<vmem>> -> memref<128x64xf32, #tpu.memory_space<vmem>>
      %dma_wait3A_822 = arith.constant 0 : i32
      %dma_wait3A_823 = arith.constant 0 : i32
      %dma_wait3A_824 = tpu.memref_slice %arg5[%dma_wait3A_822, %dma_wait3A_823] : memref<1000000x64xf32, #tpu.memory_space<hbm>> -> memref<128x64xf32, #tpu.memory_space<hbm>>
      %dma_wait3A_825 = arith.constant 0 : i32
      %dma_wait3A_826 = arith.constant 0 : i32
      %dma_wait3A_827 = tpu.memref_slice %arg12[%dma_wait3A_817, %dma_wait3A_825, %dma_wait3A_826] : memref<5x128x64xf32, #tpu.memory_space<vmem>> -> memref<1x128x64xf32, #tpu.memory_space<vmem>>
      %dma_wait3A_828 = tpu.memref_squeeze %dma_wait3A_827 : memref<1x128x64xf32, #tpu.memory_space<vmem>> -> memref<128x64xf32, #tpu.memory_space<vmem>>
      %dma_wait3A_829 = arith.constant 0 : i32
      %dma_wait3A_830 = arith.constant 0 : i32
      %dma_wait3A_831 = tpu.memref_slice %arg5[%dma_wait3A_829, %dma_wait3A_830] : memref<1000000x64xf32, #tpu.memory_space<hbm>> -> memref<128x64xf32, #tpu.memory_space<hbm>>
      tpu.wait_dma2 semaphore(%arg19 : memref<!tpu.dma_semaphore, #tpu.memory_space<semaphore_mem>>) src(%dma_wait3A_831 : memref<128x64xf32, #tpu.memory_space<hbm>>) dst(%dma_wait3A_828 : memref<128x64xf32, #tpu.memory_space<vmem>>)
      %dma_wait3A_832 = arith.constant 4 : i32
      %dma_wait3A_833 = arith.constant 0 : i32
      %dma_wait3A_834 = arith.constant 0 : i32
      %dma_wait3A_835 = tpu.memref_slice %arg13[%dma_wait3A_832, %dma_wait3A_833, %dma_wait3A_834] : memref<5x128x32xf32, #tpu.memory_space<vmem>> -> memref<1x128x32xf32, #tpu.memory_space<vmem>>
      %dma_wait3A_836 = tpu.memref_squeeze %dma_wait3A_835 : memref<1x128x32xf32, #tpu.memory_space<vmem>> -> memref<128x32xf32, #tpu.memory_space<vmem>>
      %dma_wait3A_837 = arith.constant 0 : i32
      %dma_wait3A_838 = arith.constant 0 : i32
      %dma_wait3A_839 = tpu.memref_slice %arg6[%dma_wait3A_837, %dma_wait3A_838] : memref<400x32xf32, #tpu.memory_space<hbm>> -> memref<128x32xf32, #tpu.memory_space<hbm>>
      %dma_wait3A_840 = arith.constant 0 : i32
      %dma_wait3A_841 = arith.constant 0 : i32
      %dma_wait3A_842 = tpu.memref_slice %arg13[%dma_wait3A_832, %dma_wait3A_840, %dma_wait3A_841] : memref<5x128x32xf32, #tpu.memory_space<vmem>> -> memref<1x128x32xf32, #tpu.memory_space<vmem>>
      %dma_wait3A_843 = tpu.memref_squeeze %dma_wait3A_842 : memref<1x128x32xf32, #tpu.memory_space<vmem>> -> memref<128x32xf32, #tpu.memory_space<vmem>>
      %dma_wait3A_844 = arith.constant 0 : i32
      %dma_wait3A_845 = arith.constant 0 : i32
      %dma_wait3A_846 = tpu.memref_slice %arg6[%dma_wait3A_844, %dma_wait3A_845] : memref<400x32xf32, #tpu.memory_space<hbm>> -> memref<128x32xf32, #tpu.memory_space<hbm>>
      tpu.wait_dma2 semaphore(%arg19 : memref<!tpu.dma_semaphore, #tpu.memory_space<semaphore_mem>>) src(%dma_wait3A_846 : memref<128x32xf32, #tpu.memory_space<hbm>>) dst(%dma_wait3A_843 : memref<128x32xf32, #tpu.memory_space<vmem>>)
      %dma_wait3A_847 = arith.constant 4 : i32
      %dma_wait3A_848 = arith.constant 0 : i32
      %dma_wait3A_849 = arith.constant 0 : i32
      %dma_wait3A_850 = tpu.memref_slice %arg14[%dma_wait3A_847, %dma_wait3A_848, %dma_wait3A_849] : memref<5x128x32xf32, #tpu.memory_space<vmem>> -> memref<1x128x32xf32, #tpu.memory_space<vmem>>
      %dma_wait3A_851 = tpu.memref_squeeze %dma_wait3A_850 : memref<1x128x32xf32, #tpu.memory_space<vmem>> -> memref<128x32xf32, #tpu.memory_space<vmem>>
      %dma_wait3A_852 = arith.constant 0 : i32
      %dma_wait3A_853 = arith.constant 0 : i32
      %dma_wait3A_854 = tpu.memref_slice %arg7[%dma_wait3A_852, %dma_wait3A_853] : memref<400x32xf32, #tpu.memory_space<hbm>> -> memref<128x32xf32, #tpu.memory_space<hbm>>
      %dma_wait3A_855 = arith.constant 0 : i32
      %dma_wait3A_856 = arith.constant 0 : i32
      %dma_wait3A_857 = tpu.memref_slice %arg14[%dma_wait3A_847, %dma_wait3A_855, %dma_wait3A_856] : memref<5x128x32xf32, #tpu.memory_space<vmem>> -> memref<1x128x32xf32, #tpu.memory_space<vmem>>
      %dma_wait3A_858 = tpu.memref_squeeze %dma_wait3A_857 : memref<1x128x32xf32, #tpu.memory_space<vmem>> -> memref<128x32xf32, #tpu.memory_space<vmem>>
      %dma_wait3A_859 = arith.constant 0 : i32
      %dma_wait3A_860 = arith.constant 0 : i32
      %dma_wait3A_861 = tpu.memref_slice %arg7[%dma_wait3A_859, %dma_wait3A_860] : memref<400x32xf32, #tpu.memory_space<hbm>> -> memref<128x32xf32, #tpu.memory_space<hbm>>
      tpu.wait_dma2 semaphore(%arg19 : memref<!tpu.dma_semaphore, #tpu.memory_space<semaphore_mem>>) src(%dma_wait3A_861 : memref<128x32xf32, #tpu.memory_space<hbm>>) dst(%dma_wait3A_858 : memref<128x32xf32, #tpu.memory_space<vmem>>)
      %add3A_862 = arith.constant 0 : i32
      %add3A_863 = arith.addi %mul3A_2, %add3A_862 : i32
      %add3A_864 = arith.addi %add3A_863, %add3A_816 : i32
      %mul3A_865 = arith.constant 128 : i32
      %mul3A_866 = arith.muli %add3A_864, %mul3A_865 : i32
      %dma_start3A_867 = arith.constant 4 : i32
      %dma_start3A_868 = arith.constant 0 : i32
      %dma_start3A_869 = arith.constant 0 : i32
      %dma_start3A_870 = tpu.memref_slice %arg12[%dma_start3A_867, %dma_start3A_868, %dma_start3A_869] : memref<5x128x64xf32, #tpu.memory_space<vmem>> -> memref<1x128x64xf32, #tpu.memory_space<vmem>>
      %dma_start3A_871 = tpu.memref_squeeze %dma_start3A_870 : memref<1x128x64xf32, #tpu.memory_space<vmem>> -> memref<128x64xf32, #tpu.memory_space<vmem>>
      %dma_start3A_872 = arith.constant 0 : i32
      %dma_start3A_873 = tpu.memref_slice %arg8[%mul3A_866, %dma_start3A_872] : memref<819200x128xf32, #tpu.memory_space<hbm>> -> memref<128x64xf32, #tpu.memory_space<hbm>>
      %dma_start3A_874 = arith.constant 0 : i32
      %dma_start3A_875 = tpu.memref_slice %arg8[%mul3A_866, %dma_start3A_874] : memref<819200x128xf32, #tpu.memory_space<hbm>> -> memref<128x64xf32, #tpu.memory_space<hbm>>
      %dma_start3A_876 = arith.constant 0 : i32
      %dma_start3A_877 = arith.constant 0 : i32
      %dma_start3A_878 = tpu.memref_slice %arg12[%dma_start3A_867, %dma_start3A_876, %dma_start3A_877] : memref<5x128x64xf32, #tpu.memory_space<vmem>> -> memref<1x128x64xf32, #tpu.memory_space<vmem>>
      %dma_start3A_879 = tpu.memref_squeeze %dma_start3A_878 : memref<1x128x64xf32, #tpu.memory_space<vmem>> -> memref<128x64xf32, #tpu.memory_space<vmem>>
      tpu.enqueue_dma source(%dma_start3A_879 : memref<128x64xf32, #tpu.memory_space<vmem>>) target(%dma_start3A_875 : memref<128x64xf32, #tpu.memory_space<hbm>>) target_semaphore(%arg24 : memref<!tpu.dma_semaphore, #tpu.memory_space<semaphore_mem>>)
      %dma_start3A_880 = arith.constant 4 : i32
      %dma_start3A_881 = arith.constant 0 : i32
      %dma_start3A_882 = arith.constant 0 : i32
      %dma_start3A_883 = tpu.memref_slice %arg13[%dma_start3A_880, %dma_start3A_881, %dma_start3A_882] : memref<5x128x32xf32, #tpu.memory_space<vmem>> -> memref<1x128x32xf32, #tpu.memory_space<vmem>>
      %dma_start3A_884 = tpu.memref_squeeze %dma_start3A_883 : memref<1x128x32xf32, #tpu.memory_space<vmem>> -> memref<128x32xf32, #tpu.memory_space<vmem>>
      %dma_start3A_885 = arith.constant 64 : i32
      %dma_start3A_886 = tpu.memref_slice %arg8[%mul3A_866, %dma_start3A_885] : memref<819200x128xf32, #tpu.memory_space<hbm>> -> memref<128x32xf32, #tpu.memory_space<hbm>>
      %dma_start3A_887 = arith.constant 64 : i32
      %dma_start3A_888 = tpu.memref_slice %arg8[%mul3A_866, %dma_start3A_887] : memref<819200x128xf32, #tpu.memory_space<hbm>> -> memref<128x32xf32, #tpu.memory_space<hbm>>
      %dma_start3A_889 = arith.constant 0 : i32
      %dma_start3A_890 = arith.constant 0 : i32
      %dma_start3A_891 = tpu.memref_slice %arg13[%dma_start3A_880, %dma_start3A_889, %dma_start3A_890] : memref<5x128x32xf32, #tpu.memory_space<vmem>> -> memref<1x128x32xf32, #tpu.memory_space<vmem>>
      %dma_start3A_892 = tpu.memref_squeeze %dma_start3A_891 : memref<1x128x32xf32, #tpu.memory_space<vmem>> -> memref<128x32xf32, #tpu.memory_space<vmem>>
      tpu.enqueue_dma source(%dma_start3A_892 : memref<128x32xf32, #tpu.memory_space<vmem>>) target(%dma_start3A_888 : memref<128x32xf32, #tpu.memory_space<hbm>>) target_semaphore(%arg24 : memref<!tpu.dma_semaphore, #tpu.memory_space<semaphore_mem>>)
      %dma_start3A_893 = arith.constant 4 : i32
      %dma_start3A_894 = arith.constant 0 : i32
      %dma_start3A_895 = arith.constant 0 : i32
      %dma_start3A_896 = tpu.memref_slice %arg14[%dma_start3A_893, %dma_start3A_894, %dma_start3A_895] : memref<5x128x32xf32, #tpu.memory_space<vmem>> -> memref<1x128x32xf32, #tpu.memory_space<vmem>>
      %dma_start3A_897 = tpu.memref_squeeze %dma_start3A_896 : memref<1x128x32xf32, #tpu.memory_space<vmem>> -> memref<128x32xf32, #tpu.memory_space<vmem>>
      %dma_start3A_898 = arith.constant 96 : i32
      %dma_start3A_899 = tpu.memref_slice %arg8[%mul3A_866, %dma_start3A_898] : memref<819200x128xf32, #tpu.memory_space<hbm>> -> memref<128x32xf32, #tpu.memory_space<hbm>>
      %dma_start3A_900 = arith.constant 96 : i32
      %dma_start3A_901 = tpu.memref_slice %arg8[%mul3A_866, %dma_start3A_900] : memref<819200x128xf32, #tpu.memory_space<hbm>> -> memref<128x32xf32, #tpu.memory_space<hbm>>
      %dma_start3A_902 = arith.constant 0 : i32
      %dma_start3A_903 = arith.constant 0 : i32
      %dma_start3A_904 = tpu.memref_slice %arg14[%dma_start3A_893, %dma_start3A_902, %dma_start3A_903] : memref<5x128x32xf32, #tpu.memory_space<vmem>> -> memref<1x128x32xf32, #tpu.memory_space<vmem>>
      %dma_start3A_905 = tpu.memref_squeeze %dma_start3A_904 : memref<1x128x32xf32, #tpu.memory_space<vmem>> -> memref<128x32xf32, #tpu.memory_space<vmem>>
      tpu.enqueue_dma source(%dma_start3A_905 : memref<128x32xf32, #tpu.memory_space<vmem>>) target(%dma_start3A_901 : memref<128x32xf32, #tpu.memory_space<hbm>>) target_semaphore(%arg24 : memref<!tpu.dma_semaphore, #tpu.memory_space<semaphore_mem>>)
      %ge3A_906 = arith.constant 2 : i32
      %ge3A_907 = arith.cmpi sge, %add3A_816, %ge3A_906 : i32
      %convert_element_type3A_908 = arith.extui %ge3A_907 : i1 to i32
      %cond3A_909 = arith.constant 0 : i32
      %cond3A_910 = arith.cmpi ne, %convert_element_type3A_908, %cond3A_909 : i32
      scf.if %cond3A_910 {
        %mul3A_918 = arith.constant 128 : i32
        %mul3A_919 = arith.muli %mul3A_2, %mul3A_918 : i32
        %dma_wait3A_920 = arith.constant 2 : i32
        %dma_wait3A_921 = arith.constant 0 : i32
        %dma_wait3A_922 = arith.constant 0 : i32
        %dma_wait3A_923 = tpu.memref_slice %arg12[%dma_wait3A_920, %dma_wait3A_921, %dma_wait3A_922] : memref<5x128x64xf32, #tpu.memory_space<vmem>> -> memref<1x128x64xf32, #tpu.memory_space<vmem>>
        %dma_wait3A_924 = tpu.memref_squeeze %dma_wait3A_923 : memref<1x128x64xf32, #tpu.memory_space<vmem>> -> memref<128x64xf32, #tpu.memory_space<vmem>>
        %dma_wait3A_925 = arith.constant 0 : i32
        %dma_wait3A_926 = tpu.memref_slice %arg8[%mul3A_919, %dma_wait3A_925] : memref<819200x128xf32, #tpu.memory_space<hbm>> -> memref<128x64xf32, #tpu.memory_space<hbm>>
        %dma_wait3A_927 = arith.constant 0 : i32
        %dma_wait3A_928 = tpu.memref_slice %arg8[%mul3A_919, %dma_wait3A_927] : memref<819200x128xf32, #tpu.memory_space<hbm>> -> memref<128x64xf32, #tpu.memory_space<hbm>>
        %dma_wait3A_929 = arith.constant 0 : i32
        %dma_wait3A_930 = arith.constant 0 : i32
        %dma_wait3A_931 = tpu.memref_slice %arg12[%dma_wait3A_920, %dma_wait3A_929, %dma_wait3A_930] : memref<5x128x64xf32, #tpu.memory_space<vmem>> -> memref<1x128x64xf32, #tpu.memory_space<vmem>>
        %dma_wait3A_932 = tpu.memref_squeeze %dma_wait3A_931 : memref<1x128x64xf32, #tpu.memory_space<vmem>> -> memref<128x64xf32, #tpu.memory_space<vmem>>
        tpu.wait_dma2 semaphore(%arg22 : memref<!tpu.dma_semaphore, #tpu.memory_space<semaphore_mem>>) src(%dma_wait3A_932 : memref<128x64xf32, #tpu.memory_space<vmem>>) dst(%dma_wait3A_928 : memref<128x64xf32, #tpu.memory_space<hbm>>)
        %dma_wait3A_933 = arith.constant 2 : i32
        %dma_wait3A_934 = arith.constant 0 : i32
        %dma_wait3A_935 = arith.constant 0 : i32
        %dma_wait3A_936 = tpu.memref_slice %arg13[%dma_wait3A_933, %dma_wait3A_934, %dma_wait3A_935] : memref<5x128x32xf32, #tpu.memory_space<vmem>> -> memref<1x128x32xf32, #tpu.memory_space<vmem>>
        %dma_wait3A_937 = tpu.memref_squeeze %dma_wait3A_936 : memref<1x128x32xf32, #tpu.memory_space<vmem>> -> memref<128x32xf32, #tpu.memory_space<vmem>>
        %dma_wait3A_938 = arith.constant 64 : i32
        %dma_wait3A_939 = tpu.memref_slice %arg8[%mul3A_919, %dma_wait3A_938] : memref<819200x128xf32, #tpu.memory_space<hbm>> -> memref<128x32xf32, #tpu.memory_space<hbm>>
        %dma_wait3A_940 = arith.constant 64 : i32
        %dma_wait3A_941 = tpu.memref_slice %arg8[%mul3A_919, %dma_wait3A_940] : memref<819200x128xf32, #tpu.memory_space<hbm>> -> memref<128x32xf32, #tpu.memory_space<hbm>>
        %dma_wait3A_942 = arith.constant 0 : i32
        %dma_wait3A_943 = arith.constant 0 : i32
        %dma_wait3A_944 = tpu.memref_slice %arg13[%dma_wait3A_933, %dma_wait3A_942, %dma_wait3A_943] : memref<5x128x32xf32, #tpu.memory_space<vmem>> -> memref<1x128x32xf32, #tpu.memory_space<vmem>>
        %dma_wait3A_945 = tpu.memref_squeeze %dma_wait3A_944 : memref<1x128x32xf32, #tpu.memory_space<vmem>> -> memref<128x32xf32, #tpu.memory_space<vmem>>
        tpu.wait_dma2 semaphore(%arg22 : memref<!tpu.dma_semaphore, #tpu.memory_space<semaphore_mem>>) src(%dma_wait3A_945 : memref<128x32xf32, #tpu.memory_space<vmem>>) dst(%dma_wait3A_941 : memref<128x32xf32, #tpu.memory_space<hbm>>)
        %dma_wait3A_946 = arith.constant 2 : i32
        %dma_wait3A_947 = arith.constant 0 : i32
        %dma_wait3A_948 = arith.constant 0 : i32
        %dma_wait3A_949 = tpu.memref_slice %arg14[%dma_wait3A_946, %dma_wait3A_947, %dma_wait3A_948] : memref<5x128x32xf32, #tpu.memory_space<vmem>> -> memref<1x128x32xf32, #tpu.memory_space<vmem>>
        %dma_wait3A_950 = tpu.memref_squeeze %dma_wait3A_949 : memref<1x128x32xf32, #tpu.memory_space<vmem>> -> memref<128x32xf32, #tpu.memory_space<vmem>>
        %dma_wait3A_951 = arith.constant 96 : i32
        %dma_wait3A_952 = tpu.memref_slice %arg8[%mul3A_919, %dma_wait3A_951] : memref<819200x128xf32, #tpu.memory_space<hbm>> -> memref<128x32xf32, #tpu.memory_space<hbm>>
        %dma_wait3A_953 = arith.constant 96 : i32
        %dma_wait3A_954 = tpu.memref_slice %arg8[%mul3A_919, %dma_wait3A_953] : memref<819200x128xf32, #tpu.memory_space<hbm>> -> memref<128x32xf32, #tpu.memory_space<hbm>>
        %dma_wait3A_955 = arith.constant 0 : i32
        %dma_wait3A_956 = arith.constant 0 : i32
        %dma_wait3A_957 = tpu.memref_slice %arg14[%dma_wait3A_946, %dma_wait3A_955, %dma_wait3A_956] : memref<5x128x32xf32, #tpu.memory_space<vmem>> -> memref<1x128x32xf32, #tpu.memory_space<vmem>>
        %dma_wait3A_958 = tpu.memref_squeeze %dma_wait3A_957 : memref<1x128x32xf32, #tpu.memory_space<vmem>> -> memref<128x32xf32, #tpu.memory_space<vmem>>
        tpu.wait_dma2 semaphore(%arg22 : memref<!tpu.dma_semaphore, #tpu.memory_space<semaphore_mem>>) src(%dma_wait3A_958 : memref<128x32xf32, #tpu.memory_space<vmem>>) dst(%dma_wait3A_954 : memref<128x32xf32, #tpu.memory_space<hbm>>)
      } else {
      }
      %add3A_911 = arith.constant 3 : i32
      %add3A_912 = arith.addi %add3A_816, %add3A_911 : i32
      %lt3A_913 = arith.constant 100 : i32
      %lt3A_914 = arith.cmpi slt, %add3A_912, %lt3A_913 : i32
      %convert_element_type3A_915 = arith.extui %lt3A_914 : i1 to i32
      %cond3A_916 = arith.constant 0 : i32
      %cond3A_917 = arith.cmpi ne, %convert_element_type3A_915, %cond3A_916 : i32
      scf.if %cond3A_917 {
        %add3A_918 = arith.constant 3 : i32
        %add3A_919 = arith.addi %add3A_816, %add3A_918 : i32
        %dma_start3A_920 = arith.constant 2 : i32
        %dma_start3A_921 = arith.constant 0 : i32
        %dma_start3A_922 = arith.constant 0 : i32
        %dma_start3A_923 = tpu.memref_slice %arg12[%dma_start3A_920, %dma_start3A_921, %dma_start3A_922] : memref<5x128x64xf32, #tpu.memory_space<vmem>> -> memref<1x128x64xf32, #tpu.memory_space<vmem>>
        %dma_start3A_924 = tpu.memref_squeeze %dma_start3A_923 : memref<1x128x64xf32, #tpu.memory_space<vmem>> -> memref<128x64xf32, #tpu.memory_space<vmem>>
        %dma_start3A_925 = arith.constant 0 : i32
        %dma_start3A_926 = tpu.memref_slice %arg9[%add3A_919, %dma_start3A_925] : memref<100x128xi32, #tpu.memory_space<vmem>> -> memref<1x128xi32, #tpu.memory_space<vmem>>
        %dma_start3A_927 = tpu.memref_squeeze %dma_start3A_926 : memref<1x128xi32, #tpu.memory_space<vmem>> -> memref<128xi32, #tpu.memory_space<vmem>>
        %dma_start3A_928 = arith.constant 0 : i32
        %dma_start3A_929 = arith.constant 0 : i32
        %dma_start3A_930 = tpu.memref_slice %arg5[%dma_start3A_928, %dma_start3A_929] : memref<1000000x64xf32, #tpu.memory_space<hbm>> -> memref<1000000x64xf32, #tpu.memory_space<hbm>>
        tpu.enqueue_indirect_dma source(%dma_start3A_930 : memref<1000000x64xf32, #tpu.memory_space<hbm>>) target(%dma_start3A_924 : memref<128x64xf32, #tpu.memory_space<vmem>>) offsets(%dma_start3A_927 : memref<128xi32, #tpu.memory_space<vmem>>) semaphore(%arg17 : memref<!tpu.dma_semaphore, #tpu.memory_space<semaphore_mem>>)
        %dma_start3A_931 = arith.constant 2 : i32
        %dma_start3A_932 = arith.constant 0 : i32
        %dma_start3A_933 = arith.constant 0 : i32
        %dma_start3A_934 = tpu.memref_slice %arg13[%dma_start3A_931, %dma_start3A_932, %dma_start3A_933] : memref<5x128x32xf32, #tpu.memory_space<vmem>> -> memref<1x128x32xf32, #tpu.memory_space<vmem>>
        %dma_start3A_935 = tpu.memref_squeeze %dma_start3A_934 : memref<1x128x32xf32, #tpu.memory_space<vmem>> -> memref<128x32xf32, #tpu.memory_space<vmem>>
        %dma_start3A_936 = arith.constant 0 : i32
        %dma_start3A_937 = tpu.memref_slice %arg10[%add3A_919, %dma_start3A_936] : memref<100x128xi32, #tpu.memory_space<vmem>> -> memref<1x128xi32, #tpu.memory_space<vmem>>
        %dma_start3A_938 = tpu.memref_squeeze %dma_start3A_937 : memref<1x128xi32, #tpu.memory_space<vmem>> -> memref<128xi32, #tpu.memory_space<vmem>>
        %dma_start3A_939 = arith.constant 0 : i32
        %dma_start3A_940 = arith.constant 0 : i32
        %dma_start3A_941 = tpu.memref_slice %arg6[%dma_start3A_939, %dma_start3A_940] : memref<400x32xf32, #tpu.memory_space<hbm>> -> memref<400x32xf32, #tpu.memory_space<hbm>>
        tpu.enqueue_indirect_dma source(%dma_start3A_941 : memref<400x32xf32, #tpu.memory_space<hbm>>) target(%dma_start3A_935 : memref<128x32xf32, #tpu.memory_space<vmem>>) offsets(%dma_start3A_938 : memref<128xi32, #tpu.memory_space<vmem>>) semaphore(%arg17 : memref<!tpu.dma_semaphore, #tpu.memory_space<semaphore_mem>>)
        %dma_start3A_942 = arith.constant 2 : i32
        %dma_start3A_943 = arith.constant 0 : i32
        %dma_start3A_944 = arith.constant 0 : i32
        %dma_start3A_945 = tpu.memref_slice %arg14[%dma_start3A_942, %dma_start3A_943, %dma_start3A_944] : memref<5x128x32xf32, #tpu.memory_space<vmem>> -> memref<1x128x32xf32, #tpu.memory_space<vmem>>
        %dma_start3A_946 = tpu.memref_squeeze %dma_start3A_945 : memref<1x128x32xf32, #tpu.memory_space<vmem>> -> memref<128x32xf32, #tpu.memory_space<vmem>>
        %dma_start3A_947 = arith.constant 0 : i32
        %dma_start3A_948 = tpu.memref_slice %arg11[%add3A_919, %dma_start3A_947] : memref<100x128xi32, #tpu.memory_space<vmem>> -> memref<1x128xi32, #tpu.memory_space<vmem>>
        %dma_start3A_949 = tpu.memref_squeeze %dma_start3A_948 : memref<1x128xi32, #tpu.memory_space<vmem>> -> memref<128xi32, #tpu.memory_space<vmem>>
        %dma_start3A_950 = arith.constant 0 : i32
        %dma_start3A_951 = arith.constant 0 : i32
        %dma_start3A_952 = tpu.memref_slice %arg7[%dma_start3A_950, %dma_start3A_951] : memref<400x32xf32, #tpu.memory_space<hbm>> -> memref<400x32xf32, #tpu.memory_space<hbm>>
        tpu.enqueue_indirect_dma source(%dma_start3A_952 : memref<400x32xf32, #tpu.memory_space<hbm>>) target(%dma_start3A_946 : memref<128x32xf32, #tpu.memory_space<vmem>>) offsets(%dma_start3A_949 : memref<128xi32, #tpu.memory_space<vmem>>) semaphore(%arg17 : memref<!tpu.dma_semaphore, #tpu.memory_space<semaphore_mem>>)
      } else {
      }
    }
    %scan3A_120 = arith.constant 20 : i32
    %mul3A_121 = arith.constant 128 : i32
    %mul3A_122 = arith.muli %mul3A_2, %mul3A_121 : i32
    %dma_wait3A = arith.constant 3 : i32
    %dma_wait3A_123 = arith.constant 0 : i32
    %dma_wait3A_124 = arith.constant 0 : i32
    %dma_wait3A_125 = tpu.memref_slice %arg12[%dma_wait3A, %dma_wait3A_123, %dma_wait3A_124] : memref<5x128x64xf32, #tpu.memory_space<vmem>> -> memref<1x128x64xf32, #tpu.memory_space<vmem>>
    %dma_wait3A_126 = tpu.memref_squeeze %dma_wait3A_125 : memref<1x128x64xf32, #tpu.memory_space<vmem>> -> memref<128x64xf32, #tpu.memory_space<vmem>>
    %dma_wait3A_127 = arith.constant 0 : i32
    %dma_wait3A_128 = tpu.memref_slice %arg8[%mul3A_122, %dma_wait3A_127] : memref<819200x128xf32, #tpu.memory_space<hbm>> -> memref<128x64xf32, #tpu.memory_space<hbm>>
    %dma_wait3A_129 = arith.constant 0 : i32
    %dma_wait3A_130 = tpu.memref_slice %arg8[%mul3A_122, %dma_wait3A_129] : memref<819200x128xf32, #tpu.memory_space<hbm>> -> memref<128x64xf32, #tpu.memory_space<hbm>>
    %dma_wait3A_131 = arith.constant 0 : i32
    %dma_wait3A_132 = arith.constant 0 : i32
    %dma_wait3A_133 = tpu.memref_slice %arg12[%dma_wait3A, %dma_wait3A_131, %dma_wait3A_132] : memref<5x128x64xf32, #tpu.memory_space<vmem>> -> memref<1x128x64xf32, #tpu.memory_space<vmem>>
    %dma_wait3A_134 = tpu.memref_squeeze %dma_wait3A_133 : memref<1x128x64xf32, #tpu.memory_space<vmem>> -> memref<128x64xf32, #tpu.memory_space<vmem>>
    tpu.wait_dma2 semaphore(%arg23 : memref<!tpu.dma_semaphore, #tpu.memory_space<semaphore_mem>>) src(%dma_wait3A_134 : memref<128x64xf32, #tpu.memory_space<vmem>>) dst(%dma_wait3A_130 : memref<128x64xf32, #tpu.memory_space<hbm>>)
    %dma_wait3A_135 = arith.constant 3 : i32
    %dma_wait3A_136 = arith.constant 0 : i32
    %dma_wait3A_137 = arith.constant 0 : i32
    %dma_wait3A_138 = tpu.memref_slice %arg13[%dma_wait3A_135, %dma_wait3A_136, %dma_wait3A_137] : memref<5x128x32xf32, #tpu.memory_space<vmem>> -> memref<1x128x32xf32, #tpu.memory_space<vmem>>
    %dma_wait3A_139 = tpu.memref_squeeze %dma_wait3A_138 : memref<1x128x32xf32, #tpu.memory_space<vmem>> -> memref<128x32xf32, #tpu.memory_space<vmem>>
    %dma_wait3A_140 = arith.constant 64 : i32
    %dma_wait3A_141 = tpu.memref_slice %arg8[%mul3A_122, %dma_wait3A_140] : memref<819200x128xf32, #tpu.memory_space<hbm>> -> memref<128x32xf32, #tpu.memory_space<hbm>>
    %dma_wait3A_142 = arith.constant 64 : i32
    %dma_wait3A_143 = tpu.memref_slice %arg8[%mul3A_122, %dma_wait3A_142] : memref<819200x128xf32, #tpu.memory_space<hbm>> -> memref<128x32xf32, #tpu.memory_space<hbm>>
    %dma_wait3A_144 = arith.constant 0 : i32
    %dma_wait3A_145 = arith.constant 0 : i32
    %dma_wait3A_146 = tpu.memref_slice %arg13[%dma_wait3A_135, %dma_wait3A_144, %dma_wait3A_145] : memref<5x128x32xf32, #tpu.memory_space<vmem>> -> memref<1x128x32xf32, #tpu.memory_space<vmem>>
    %dma_wait3A_147 = tpu.memref_squeeze %dma_wait3A_146 : memref<1x128x32xf32, #tpu.memory_space<vmem>> -> memref<128x32xf32, #tpu.memory_space<vmem>>
    tpu.wait_dma2 semaphore(%arg23 : memref<!tpu.dma_semaphore, #tpu.memory_space<semaphore_mem>>) src(%dma_wait3A_147 : memref<128x32xf32, #tpu.memory_space<vmem>>) dst(%dma_wait3A_143 : memref<128x32xf32, #tpu.memory_space<hbm>>)
    %dma_wait3A_148 = arith.constant 3 : i32
    %dma_wait3A_149 = arith.constant 0 : i32
    %dma_wait3A_150 = arith.constant 0 : i32
    %dma_wait3A_151 = tpu.memref_slice %arg14[%dma_wait3A_148, %dma_wait3A_149, %dma_wait3A_150] : memref<5x128x32xf32, #tpu.memory_space<vmem>> -> memref<1x128x32xf32, #tpu.memory_space<vmem>>
    %dma_wait3A_152 = tpu.memref_squeeze %dma_wait3A_151 : memref<1x128x32xf32, #tpu.memory_space<vmem>> -> memref<128x32xf32, #tpu.memory_space<vmem>>
    %dma_wait3A_153 = arith.constant 96 : i32
    %dma_wait3A_154 = tpu.memref_slice %arg8[%mul3A_122, %dma_wait3A_153] : memref<819200x128xf32, #tpu.memory_space<hbm>> -> memref<128x32xf32, #tpu.memory_space<hbm>>
    %dma_wait3A_155 = arith.constant 96 : i32
    %dma_wait3A_156 = tpu.memref_slice %arg8[%mul3A_122, %dma_wait3A_155] : memref<819200x128xf32, #tpu.memory_space<hbm>> -> memref<128x32xf32, #tpu.memory_space<hbm>>
    %dma_wait3A_157 = arith.constant 0 : i32
    %dma_wait3A_158 = arith.constant 0 : i32
    %dma_wait3A_159 = tpu.memref_slice %arg14[%dma_wait3A_148, %dma_wait3A_157, %dma_wait3A_158] : memref<5x128x32xf32, #tpu.memory_space<vmem>> -> memref<1x128x32xf32, #tpu.memory_space<vmem>>
    %dma_wait3A_160 = tpu.memref_squeeze %dma_wait3A_159 : memref<1x128x32xf32, #tpu.memory_space<vmem>> -> memref<128x32xf32, #tpu.memory_space<vmem>>
    tpu.wait_dma2 semaphore(%arg23 : memref<!tpu.dma_semaphore, #tpu.memory_space<semaphore_mem>>) src(%dma_wait3A_160 : memref<128x32xf32, #tpu.memory_space<vmem>>) dst(%dma_wait3A_156 : memref<128x32xf32, #tpu.memory_space<hbm>>)
    %mul3A_161 = arith.constant 128 : i32
    %mul3A_162 = arith.muli %mul3A_2, %mul3A_161 : i32
    %dma_wait3A_163 = arith.constant 4 : i32
    %dma_wait3A_164 = arith.constant 0 : i32
    %dma_wait3A_165 = arith.constant 0 : i32
    %dma_wait3A_166 = tpu.memref_slice %arg12[%dma_wait3A_163, %dma_wait3A_164, %dma_wait3A_165] : memref<5x128x64xf32, #tpu.memory_space<vmem>> -> memref<1x128x64xf32, #tpu.memory_space<vmem>>
    %dma_wait3A_167 = tpu.memref_squeeze %dma_wait3A_166 : memref<1x128x64xf32, #tpu.memory_space<vmem>> -> memref<128x64xf32, #tpu.memory_space<vmem>>
    %dma_wait3A_168 = arith.constant 0 : i32
    %dma_wait3A_169 = tpu.memref_slice %arg8[%mul3A_162, %dma_wait3A_168] : memref<819200x128xf32, #tpu.memory_space<hbm>> -> memref<128x64xf32, #tpu.memory_space<hbm>>
    %dma_wait3A_170 = arith.constant 0 : i32
    %dma_wait3A_171 = tpu.memref_slice %arg8[%mul3A_162, %dma_wait3A_170] : memref<819200x128xf32, #tpu.memory_space<hbm>> -> memref<128x64xf32, #tpu.memory_space<hbm>>
    %dma_wait3A_172 = arith.constant 0 : i32
    %dma_wait3A_173 = arith.constant 0 : i32
    %dma_wait3A_174 = tpu.memref_slice %arg12[%dma_wait3A_163, %dma_wait3A_172, %dma_wait3A_173] : memref<5x128x64xf32, #tpu.memory_space<vmem>> -> memref<1x128x64xf32, #tpu.memory_space<vmem>>
    %dma_wait3A_175 = tpu.memref_squeeze %dma_wait3A_174 : memref<1x128x64xf32, #tpu.memory_space<vmem>> -> memref<128x64xf32, #tpu.memory_space<vmem>>
    tpu.wait_dma2 semaphore(%arg24 : memref<!tpu.dma_semaphore, #tpu.memory_space<semaphore_mem>>) src(%dma_wait3A_175 : memref<128x64xf32, #tpu.memory_space<vmem>>) dst(%dma_wait3A_171 : memref<128x64xf32, #tpu.memory_space<hbm>>)
    %dma_wait3A_176 = arith.constant 4 : i32
    %dma_wait3A_177 = arith.constant 0 : i32
    %dma_wait3A_178 = arith.constant 0 : i32
    %dma_wait3A_179 = tpu.memref_slice %arg13[%dma_wait3A_176, %dma_wait3A_177, %dma_wait3A_178] : memref<5x128x32xf32, #tpu.memory_space<vmem>> -> memref<1x128x32xf32, #tpu.memory_space<vmem>>
    %dma_wait3A_180 = tpu.memref_squeeze %dma_wait3A_179 : memref<1x128x32xf32, #tpu.memory_space<vmem>> -> memref<128x32xf32, #tpu.memory_space<vmem>>
    %dma_wait3A_181 = arith.constant 64 : i32
    %dma_wait3A_182 = tpu.memref_slice %arg8[%mul3A_162, %dma_wait3A_181] : memref<819200x128xf32, #tpu.memory_space<hbm>> -> memref<128x32xf32, #tpu.memory_space<hbm>>
    %dma_wait3A_183 = arith.constant 64 : i32
    %dma_wait3A_184 = tpu.memref_slice %arg8[%mul3A_162, %dma_wait3A_183] : memref<819200x128xf32, #tpu.memory_space<hbm>> -> memref<128x32xf32, #tpu.memory_space<hbm>>
    %dma_wait3A_185 = arith.constant 0 : i32
    %dma_wait3A_186 = arith.constant 0 : i32
    %dma_wait3A_187 = tpu.memref_slice %arg13[%dma_wait3A_176, %dma_wait3A_185, %dma_wait3A_186] : memref<5x128x32xf32, #tpu.memory_space<vmem>> -> memref<1x128x32xf32, #tpu.memory_space<vmem>>
    %dma_wait3A_188 = tpu.memref_squeeze %dma_wait3A_187 : memref<1x128x32xf32, #tpu.memory_space<vmem>> -> memref<128x32xf32, #tpu.memory_space<vmem>>
    tpu.wait_dma2 semaphore(%arg24 : memref<!tpu.dma_semaphore, #tpu.memory_space<semaphore_mem>>) src(%dma_wait3A_188 : memref<128x32xf32, #tpu.memory_space<vmem>>) dst(%dma_wait3A_184 : memref<128x32xf32, #tpu.memory_space<hbm>>)
    %dma_wait3A_189 = arith.constant 4 : i32
    %dma_wait3A_190 = arith.constant 0 : i32
    %dma_wait3A_191 = arith.constant 0 : i32
    %dma_wait3A_192 = tpu.memref_slice %arg14[%dma_wait3A_189, %dma_wait3A_190, %dma_wait3A_191] : memref<5x128x32xf32, #tpu.memory_space<vmem>> -> memref<1x128x32xf32, #tpu.memory_space<vmem>>
    %dma_wait3A_193 = tpu.memref_squeeze %dma_wait3A_192 : memref<1x128x32xf32, #tpu.memory_space<vmem>> -> memref<128x32xf32, #tpu.memory_space<vmem>>
    %dma_wait3A_194 = arith.constant 96 : i32
    %dma_wait3A_195 = tpu.memref_slice %arg8[%mul3A_162, %dma_wait3A_194] : memref<819200x128xf32, #tpu.memory_space<hbm>> -> memref<128x32xf32, #tpu.memory_space<hbm>>
    %dma_wait3A_196 = arith.constant 96 : i32
    %dma_wait3A_197 = tpu.memref_slice %arg8[%mul3A_162, %dma_wait3A_196] : memref<819200x128xf32, #tpu.memory_space<hbm>> -> memref<128x32xf32, #tpu.memory_space<hbm>>
    %dma_wait3A_198 = arith.constant 0 : i32
    %dma_wait3A_199 = arith.constant 0 : i32
    %dma_wait3A_200 = tpu.memref_slice %arg14[%dma_wait3A_189, %dma_wait3A_198, %dma_wait3A_199] : memref<5x128x32xf32, #tpu.memory_space<vmem>> -> memref<1x128x32xf32, #tpu.memory_space<vmem>>
    %dma_wait3A_201 = tpu.memref_squeeze %dma_wait3A_200 : memref<1x128x32xf32, #tpu.memory_space<vmem>> -> memref<128x32xf32, #tpu.memory_space<vmem>>
    tpu.wait_dma2 semaphore(%arg24 : memref<!tpu.dma_semaphore, #tpu.memory_space<semaphore_mem>>) src(%dma_wait3A_201 : memref<128x32xf32, #tpu.memory_space<vmem>>) dst(%dma_wait3A_197 : memref<128x32xf32, #tpu.memory_space<hbm>>)
    %add3A_202 = arith.constant 100 : i32
    %add3A_203 = arith.addi %mul3A_2, %add3A_202 : i32
    "tpu.region"() ({
      %run_scoped3A = tpu.sem_alloc : memref<!tpu.dma_semaphore, #tpu.memory_space<semaphore_mem>>
      %dma_start3A_404 = arith.constant 0 : i32
      %dma_start3A_405 = tpu.memref_slice %arg2[%add3A_203, %dma_start3A_404] : memref<6400x128xi32, #tpu.memory_space<hbm>> -> memref<100x128xi32, #tpu.memory_space<hbm>>
      %dma_start3A_406 = arith.constant 0 : i32
      %dma_start3A_407 = tpu.memref_slice %arg2[%add3A_203, %dma_start3A_406] : memref<6400x128xi32, #tpu.memory_space<hbm>> -> memref<100x128xi32, #tpu.memory_space<hbm>>
      tpu.enqueue_dma source(%dma_start3A_407 : memref<100x128xi32, #tpu.memory_space<hbm>>) target(%arg9 : memref<100x128xi32, #tpu.memory_space<vmem>>) target_semaphore(%run_scoped3A : memref<!tpu.dma_semaphore, #tpu.memory_space<semaphore_mem>>)
      %dma_wait3A_408 = arith.constant 0 : i32
      %dma_wait3A_409 = tpu.memref_slice %arg2[%add3A_203, %dma_wait3A_408] : memref<6400x128xi32, #tpu.memory_space<hbm>> -> memref<100x128xi32, #tpu.memory_space<hbm>>
      %dma_wait3A_410 = arith.constant 0 : i32
      %dma_wait3A_411 = tpu.memref_slice %arg2[%add3A_203, %dma_wait3A_410] : memref<6400x128xi32, #tpu.memory_space<hbm>> -> memref<100x128xi32, #tpu.memory_space<hbm>>
      tpu.wait_dma2 semaphore(%run_scoped3A : memref<!tpu.dma_semaphore, #tpu.memory_space<semaphore_mem>>) src(%dma_wait3A_411 : memref<100x128xi32, #tpu.memory_space<hbm>>) dst(%arg9 : memref<100x128xi32, #tpu.memory_space<vmem>>)
      tpu.yield
    }) : () -> ()
    %add3A_204 = arith.constant 100 : i32
    %add3A_205 = arith.addi %mul3A_2, %add3A_204 : i32
    "tpu.region"() ({
      %run_scoped3A = tpu.sem_alloc : memref<!tpu.dma_semaphore, #tpu.memory_space<semaphore_mem>>
      %dma_start3A_404 = arith.constant 0 : i32
      %dma_start3A_405 = tpu.memref_slice %arg3[%add3A_205, %dma_start3A_404] : memref<6400x128xi32, #tpu.memory_space<hbm>> -> memref<100x128xi32, #tpu.memory_space<hbm>>
      %dma_start3A_406 = arith.constant 0 : i32
      %dma_start3A_407 = tpu.memref_slice %arg3[%add3A_205, %dma_start3A_406] : memref<6400x128xi32, #tpu.memory_space<hbm>> -> memref<100x128xi32, #tpu.memory_space<hbm>>
      tpu.enqueue_dma source(%dma_start3A_407 : memref<100x128xi32, #tpu.memory_space<hbm>>) target(%arg10 : memref<100x128xi32, #tpu.memory_space<vmem>>) target_semaphore(%run_scoped3A : memref<!tpu.dma_semaphore, #tpu.memory_space<semaphore_mem>>)
      %dma_wait3A_408 = arith.constant 0 : i32
      %dma_wait3A_409 = tpu.memref_slice %arg3[%add3A_205, %dma_wait3A_408] : memref<6400x128xi32, #tpu.memory_space<hbm>> -> memref<100x128xi32, #tpu.memory_space<hbm>>
      %dma_wait3A_410 = arith.constant 0 : i32
      %dma_wait3A_411 = tpu.memref_slice %arg3[%add3A_205, %dma_wait3A_410] : memref<6400x128xi32, #tpu.memory_space<hbm>> -> memref<100x128xi32, #tpu.memory_space<hbm>>
      tpu.wait_dma2 semaphore(%run_scoped3A : memref<!tpu.dma_semaphore, #tpu.memory_space<semaphore_mem>>) src(%dma_wait3A_411 : memref<100x128xi32, #tpu.memory_space<hbm>>) dst(%arg10 : memref<100x128xi32, #tpu.memory_space<vmem>>)
      tpu.yield
    }) : () -> ()
    %add3A_206 = arith.constant 100 : i32
    %add3A_207 = arith.addi %mul3A_2, %add3A_206 : i32
    "tpu.region"() ({
      %run_scoped3A = tpu.sem_alloc : memref<!tpu.dma_semaphore, #tpu.memory_space<semaphore_mem>>
      %dma_start3A_404 = arith.constant 0 : i32
      %dma_start3A_405 = tpu.memref_slice %arg4[%add3A_207, %dma_start3A_404] : memref<6400x128xi32, #tpu.memory_space<hbm>> -> memref<100x128xi32, #tpu.memory_space<hbm>>
      %dma_start3A_406 = arith.constant 0 : i32
      %dma_start3A_407 = tpu.memref_slice %arg4[%add3A_207, %dma_start3A_406] : memref<6400x128xi32, #tpu.memory_space<hbm>> -> memref<100x128xi32, #tpu.memory_space<hbm>>
      tpu.enqueue_dma source(%dma_start3A_407 : memref<100x128xi32, #tpu.memory_space<hbm>>) target(%arg11 : memref<100x128xi32, #tpu.memory_space<vmem>>) target_semaphore(%run_scoped3A : memref<!tpu.dma_semaphore, #tpu.memory_space<semaphore_mem>>)
      %dma_wait3A_408 = arith.constant 0 : i32
      %dma_wait3A_409 = tpu.memref_slice %arg4[%add3A_207, %dma_wait3A_408] : memref<6400x128xi32, #tpu.memory_space<hbm>> -> memref<100x128xi32, #tpu.memory_space<hbm>>
      %dma_wait3A_410 = arith.constant 0 : i32
      %dma_wait3A_411 = tpu.memref_slice %arg4[%add3A_207, %dma_wait3A_410] : memref<6400x128xi32, #tpu.memory_space<hbm>> -> memref<100x128xi32, #tpu.memory_space<hbm>>
      tpu.wait_dma2 semaphore(%run_scoped3A : memref<!tpu.dma_semaphore, #tpu.memory_space<semaphore_mem>>) src(%dma_wait3A_411 : memref<100x128xi32, #tpu.memory_space<hbm>>) dst(%arg11 : memref<100x128xi32, #tpu.memory_space<vmem>>)
      tpu.yield
    }) : () -> ()
    %dma_start3A_208 = arith.constant 0 : i32
    %dma_start3A_209 = arith.constant 0 : i32
    %dma_start3A_210 = arith.constant 0 : i32
    %dma_start3A_211 = arith.constant 0 : i32
    %dma_start3A_212 = tpu.memref_slice %arg12[%dma_start3A_209, %dma_start3A_210, %dma_start3A_211] : memref<5x128x64xf32, #tpu.memory_space<vmem>> -> memref<1x128x64xf32, #tpu.memory_space<vmem>>
    %dma_start3A_213 = tpu.memref_squeeze %dma_start3A_212 : memref<1x128x64xf32, #tpu.memory_space<vmem>> -> memref<128x64xf32, #tpu.memory_space<vmem>>
    %dma_start3A_214 = arith.constant 0 : i32
    %dma_start3A_215 = tpu.memref_slice %arg9[%dma_start3A_208, %dma_start3A_214] : memref<100x128xi32, #tpu.memory_space<vmem>> -> memref<1x128xi32, #tpu.memory_space<vmem>>
    %dma_start3A_216 = tpu.memref_squeeze %dma_start3A_215 : memref<1x128xi32, #tpu.memory_space<vmem>> -> memref<128xi32, #tpu.memory_space<vmem>>
    %dma_start3A_217 = arith.constant 0 : i32
    %dma_start3A_218 = arith.constant 0 : i32
    %dma_start3A_219 = tpu.memref_slice %arg5[%dma_start3A_217, %dma_start3A_218] : memref<1000000x64xf32, #tpu.memory_space<hbm>> -> memref<1000000x64xf32, #tpu.memory_space<hbm>>
    tpu.enqueue_indirect_dma source(%dma_start3A_219 : memref<1000000x64xf32, #tpu.memory_space<hbm>>) target(%dma_start3A_213 : memref<128x64xf32, #tpu.memory_space<vmem>>) offsets(%dma_start3A_216 : memref<128xi32, #tpu.memory_space<vmem>>) semaphore(%arg15 : memref<!tpu.dma_semaphore, #tpu.memory_space<semaphore_mem>>)
    %dma_start3A_220 = arith.constant 0 : i32
    %dma_start3A_221 = arith.constant 0 : i32
    %dma_start3A_222 = arith.constant 0 : i32
    %dma_start3A_223 = arith.constant 0 : i32
    %dma_start3A_224 = tpu.memref_slice %arg13[%dma_start3A_221, %dma_start3A_222, %dma_start3A_223] : memref<5x128x32xf32, #tpu.memory_space<vmem>> -> memref<1x128x32xf32, #tpu.memory_space<vmem>>
    %dma_start3A_225 = tpu.memref_squeeze %dma_start3A_224 : memref<1x128x32xf32, #tpu.memory_space<vmem>> -> memref<128x32xf32, #tpu.memory_space<vmem>>
    %dma_start3A_226 = arith.constant 0 : i32
    %dma_start3A_227 = tpu.memref_slice %arg10[%dma_start3A_220, %dma_start3A_226] : memref<100x128xi32, #tpu.memory_space<vmem>> -> memref<1x128xi32, #tpu.memory_space<vmem>>
    %dma_start3A_228 = tpu.memref_squeeze %dma_start3A_227 : memref<1x128xi32, #tpu.memory_space<vmem>> -> memref<128xi32, #tpu.memory_space<vmem>>
    %dma_start3A_229 = arith.constant 0 : i32
    %dma_start3A_230 = arith.constant 0 : i32
    %dma_start3A_231 = tpu.memref_slice %arg6[%dma_start3A_229, %dma_start3A_230] : memref<400x32xf32, #tpu.memory_space<hbm>> -> memref<400x32xf32, #tpu.memory_space<hbm>>
    tpu.enqueue_indirect_dma source(%dma_start3A_231 : memref<400x32xf32, #tpu.memory_space<hbm>>) target(%dma_start3A_225 : memref<128x32xf32, #tpu.memory_space<vmem>>) offsets(%dma_start3A_228 : memref<128xi32, #tpu.memory_space<vmem>>) semaphore(%arg15 : memref<!tpu.dma_semaphore, #tpu.memory_space<semaphore_mem>>)
    %dma_start3A_232 = arith.constant 0 : i32
    %dma_start3A_233 = arith.constant 0 : i32
    %dma_start3A_234 = arith.constant 0 : i32
    %dma_start3A_235 = arith.constant 0 : i32
    %dma_start3A_236 = tpu.memref_slice %arg14[%dma_start3A_233, %dma_start3A_234, %dma_start3A_235] : memref<5x128x32xf32, #tpu.memory_space<vmem>> -> memref<1x128x32xf32, #tpu.memory_space<vmem>>
    %dma_start3A_237 = tpu.memref_squeeze %dma_start3A_236 : memref<1x128x32xf32, #tpu.memory_space<vmem>> -> memref<128x32xf32, #tpu.memory_space<vmem>>
    %dma_start3A_238 = arith.constant 0 : i32
    %dma_start3A_239 = tpu.memref_slice %arg11[%dma_start3A_232, %dma_start3A_238] : memref<100x128xi32, #tpu.memory_space<vmem>> -> memref<1x128xi32, #tpu.memory_space<vmem>>
    %dma_start3A_240 = tpu.memref_squeeze %dma_start3A_239 : memref<1x128xi32, #tpu.memory_space<vmem>> -> memref<128xi32, #tpu.memory_space<vmem>>
    %dma_start3A_241 = arith.constant 0 : i32
    %dma_start3A_242 = arith.constant 0 : i32
    %dma_start3A_243 = tpu.memref_slice %arg7[%dma_start3A_241, %dma_start3A_242] : memref<400x32xf32, #tpu.memory_space<hbm>> -> memref<400x32xf32, #tpu.memory_space<hbm>>
    tpu.enqueue_indirect_dma source(%dma_start3A_243 : memref<400x32xf32, #tpu.memory_space<hbm>>) target(%dma_start3A_237 : memref<128x32xf32, #tpu.memory_space<vmem>>) offsets(%dma_start3A_240 : memref<128xi32, #tpu.memory_space<vmem>>) semaphore(%arg15 : memref<!tpu.dma_semaphore, #tpu.memory_space<semaphore_mem>>)
    %dma_start3A_244 = arith.constant 1 : i32
    %dma_start3A_245 = arith.constant 1 : i32
    %dma_start3A_246 = arith.constant 0 : i32
    %dma_start3A_247 = arith.constant 0 : i32
    %dma_start3A_248 = tpu.memref_slice %arg12[%dma_start3A_245, %dma_start3A_246, %dma_start3A_247] : memref<5x128x64xf32, #tpu.memory_space<vmem>> -> memref<1x128x64xf32, #tpu.memory_space<vmem>>
    %dma_start3A_249 = tpu.memref_squeeze %dma_start3A_248 : memref<1x128x64xf32, #tpu.memory_space<vmem>> -> memref<128x64xf32, #tpu.memory_space<vmem>>
    %dma_start3A_250 = arith.constant 0 : i32
    %dma_start3A_251 = tpu.memref_slice %arg9[%dma_start3A_244, %dma_start3A_250] : memref<100x128xi32, #tpu.memory_space<vmem>> -> memref<1x128xi32, #tpu.memory_space<vmem>>
    %dma_start3A_252 = tpu.memref_squeeze %dma_start3A_251 : memref<1x128xi32, #tpu.memory_space<vmem>> -> memref<128xi32, #tpu.memory_space<vmem>>
    %dma_start3A_253 = arith.constant 0 : i32
    %dma_start3A_254 = arith.constant 0 : i32
    %dma_start3A_255 = tpu.memref_slice %arg5[%dma_start3A_253, %dma_start3A_254] : memref<1000000x64xf32, #tpu.memory_space<hbm>> -> memref<1000000x64xf32, #tpu.memory_space<hbm>>
    tpu.enqueue_indirect_dma source(%dma_start3A_255 : memref<1000000x64xf32, #tpu.memory_space<hbm>>) target(%dma_start3A_249 : memref<128x64xf32, #tpu.memory_space<vmem>>) offsets(%dma_start3A_252 : memref<128xi32, #tpu.memory_space<vmem>>) semaphore(%arg16 : memref<!tpu.dma_semaphore, #tpu.memory_space<semaphore_mem>>)
    %dma_start3A_256 = arith.constant 1 : i32
    %dma_start3A_257 = arith.constant 1 : i32
    %dma_start3A_258 = arith.constant 0 : i32
    %dma_start3A_259 = arith.constant 0 : i32
    %dma_start3A_260 = tpu.memref_slice %arg13[%dma_start3A_257, %dma_start3A_258, %dma_start3A_259] : memref<5x128x32xf32, #tpu.memory_space<vmem>> -> memref<1x128x32xf32, #tpu.memory_space<vmem>>
    %dma_start3A_261 = tpu.memref_squeeze %dma_start3A_260 : memref<1x128x32xf32, #tpu.memory_space<vmem>> -> memref<128x32xf32, #tpu.memory_space<vmem>>
    %dma_start3A_262 = arith.constant 0 : i32
    %dma_start3A_263 = tpu.memref_slice %arg10[%dma_start3A_256, %dma_start3A_262] : memref<100x128xi32, #tpu.memory_space<vmem>> -> memref<1x128xi32, #tpu.memory_space<vmem>>
    %dma_start3A_264 = tpu.memref_squeeze %dma_start3A_263 : memref<1x128xi32, #tpu.memory_space<vmem>> -> memref<128xi32, #tpu.memory_space<vmem>>
    %dma_start3A_265 = arith.constant 0 : i32
    %dma_start3A_266 = arith.constant 0 : i32
    %dma_start3A_267 = tpu.memref_slice %arg6[%dma_start3A_265, %dma_start3A_266] : memref<400x32xf32, #tpu.memory_space<hbm>> -> memref<400x32xf32, #tpu.memory_space<hbm>>
    tpu.enqueue_indirect_dma source(%dma_start3A_267 : memref<400x32xf32, #tpu.memory_space<hbm>>) target(%dma_start3A_261 : memref<128x32xf32, #tpu.memory_space<vmem>>) offsets(%dma_start3A_264 : memref<128xi32, #tpu.memory_space<vmem>>) semaphore(%arg16 : memref<!tpu.dma_semaphore, #tpu.memory_space<semaphore_mem>>)
    %dma_start3A_268 = arith.constant 1 : i32
    %dma_start3A_269 = arith.constant 1 : i32
    %dma_start3A_270 = arith.constant 0 : i32
    %dma_start3A_271 = arith.constant 0 : i32
    %dma_start3A_272 = tpu.memref_slice %arg14[%dma_start3A_269, %dma_start3A_270, %dma_start3A_271] : memref<5x128x32xf32, #tpu.memory_space<vmem>> -> memref<1x128x32xf32, #tpu.memory_space<vmem>>
    %dma_start3A_273 = tpu.memref_squeeze %dma_start3A_272 : memref<1x128x32xf32, #tpu.memory_space<vmem>> -> memref<128x32xf32, #tpu.memory_space<vmem>>
    %dma_start3A_274 = arith.constant 0 : i32
    %dma_start3A_275 = tpu.memref_slice %arg11[%dma_start3A_268, %dma_start3A_274] : memref<100x128xi32, #tpu.memory_space<vmem>> -> memref<1x128xi32, #tpu.memory_space<vmem>>
    %dma_start3A_276 = tpu.memref_squeeze %dma_start3A_275 : memref<1x128xi32, #tpu.memory_space<vmem>> -> memref<128xi32, #tpu.memory_space<vmem>>
    %dma_start3A_277 = arith.constant 0 : i32
    %dma_start3A_278 = arith.constant 0 : i32
    %dma_start3A_279 = tpu.memref_slice %arg7[%dma_start3A_277, %dma_start3A_278] : memref<400x32xf32, #tpu.memory_space<hbm>> -> memref<400x32xf32, #tpu.memory_space<hbm>>
    tpu.enqueue_indirect_dma source(%dma_start3A_279 : memref<400x32xf32, #tpu.memory_space<hbm>>) target(%dma_start3A_273 : memref<128x32xf32, #tpu.memory_space<vmem>>) offsets(%dma_start3A_276 : memref<128xi32, #tpu.memory_space<vmem>>) semaphore(%arg16 : memref<!tpu.dma_semaphore, #tpu.memory_space<semaphore_mem>>)
    %dma_start3A_280 = arith.constant 2 : i32
    %dma_start3A_281 = arith.constant 2 : i32
    %dma_start3A_282 = arith.constant 0 : i32
    %dma_start3A_283 = arith.constant 0 : i32
    %dma_start3A_284 = tpu.memref_slice %arg12[%dma_start3A_281, %dma_start3A_282, %dma_start3A_283] : memref<5x128x64xf32, #tpu.memory_space<vmem>> -> memref<1x128x64xf32, #tpu.memory_space<vmem>>
    %dma_start3A_285 = tpu.memref_squeeze %dma_start3A_284 : memref<1x128x64xf32, #tpu.memory_space<vmem>> -> memref<128x64xf32, #tpu.memory_space<vmem>>
    %dma_start3A_286 = arith.constant 0 : i32
    %dma_start3A_287 = tpu.memref_slice %arg9[%dma_start3A_280, %dma_start3A_286] : memref<100x128xi32, #tpu.memory_space<vmem>> -> memref<1x128xi32, #tpu.memory_space<vmem>>
    %dma_start3A_288 = tpu.memref_squeeze %dma_start3A_287 : memref<1x128xi32, #tpu.memory_space<vmem>> -> memref<128xi32, #tpu.memory_space<vmem>>
    %dma_start3A_289 = arith.constant 0 : i32
    %dma_start3A_290 = arith.constant 0 : i32
    %dma_start3A_291 = tpu.memref_slice %arg5[%dma_start3A_289, %dma_start3A_290] : memref<1000000x64xf32, #tpu.memory_space<hbm>> -> memref<1000000x64xf32, #tpu.memory_space<hbm>>
    tpu.enqueue_indirect_dma source(%dma_start3A_291 : memref<1000000x64xf32, #tpu.memory_space<hbm>>) target(%dma_start3A_285 : memref<128x64xf32, #tpu.memory_space<vmem>>) offsets(%dma_start3A_288 : memref<128xi32, #tpu.memory_space<vmem>>) semaphore(%arg17 : memref<!tpu.dma_semaphore, #tpu.memory_space<semaphore_mem>>)
    %dma_start3A_292 = arith.constant 2 : i32
    %dma_start3A_293 = arith.constant 2 : i32
    %dma_start3A_294 = arith.constant 0 : i32
    %dma_start3A_295 = arith.constant 0 : i32
    %dma_start3A_296 = tpu.memref_slice %arg13[%dma_start3A_293, %dma_start3A_294, %dma_start3A_295] : memref<5x128x32xf32, #tpu.memory_space<vmem>> -> memref<1x128x32xf32, #tpu.memory_space<vmem>>
    %dma_start3A_297 = tpu.memref_squeeze %dma_start3A_296 : memref<1x128x32xf32, #tpu.memory_space<vmem>> -> memref<128x32xf32, #tpu.memory_space<vmem>>
    %dma_start3A_298 = arith.constant 0 : i32
    %dma_start3A_299 = tpu.memref_slice %arg10[%dma_start3A_292, %dma_start3A_298] : memref<100x128xi32, #tpu.memory_space<vmem>> -> memref<1x128xi32, #tpu.memory_space<vmem>>
    %dma_start3A_300 = tpu.memref_squeeze %dma_start3A_299 : memref<1x128xi32, #tpu.memory_space<vmem>> -> memref<128xi32, #tpu.memory_space<vmem>>
    %dma_start3A_301 = arith.constant 0 : i32
    %dma_start3A_302 = arith.constant 0 : i32
    %dma_start3A_303 = tpu.memref_slice %arg6[%dma_start3A_301, %dma_start3A_302] : memref<400x32xf32, #tpu.memory_space<hbm>> -> memref<400x32xf32, #tpu.memory_space<hbm>>
    tpu.enqueue_indirect_dma source(%dma_start3A_303 : memref<400x32xf32, #tpu.memory_space<hbm>>) target(%dma_start3A_297 : memref<128x32xf32, #tpu.memory_space<vmem>>) offsets(%dma_start3A_300 : memref<128xi32, #tpu.memory_space<vmem>>) semaphore(%arg17 : memref<!tpu.dma_semaphore, #tpu.memory_space<semaphore_mem>>)
    %dma_start3A_304 = arith.constant 2 : i32
    %dma_start3A_305 = arith.constant 2 : i32
    %dma_start3A_306 = arith.constant 0 : i32
    %dma_start3A_307 = arith.constant 0 : i32
    %dma_start3A_308 = tpu.memref_slice %arg14[%dma_start3A_305, %dma_start3A_306, %dma_start3A_307] : memref<5x128x32xf32, #tpu.memory_space<vmem>> -> memref<1x128x32xf32, #tpu.memory_space<vmem>>
    %dma_start3A_309 = tpu.memref_squeeze %dma_start3A_308 : memref<1x128x32xf32, #tpu.memory_space<vmem>> -> memref<128x32xf32, #tpu.memory_space<vmem>>
    %dma_start3A_310 = arith.constant 0 : i32
    %dma_start3A_311 = tpu.memref_slice %arg11[%dma_start3A_304, %dma_start3A_310] : memref<100x128xi32, #tpu.memory_space<vmem>> -> memref<1x128xi32, #tpu.memory_space<vmem>>
    %dma_start3A_312 = tpu.memref_squeeze %dma_start3A_311 : memref<1x128xi32, #tpu.memory_space<vmem>> -> memref<128xi32, #tpu.memory_space<vmem>>
    %dma_start3A_313 = arith.constant 0 : i32
    %dma_start3A_314 = arith.constant 0 : i32
    %dma_start3A_315 = tpu.memref_slice %arg7[%dma_start3A_313, %dma_start3A_314] : memref<400x32xf32, #tpu.memory_space<hbm>> -> memref<400x32xf32, #tpu.memory_space<hbm>>
    tpu.enqueue_indirect_dma source(%dma_start3A_315 : memref<400x32xf32, #tpu.memory_space<hbm>>) target(%dma_start3A_309 : memref<128x32xf32, #tpu.memory_space<vmem>>) offsets(%dma_start3A_312 : memref<128xi32, #tpu.memory_space<vmem>>) semaphore(%arg17 : memref<!tpu.dma_semaphore, #tpu.memory_space<semaphore_mem>>)
    %scan3A_316 = arith.constant 0 : i32
    %scan3A_317 = arith.constant 0 : i32
    %scan3A_318 = arith.constant 20 : i32
    %scan3A_319 = arith.addi %scan3A_317, %scan3A_318 : i32
    %scan3A_320 = arith.constant 1 : i32
    scf.for %scan3A_404 = %scan3A_317 to %scan3A_319 step %scan3A_320  : i32 {
      %mul3A_405 = arith.constant 5 : i32
      %mul3A_406 = arith.muli %scan3A_404, %mul3A_405 : i32
      %add3A_407 = arith.constant 0 : i32
      %add3A_408 = arith.addi %mul3A_406, %add3A_407 : i32
      %dma_wait3A_409 = arith.constant 0 : i32
      %dma_wait3A_410 = arith.constant 0 : i32
      %dma_wait3A_411 = arith.constant 0 : i32
      %dma_wait3A_412 = tpu.memref_slice %arg12[%dma_wait3A_409, %dma_wait3A_410, %dma_wait3A_411] : memref<5x128x64xf32, #tpu.memory_space<vmem>> -> memref<1x128x64xf32, #tpu.memory_space<vmem>>
      %dma_wait3A_413 = tpu.memref_squeeze %dma_wait3A_412 : memref<1x128x64xf32, #tpu.memory_space<vmem>> -> memref<128x64xf32, #tpu.memory_space<vmem>>
      %dma_wait3A_414 = arith.constant 0 : i32
      %dma_wait3A_415 = arith.constant 0 : i32
      %dma_wait3A_416 = tpu.memref_slice %arg5[%dma_wait3A_414, %dma_wait3A_415] : memref<1000000x64xf32, #tpu.memory_space<hbm>> -> memref<128x64xf32, #tpu.memory_space<hbm>>
      %dma_wait3A_417 = arith.constant 0 : i32
      %dma_wait3A_418 = arith.constant 0 : i32
      %dma_wait3A_419 = tpu.memref_slice %arg12[%dma_wait3A_409, %dma_wait3A_417, %dma_wait3A_418] : memref<5x128x64xf32, #tpu.memory_space<vmem>> -> memref<1x128x64xf32, #tpu.memory_space<vmem>>
      %dma_wait3A_420 = tpu.memref_squeeze %dma_wait3A_419 : memref<1x128x64xf32, #tpu.memory_space<vmem>> -> memref<128x64xf32, #tpu.memory_space<vmem>>
      %dma_wait3A_421 = arith.constant 0 : i32
      %dma_wait3A_422 = arith.constant 0 : i32
      %dma_wait3A_423 = tpu.memref_slice %arg5[%dma_wait3A_421, %dma_wait3A_422] : memref<1000000x64xf32, #tpu.memory_space<hbm>> -> memref<128x64xf32, #tpu.memory_space<hbm>>
      tpu.wait_dma2 semaphore(%arg15 : memref<!tpu.dma_semaphore, #tpu.memory_space<semaphore_mem>>) src(%dma_wait3A_423 : memref<128x64xf32, #tpu.memory_space<hbm>>) dst(%dma_wait3A_420 : memref<128x64xf32, #tpu.memory_space<vmem>>)
      %dma_wait3A_424 = arith.constant 0 : i32
      %dma_wait3A_425 = arith.constant 0 : i32
      %dma_wait3A_426 = arith.constant 0 : i32
      %dma_wait3A_427 = tpu.memref_slice %arg13[%dma_wait3A_424, %dma_wait3A_425, %dma_wait3A_426] : memref<5x128x32xf32, #tpu.memory_space<vmem>> -> memref<1x128x32xf32, #tpu.memory_space<vmem>>
      %dma_wait3A_428 = tpu.memref_squeeze %dma_wait3A_427 : memref<1x128x32xf32, #tpu.memory_space<vmem>> -> memref<128x32xf32, #tpu.memory_space<vmem>>
      %dma_wait3A_429 = arith.constant 0 : i32
      %dma_wait3A_430 = arith.constant 0 : i32
      %dma_wait3A_431 = tpu.memref_slice %arg6[%dma_wait3A_429, %dma_wait3A_430] : memref<400x32xf32, #tpu.memory_space<hbm>> -> memref<128x32xf32, #tpu.memory_space<hbm>>
      %dma_wait3A_432 = arith.constant 0 : i32
      %dma_wait3A_433 = arith.constant 0 : i32
      %dma_wait3A_434 = tpu.memref_slice %arg13[%dma_wait3A_424, %dma_wait3A_432, %dma_wait3A_433] : memref<5x128x32xf32, #tpu.memory_space<vmem>> -> memref<1x128x32xf32, #tpu.memory_space<vmem>>
      %dma_wait3A_435 = tpu.memref_squeeze %dma_wait3A_434 : memref<1x128x32xf32, #tpu.memory_space<vmem>> -> memref<128x32xf32, #tpu.memory_space<vmem>>
      %dma_wait3A_436 = arith.constant 0 : i32
      %dma_wait3A_437 = arith.constant 0 : i32
      %dma_wait3A_438 = tpu.memref_slice %arg6[%dma_wait3A_436, %dma_wait3A_437] : memref<400x32xf32, #tpu.memory_space<hbm>> -> memref<128x32xf32, #tpu.memory_space<hbm>>
      tpu.wait_dma2 semaphore(%arg15 : memref<!tpu.dma_semaphore, #tpu.memory_space<semaphore_mem>>) src(%dma_wait3A_438 : memref<128x32xf32, #tpu.memory_space<hbm>>) dst(%dma_wait3A_435 : memref<128x32xf32, #tpu.memory_space<vmem>>)
      %dma_wait3A_439 = arith.constant 0 : i32
      %dma_wait3A_440 = arith.constant 0 : i32
      %dma_wait3A_441 = arith.constant 0 : i32
      %dma_wait3A_442 = tpu.memref_slice %arg14[%dma_wait3A_439, %dma_wait3A_440, %dma_wait3A_441] : memref<5x128x32xf32, #tpu.memory_space<vmem>> -> memref<1x128x32xf32, #tpu.memory_space<vmem>>
      %dma_wait3A_443 = tpu.memref_squeeze %dma_wait3A_442 : memref<1x128x32xf32, #tpu.memory_space<vmem>> -> memref<128x32xf32, #tpu.memory_space<vmem>>
      %dma_wait3A_444 = arith.constant 0 : i32
      %dma_wait3A_445 = arith.constant 0 : i32
      %dma_wait3A_446 = tpu.memref_slice %arg7[%dma_wait3A_444, %dma_wait3A_445] : memref<400x32xf32, #tpu.memory_space<hbm>> -> memref<128x32xf32, #tpu.memory_space<hbm>>
      %dma_wait3A_447 = arith.constant 0 : i32
      %dma_wait3A_448 = arith.constant 0 : i32
      %dma_wait3A_449 = tpu.memref_slice %arg14[%dma_wait3A_439, %dma_wait3A_447, %dma_wait3A_448] : memref<5x128x32xf32, #tpu.memory_space<vmem>> -> memref<1x128x32xf32, #tpu.memory_space<vmem>>
      %dma_wait3A_450 = tpu.memref_squeeze %dma_wait3A_449 : memref<1x128x32xf32, #tpu.memory_space<vmem>> -> memref<128x32xf32, #tpu.memory_space<vmem>>
      %dma_wait3A_451 = arith.constant 0 : i32
      %dma_wait3A_452 = arith.constant 0 : i32
      %dma_wait3A_453 = tpu.memref_slice %arg7[%dma_wait3A_451, %dma_wait3A_452] : memref<400x32xf32, #tpu.memory_space<hbm>> -> memref<128x32xf32, #tpu.memory_space<hbm>>
      tpu.wait_dma2 semaphore(%arg15 : memref<!tpu.dma_semaphore, #tpu.memory_space<semaphore_mem>>) src(%dma_wait3A_453 : memref<128x32xf32, #tpu.memory_space<hbm>>) dst(%dma_wait3A_450 : memref<128x32xf32, #tpu.memory_space<vmem>>)
      %add3A_454 = arith.constant 100 : i32
      %add3A_455 = arith.addi %mul3A_2, %add3A_454 : i32
      %add3A_456 = arith.addi %add3A_455, %add3A_408 : i32
      %mul3A_457 = arith.constant 128 : i32
      %mul3A_458 = arith.muli %add3A_456, %mul3A_457 : i32
      %dma_start3A_459 = arith.constant 0 : i32
      %dma_start3A_460 = arith.constant 0 : i32
      %dma_start3A_461 = arith.constant 0 : i32
      %dma_start3A_462 = tpu.memref_slice %arg12[%dma_start3A_459, %dma_start3A_460, %dma_start3A_461] : memref<5x128x64xf32, #tpu.memory_space<vmem>> -> memref<1x128x64xf32, #tpu.memory_space<vmem>>
      %dma_start3A_463 = tpu.memref_squeeze %dma_start3A_462 : memref<1x128x64xf32, #tpu.memory_space<vmem>> -> memref<128x64xf32, #tpu.memory_space<vmem>>
      %dma_start3A_464 = arith.constant 0 : i32
      %dma_start3A_465 = tpu.memref_slice %arg8[%mul3A_458, %dma_start3A_464] : memref<819200x128xf32, #tpu.memory_space<hbm>> -> memref<128x64xf32, #tpu.memory_space<hbm>>
      %dma_start3A_466 = arith.constant 0 : i32
      %dma_start3A_467 = tpu.memref_slice %arg8[%mul3A_458, %dma_start3A_466] : memref<819200x128xf32, #tpu.memory_space<hbm>> -> memref<128x64xf32, #tpu.memory_space<hbm>>
      %dma_start3A_468 = arith.constant 0 : i32
      %dma_start3A_469 = arith.constant 0 : i32
      %dma_start3A_470 = tpu.memref_slice %arg12[%dma_start3A_459, %dma_start3A_468, %dma_start3A_469] : memref<5x128x64xf32, #tpu.memory_space<vmem>> -> memref<1x128x64xf32, #tpu.memory_space<vmem>>
      %dma_start3A_471 = tpu.memref_squeeze %dma_start3A_470 : memref<1x128x64xf32, #tpu.memory_space<vmem>> -> memref<128x64xf32, #tpu.memory_space<vmem>>
      tpu.enqueue_dma source(%dma_start3A_471 : memref<128x64xf32, #tpu.memory_space<vmem>>) target(%dma_start3A_467 : memref<128x64xf32, #tpu.memory_space<hbm>>) target_semaphore(%arg20 : memref<!tpu.dma_semaphore, #tpu.memory_space<semaphore_mem>>)
      %dma_start3A_472 = arith.constant 0 : i32
      %dma_start3A_473 = arith.constant 0 : i32
      %dma_start3A_474 = arith.constant 0 : i32
      %dma_start3A_475 = tpu.memref_slice %arg13[%dma_start3A_472, %dma_start3A_473, %dma_start3A_474] : memref<5x128x32xf32, #tpu.memory_space<vmem>> -> memref<1x128x32xf32, #tpu.memory_space<vmem>>
      %dma_start3A_476 = tpu.memref_squeeze %dma_start3A_475 : memref<1x128x32xf32, #tpu.memory_space<vmem>> -> memref<128x32xf32, #tpu.memory_space<vmem>>
      %dma_start3A_477 = arith.constant 64 : i32
      %dma_start3A_478 = tpu.memref_slice %arg8[%mul3A_458, %dma_start3A_477] : memref<819200x128xf32, #tpu.memory_space<hbm>> -> memref<128x32xf32, #tpu.memory_space<hbm>>
      %dma_start3A_479 = arith.constant 64 : i32
      %dma_start3A_480 = tpu.memref_slice %arg8[%mul3A_458, %dma_start3A_479] : memref<819200x128xf32, #tpu.memory_space<hbm>> -> memref<128x32xf32, #tpu.memory_space<hbm>>
      %dma_start3A_481 = arith.constant 0 : i32
      %dma_start3A_482 = arith.constant 0 : i32
      %dma_start3A_483 = tpu.memref_slice %arg13[%dma_start3A_472, %dma_start3A_481, %dma_start3A_482] : memref<5x128x32xf32, #tpu.memory_space<vmem>> -> memref<1x128x32xf32, #tpu.memory_space<vmem>>
      %dma_start3A_484 = tpu.memref_squeeze %dma_start3A_483 : memref<1x128x32xf32, #tpu.memory_space<vmem>> -> memref<128x32xf32, #tpu.memory_space<vmem>>
      tpu.enqueue_dma source(%dma_start3A_484 : memref<128x32xf32, #tpu.memory_space<vmem>>) target(%dma_start3A_480 : memref<128x32xf32, #tpu.memory_space<hbm>>) target_semaphore(%arg20 : memref<!tpu.dma_semaphore, #tpu.memory_space<semaphore_mem>>)
      %dma_start3A_485 = arith.constant 0 : i32
      %dma_start3A_486 = arith.constant 0 : i32
      %dma_start3A_487 = arith.constant 0 : i32
      %dma_start3A_488 = tpu.memref_slice %arg14[%dma_start3A_485, %dma_start3A_486, %dma_start3A_487] : memref<5x128x32xf32, #tpu.memory_space<vmem>> -> memref<1x128x32xf32, #tpu.memory_space<vmem>>
      %dma_start3A_489 = tpu.memref_squeeze %dma_start3A_488 : memref<1x128x32xf32, #tpu.memory_space<vmem>> -> memref<128x32xf32, #tpu.memory_space<vmem>>
      %dma_start3A_490 = arith.constant 96 : i32
      %dma_start3A_491 = tpu.memref_slice %arg8[%mul3A_458, %dma_start3A_490] : memref<819200x128xf32, #tpu.memory_space<hbm>> -> memref<128x32xf32, #tpu.memory_space<hbm>>
      %dma_start3A_492 = arith.constant 96 : i32
      %dma_start3A_493 = tpu.memref_slice %arg8[%mul3A_458, %dma_start3A_492] : memref<819200x128xf32, #tpu.memory_space<hbm>> -> memref<128x32xf32, #tpu.memory_space<hbm>>
      %dma_start3A_494 = arith.constant 0 : i32
      %dma_start3A_495 = arith.constant 0 : i32
      %dma_start3A_496 = tpu.memref_slice %arg14[%dma_start3A_485, %dma_start3A_494, %dma_start3A_495] : memref<5x128x32xf32, #tpu.memory_space<vmem>> -> memref<1x128x32xf32, #tpu.memory_space<vmem>>
      %dma_start3A_497 = tpu.memref_squeeze %dma_start3A_496 : memref<1x128x32xf32, #tpu.memory_space<vmem>> -> memref<128x32xf32, #tpu.memory_space<vmem>>
      tpu.enqueue_dma source(%dma_start3A_497 : memref<128x32xf32, #tpu.memory_space<vmem>>) target(%dma_start3A_493 : memref<128x32xf32, #tpu.memory_space<hbm>>) target_semaphore(%arg20 : memref<!tpu.dma_semaphore, #tpu.memory_space<semaphore_mem>>)
      %ge3A = arith.constant 2 : i32
      %ge3A_498 = arith.cmpi sge, %add3A_408, %ge3A : i32
      %convert_element_type3A = arith.extui %ge3A_498 : i1 to i32
      %cond3A = arith.constant 0 : i32
      %cond3A_499 = arith.cmpi ne, %convert_element_type3A, %cond3A : i32
      scf.if %cond3A_499 {
        %mul3A_918 = arith.constant 128 : i32
        %mul3A_919 = arith.muli %mul3A_2, %mul3A_918 : i32
        %dma_wait3A_920 = arith.constant 3 : i32
        %dma_wait3A_921 = arith.constant 0 : i32
        %dma_wait3A_922 = arith.constant 0 : i32
        %dma_wait3A_923 = tpu.memref_slice %arg12[%dma_wait3A_920, %dma_wait3A_921, %dma_wait3A_922] : memref<5x128x64xf32, #tpu.memory_space<vmem>> -> memref<1x128x64xf32, #tpu.memory_space<vmem>>
        %dma_wait3A_924 = tpu.memref_squeeze %dma_wait3A_923 : memref<1x128x64xf32, #tpu.memory_space<vmem>> -> memref<128x64xf32, #tpu.memory_space<vmem>>
        %dma_wait3A_925 = arith.constant 0 : i32
        %dma_wait3A_926 = tpu.memref_slice %arg8[%mul3A_919, %dma_wait3A_925] : memref<819200x128xf32, #tpu.memory_space<hbm>> -> memref<128x64xf32, #tpu.memory_space<hbm>>
        %dma_wait3A_927 = arith.constant 0 : i32
        %dma_wait3A_928 = tpu.memref_slice %arg8[%mul3A_919, %dma_wait3A_927] : memref<819200x128xf32, #tpu.memory_space<hbm>> -> memref<128x64xf32, #tpu.memory_space<hbm>>
        %dma_wait3A_929 = arith.constant 0 : i32
        %dma_wait3A_930 = arith.constant 0 : i32
        %dma_wait3A_931 = tpu.memref_slice %arg12[%dma_wait3A_920, %dma_wait3A_929, %dma_wait3A_930] : memref<5x128x64xf32, #tpu.memory_space<vmem>> -> memref<1x128x64xf32, #tpu.memory_space<vmem>>
        %dma_wait3A_932 = tpu.memref_squeeze %dma_wait3A_931 : memref<1x128x64xf32, #tpu.memory_space<vmem>> -> memref<128x64xf32, #tpu.memory_space<vmem>>
        tpu.wait_dma2 semaphore(%arg23 : memref<!tpu.dma_semaphore, #tpu.memory_space<semaphore_mem>>) src(%dma_wait3A_932 : memref<128x64xf32, #tpu.memory_space<vmem>>) dst(%dma_wait3A_928 : memref<128x64xf32, #tpu.memory_space<hbm>>)
        %dma_wait3A_933 = arith.constant 3 : i32
        %dma_wait3A_934 = arith.constant 0 : i32
        %dma_wait3A_935 = arith.constant 0 : i32
        %dma_wait3A_936 = tpu.memref_slice %arg13[%dma_wait3A_933, %dma_wait3A_934, %dma_wait3A_935] : memref<5x128x32xf32, #tpu.memory_space<vmem>> -> memref<1x128x32xf32, #tpu.memory_space<vmem>>
        %dma_wait3A_937 = tpu.memref_squeeze %dma_wait3A_936 : memref<1x128x32xf32, #tpu.memory_space<vmem>> -> memref<128x32xf32, #tpu.memory_space<vmem>>
        %dma_wait3A_938 = arith.constant 64 : i32
        %dma_wait3A_939 = tpu.memref_slice %arg8[%mul3A_919, %dma_wait3A_938] : memref<819200x128xf32, #tpu.memory_space<hbm>> -> memref<128x32xf32, #tpu.memory_space<hbm>>
        %dma_wait3A_940 = arith.constant 64 : i32
        %dma_wait3A_941 = tpu.memref_slice %arg8[%mul3A_919, %dma_wait3A_940] : memref<819200x128xf32, #tpu.memory_space<hbm>> -> memref<128x32xf32, #tpu.memory_space<hbm>>
        %dma_wait3A_942 = arith.constant 0 : i32
        %dma_wait3A_943 = arith.constant 0 : i32
        %dma_wait3A_944 = tpu.memref_slice %arg13[%dma_wait3A_933, %dma_wait3A_942, %dma_wait3A_943] : memref<5x128x32xf32, #tpu.memory_space<vmem>> -> memref<1x128x32xf32, #tpu.memory_space<vmem>>
        %dma_wait3A_945 = tpu.memref_squeeze %dma_wait3A_944 : memref<1x128x32xf32, #tpu.memory_space<vmem>> -> memref<128x32xf32, #tpu.memory_space<vmem>>
        tpu.wait_dma2 semaphore(%arg23 : memref<!tpu.dma_semaphore, #tpu.memory_space<semaphore_mem>>) src(%dma_wait3A_945 : memref<128x32xf32, #tpu.memory_space<vmem>>) dst(%dma_wait3A_941 : memref<128x32xf32, #tpu.memory_space<hbm>>)
        %dma_wait3A_946 = arith.constant 3 : i32
        %dma_wait3A_947 = arith.constant 0 : i32
        %dma_wait3A_948 = arith.constant 0 : i32
        %dma_wait3A_949 = tpu.memref_slice %arg14[%dma_wait3A_946, %dma_wait3A_947, %dma_wait3A_948] : memref<5x128x32xf32, #tpu.memory_space<vmem>> -> memref<1x128x32xf32, #tpu.memory_space<vmem>>
        %dma_wait3A_950 = tpu.memref_squeeze %dma_wait3A_949 : memref<1x128x32xf32, #tpu.memory_space<vmem>> -> memref<128x32xf32, #tpu.memory_space<vmem>>
        %dma_wait3A_951 = arith.constant 96 : i32
        %dma_wait3A_952 = tpu.memref_slice %arg8[%mul3A_919, %dma_wait3A_951] : memref<819200x128xf32, #tpu.memory_space<hbm>> -> memref<128x32xf32, #tpu.memory_space<hbm>>
        %dma_wait3A_953 = arith.constant 96 : i32
        %dma_wait3A_954 = tpu.memref_slice %arg8[%mul3A_919, %dma_wait3A_953] : memref<819200x128xf32, #tpu.memory_space<hbm>> -> memref<128x32xf32, #tpu.memory_space<hbm>>
        %dma_wait3A_955 = arith.constant 0 : i32
        %dma_wait3A_956 = arith.constant 0 : i32
        %dma_wait3A_957 = tpu.memref_slice %arg14[%dma_wait3A_946, %dma_wait3A_955, %dma_wait3A_956] : memref<5x128x32xf32, #tpu.memory_space<vmem>> -> memref<1x128x32xf32, #tpu.memory_space<vmem>>
        %dma_wait3A_958 = tpu.memref_squeeze %dma_wait3A_957 : memref<1x128x32xf32, #tpu.memory_space<vmem>> -> memref<128x32xf32, #tpu.memory_space<vmem>>
        tpu.wait_dma2 semaphore(%arg23 : memref<!tpu.dma_semaphore, #tpu.memory_space<semaphore_mem>>) src(%dma_wait3A_958 : memref<128x32xf32, #tpu.memory_space<vmem>>) dst(%dma_wait3A_954 : memref<128x32xf32, #tpu.memory_space<hbm>>)
      } else {
      }
      %add3A_500 = arith.constant 3 : i32
      %add3A_501 = arith.addi %add3A_408, %add3A_500 : i32
      %lt3A = arith.constant 100 : i32
      %lt3A_502 = arith.cmpi slt, %add3A_501, %lt3A : i32
      %convert_element_type3A_503 = arith.extui %lt3A_502 : i1 to i32
      %cond3A_504 = arith.constant 0 : i32
      %cond3A_505 = arith.cmpi ne, %convert_element_type3A_503, %cond3A_504 : i32
      scf.if %cond3A_505 {
        %add3A_918 = arith.constant 3 : i32
        %add3A_919 = arith.addi %add3A_408, %add3A_918 : i32
        %dma_start3A_920 = arith.constant 3 : i32
        %dma_start3A_921 = arith.constant 0 : i32
        %dma_start3A_922 = arith.constant 0 : i32
        %dma_start3A_923 = tpu.memref_slice %arg12[%dma_start3A_920, %dma_start3A_921, %dma_start3A_922] : memref<5x128x64xf32, #tpu.memory_space<vmem>> -> memref<1x128x64xf32, #tpu.memory_space<vmem>>
        %dma_start3A_924 = tpu.memref_squeeze %dma_start3A_923 : memref<1x128x64xf32, #tpu.memory_space<vmem>> -> memref<128x64xf32, #tpu.memory_space<vmem>>
        %dma_start3A_925 = arith.constant 0 : i32
        %dma_start3A_926 = tpu.memref_slice %arg9[%add3A_919, %dma_start3A_925] : memref<100x128xi32, #tpu.memory_space<vmem>> -> memref<1x128xi32, #tpu.memory_space<vmem>>
        %dma_start3A_927 = tpu.memref_squeeze %dma_start3A_926 : memref<1x128xi32, #tpu.memory_space<vmem>> -> memref<128xi32, #tpu.memory_space<vmem>>
        %dma_start3A_928 = arith.constant 0 : i32
        %dma_start3A_929 = arith.constant 0 : i32
        %dma_start3A_930 = tpu.memref_slice %arg5[%dma_start3A_928, %dma_start3A_929] : memref<1000000x64xf32, #tpu.memory_space<hbm>> -> memref<1000000x64xf32, #tpu.memory_space<hbm>>
        tpu.enqueue_indirect_dma source(%dma_start3A_930 : memref<1000000x64xf32, #tpu.memory_space<hbm>>) target(%dma_start3A_924 : memref<128x64xf32, #tpu.memory_space<vmem>>) offsets(%dma_start3A_927 : memref<128xi32, #tpu.memory_space<vmem>>) semaphore(%arg18 : memref<!tpu.dma_semaphore, #tpu.memory_space<semaphore_mem>>)
        %dma_start3A_931 = arith.constant 3 : i32
        %dma_start3A_932 = arith.constant 0 : i32
        %dma_start3A_933 = arith.constant 0 : i32
        %dma_start3A_934 = tpu.memref_slice %arg13[%dma_start3A_931, %dma_start3A_932, %dma_start3A_933] : memref<5x128x32xf32, #tpu.memory_space<vmem>> -> memref<1x128x32xf32, #tpu.memory_space<vmem>>
        %dma_start3A_935 = tpu.memref_squeeze %dma_start3A_934 : memref<1x128x32xf32, #tpu.memory_space<vmem>> -> memref<128x32xf32, #tpu.memory_space<vmem>>
        %dma_start3A_936 = arith.constant 0 : i32
        %dma_start3A_937 = tpu.memref_slice %arg10[%add3A_919, %dma_start3A_936] : memref<100x128xi32, #tpu.memory_space<vmem>> -> memref<1x128xi32, #tpu.memory_space<vmem>>
        %dma_start3A_938 = tpu.memref_squeeze %dma_start3A_937 : memref<1x128xi32, #tpu.memory_space<vmem>> -> memref<128xi32, #tpu.memory_space<vmem>>
        %dma_start3A_939 = arith.constant 0 : i32
        %dma_start3A_940 = arith.constant 0 : i32
        %dma_start3A_941 = tpu.memref_slice %arg6[%dma_start3A_939, %dma_start3A_940] : memref<400x32xf32, #tpu.memory_space<hbm>> -> memref<400x32xf32, #tpu.memory_space<hbm>>
        tpu.enqueue_indirect_dma source(%dma_start3A_941 : memref<400x32xf32, #tpu.memory_space<hbm>>) target(%dma_start3A_935 : memref<128x32xf32, #tpu.memory_space<vmem>>) offsets(%dma_start3A_938 : memref<128xi32, #tpu.memory_space<vmem>>) semaphore(%arg18 : memref<!tpu.dma_semaphore, #tpu.memory_space<semaphore_mem>>)
        %dma_start3A_942 = arith.constant 3 : i32
        %dma_start3A_943 = arith.constant 0 : i32
        %dma_start3A_944 = arith.constant 0 : i32
        %dma_start3A_945 = tpu.memref_slice %arg14[%dma_start3A_942, %dma_start3A_943, %dma_start3A_944] : memref<5x128x32xf32, #tpu.memory_space<vmem>> -> memref<1x128x32xf32, #tpu.memory_space<vmem>>
        %dma_start3A_946 = tpu.memref_squeeze %dma_start3A_945 : memref<1x128x32xf32, #tpu.memory_space<vmem>> -> memref<128x32xf32, #tpu.memory_space<vmem>>
        %dma_start3A_947 = arith.constant 0 : i32
        %dma_start3A_948 = tpu.memref_slice %arg11[%add3A_919, %dma_start3A_947] : memref<100x128xi32, #tpu.memory_space<vmem>> -> memref<1x128xi32, #tpu.memory_space<vmem>>
        %dma_start3A_949 = tpu.memref_squeeze %dma_start3A_948 : memref<1x128xi32, #tpu.memory_space<vmem>> -> memref<128xi32, #tpu.memory_space<vmem>>
        %dma_start3A_950 = arith.constant 0 : i32
        %dma_start3A_951 = arith.constant 0 : i32
        %dma_start3A_952 = tpu.memref_slice %arg7[%dma_start3A_950, %dma_start3A_951] : memref<400x32xf32, #tpu.memory_space<hbm>> -> memref<400x32xf32, #tpu.memory_space<hbm>>
        tpu.enqueue_indirect_dma source(%dma_start3A_952 : memref<400x32xf32, #tpu.memory_space<hbm>>) target(%dma_start3A_946 : memref<128x32xf32, #tpu.memory_space<vmem>>) offsets(%dma_start3A_949 : memref<128xi32, #tpu.memory_space<vmem>>) semaphore(%arg18 : memref<!tpu.dma_semaphore, #tpu.memory_space<semaphore_mem>>)
      } else {
      }
      %add3A_506 = arith.constant 1 : i32
      %add3A_507 = arith.addi %mul3A_406, %add3A_506 : i32
      %dma_wait3A_508 = arith.constant 1 : i32
      %dma_wait3A_509 = arith.constant 0 : i32
      %dma_wait3A_510 = arith.constant 0 : i32
      %dma_wait3A_511 = tpu.memref_slice %arg12[%dma_wait3A_508, %dma_wait3A_509, %dma_wait3A_510] : memref<5x128x64xf32, #tpu.memory_space<vmem>> -> memref<1x128x64xf32, #tpu.memory_space<vmem>>
      %dma_wait3A_512 = tpu.memref_squeeze %dma_wait3A_511 : memref<1x128x64xf32, #tpu.memory_space<vmem>> -> memref<128x64xf32, #tpu.memory_space<vmem>>
      %dma_wait3A_513 = arith.constant 0 : i32
      %dma_wait3A_514 = arith.constant 0 : i32
      %dma_wait3A_515 = tpu.memref_slice %arg5[%dma_wait3A_513, %dma_wait3A_514] : memref<1000000x64xf32, #tpu.memory_space<hbm>> -> memref<128x64xf32, #tpu.memory_space<hbm>>
      %dma_wait3A_516 = arith.constant 0 : i32
      %dma_wait3A_517 = arith.constant 0 : i32
      %dma_wait3A_518 = tpu.memref_slice %arg12[%dma_wait3A_508, %dma_wait3A_516, %dma_wait3A_517] : memref<5x128x64xf32, #tpu.memory_space<vmem>> -> memref<1x128x64xf32, #tpu.memory_space<vmem>>
      %dma_wait3A_519 = tpu.memref_squeeze %dma_wait3A_518 : memref<1x128x64xf32, #tpu.memory_space<vmem>> -> memref<128x64xf32, #tpu.memory_space<vmem>>
      %dma_wait3A_520 = arith.constant 0 : i32
      %dma_wait3A_521 = arith.constant 0 : i32
      %dma_wait3A_522 = tpu.memref_slice %arg5[%dma_wait3A_520, %dma_wait3A_521] : memref<1000000x64xf32, #tpu.memory_space<hbm>> -> memref<128x64xf32, #tpu.memory_space<hbm>>
      tpu.wait_dma2 semaphore(%arg16 : memref<!tpu.dma_semaphore, #tpu.memory_space<semaphore_mem>>) src(%dma_wait3A_522 : memref<128x64xf32, #tpu.memory_space<hbm>>) dst(%dma_wait3A_519 : memref<128x64xf32, #tpu.memory_space<vmem>>)
      %dma_wait3A_523 = arith.constant 1 : i32
      %dma_wait3A_524 = arith.constant 0 : i32
      %dma_wait3A_525 = arith.constant 0 : i32
      %dma_wait3A_526 = tpu.memref_slice %arg13[%dma_wait3A_523, %dma_wait3A_524, %dma_wait3A_525] : memref<5x128x32xf32, #tpu.memory_space<vmem>> -> memref<1x128x32xf32, #tpu.memory_space<vmem>>
      %dma_wait3A_527 = tpu.memref_squeeze %dma_wait3A_526 : memref<1x128x32xf32, #tpu.memory_space<vmem>> -> memref<128x32xf32, #tpu.memory_space<vmem>>
      %dma_wait3A_528 = arith.constant 0 : i32
      %dma_wait3A_529 = arith.constant 0 : i32
      %dma_wait3A_530 = tpu.memref_slice %arg6[%dma_wait3A_528, %dma_wait3A_529] : memref<400x32xf32, #tpu.memory_space<hbm>> -> memref<128x32xf32, #tpu.memory_space<hbm>>
      %dma_wait3A_531 = arith.constant 0 : i32
      %dma_wait3A_532 = arith.constant 0 : i32
      %dma_wait3A_533 = tpu.memref_slice %arg13[%dma_wait3A_523, %dma_wait3A_531, %dma_wait3A_532] : memref<5x128x32xf32, #tpu.memory_space<vmem>> -> memref<1x128x32xf32, #tpu.memory_space<vmem>>
      %dma_wait3A_534 = tpu.memref_squeeze %dma_wait3A_533 : memref<1x128x32xf32, #tpu.memory_space<vmem>> -> memref<128x32xf32, #tpu.memory_space<vmem>>
      %dma_wait3A_535 = arith.constant 0 : i32
      %dma_wait3A_536 = arith.constant 0 : i32
      %dma_wait3A_537 = tpu.memref_slice %arg6[%dma_wait3A_535, %dma_wait3A_536] : memref<400x32xf32, #tpu.memory_space<hbm>> -> memref<128x32xf32, #tpu.memory_space<hbm>>
      tpu.wait_dma2 semaphore(%arg16 : memref<!tpu.dma_semaphore, #tpu.memory_space<semaphore_mem>>) src(%dma_wait3A_537 : memref<128x32xf32, #tpu.memory_space<hbm>>) dst(%dma_wait3A_534 : memref<128x32xf32, #tpu.memory_space<vmem>>)
      %dma_wait3A_538 = arith.constant 1 : i32
      %dma_wait3A_539 = arith.constant 0 : i32
      %dma_wait3A_540 = arith.constant 0 : i32
      %dma_wait3A_541 = tpu.memref_slice %arg14[%dma_wait3A_538, %dma_wait3A_539, %dma_wait3A_540] : memref<5x128x32xf32, #tpu.memory_space<vmem>> -> memref<1x128x32xf32, #tpu.memory_space<vmem>>
      %dma_wait3A_542 = tpu.memref_squeeze %dma_wait3A_541 : memref<1x128x32xf32, #tpu.memory_space<vmem>> -> memref<128x32xf32, #tpu.memory_space<vmem>>
      %dma_wait3A_543 = arith.constant 0 : i32
      %dma_wait3A_544 = arith.constant 0 : i32
      %dma_wait3A_545 = tpu.memref_slice %arg7[%dma_wait3A_543, %dma_wait3A_544] : memref<400x32xf32, #tpu.memory_space<hbm>> -> memref<128x32xf32, #tpu.memory_space<hbm>>
      %dma_wait3A_546 = arith.constant 0 : i32
      %dma_wait3A_547 = arith.constant 0 : i32
      %dma_wait3A_548 = tpu.memref_slice %arg14[%dma_wait3A_538, %dma_wait3A_546, %dma_wait3A_547] : memref<5x128x32xf32, #tpu.memory_space<vmem>> -> memref<1x128x32xf32, #tpu.memory_space<vmem>>
      %dma_wait3A_549 = tpu.memref_squeeze %dma_wait3A_548 : memref<1x128x32xf32, #tpu.memory_space<vmem>> -> memref<128x32xf32, #tpu.memory_space<vmem>>
      %dma_wait3A_550 = arith.constant 0 : i32
      %dma_wait3A_551 = arith.constant 0 : i32
      %dma_wait3A_552 = tpu.memref_slice %arg7[%dma_wait3A_550, %dma_wait3A_551] : memref<400x32xf32, #tpu.memory_space<hbm>> -> memref<128x32xf32, #tpu.memory_space<hbm>>
      tpu.wait_dma2 semaphore(%arg16 : memref<!tpu.dma_semaphore, #tpu.memory_space<semaphore_mem>>) src(%dma_wait3A_552 : memref<128x32xf32, #tpu.memory_space<hbm>>) dst(%dma_wait3A_549 : memref<128x32xf32, #tpu.memory_space<vmem>>)
      %add3A_553 = arith.constant 100 : i32
      %add3A_554 = arith.addi %mul3A_2, %add3A_553 : i32
      %add3A_555 = arith.addi %add3A_554, %add3A_507 : i32
      %mul3A_556 = arith.constant 128 : i32
      %mul3A_557 = arith.muli %add3A_555, %mul3A_556 : i32
      %dma_start3A_558 = arith.constant 1 : i32
      %dma_start3A_559 = arith.constant 0 : i32
      %dma_start3A_560 = arith.constant 0 : i32
      %dma_start3A_561 = tpu.memref_slice %arg12[%dma_start3A_558, %dma_start3A_559, %dma_start3A_560] : memref<5x128x64xf32, #tpu.memory_space<vmem>> -> memref<1x128x64xf32, #tpu.memory_space<vmem>>
      %dma_start3A_562 = tpu.memref_squeeze %dma_start3A_561 : memref<1x128x64xf32, #tpu.memory_space<vmem>> -> memref<128x64xf32, #tpu.memory_space<vmem>>
      %dma_start3A_563 = arith.constant 0 : i32
      %dma_start3A_564 = tpu.memref_slice %arg8[%mul3A_557, %dma_start3A_563] : memref<819200x128xf32, #tpu.memory_space<hbm>> -> memref<128x64xf32, #tpu.memory_space<hbm>>
      %dma_start3A_565 = arith.constant 0 : i32
      %dma_start3A_566 = tpu.memref_slice %arg8[%mul3A_557, %dma_start3A_565] : memref<819200x128xf32, #tpu.memory_space<hbm>> -> memref<128x64xf32, #tpu.memory_space<hbm>>
      %dma_start3A_567 = arith.constant 0 : i32
      %dma_start3A_568 = arith.constant 0 : i32
      %dma_start3A_569 = tpu.memref_slice %arg12[%dma_start3A_558, %dma_start3A_567, %dma_start3A_568] : memref<5x128x64xf32, #tpu.memory_space<vmem>> -> memref<1x128x64xf32, #tpu.memory_space<vmem>>
      %dma_start3A_570 = tpu.memref_squeeze %dma_start3A_569 : memref<1x128x64xf32, #tpu.memory_space<vmem>> -> memref<128x64xf32, #tpu.memory_space<vmem>>
      tpu.enqueue_dma source(%dma_start3A_570 : memref<128x64xf32, #tpu.memory_space<vmem>>) target(%dma_start3A_566 : memref<128x64xf32, #tpu.memory_space<hbm>>) target_semaphore(%arg21 : memref<!tpu.dma_semaphore, #tpu.memory_space<semaphore_mem>>)
      %dma_start3A_571 = arith.constant 1 : i32
      %dma_start3A_572 = arith.constant 0 : i32
      %dma_start3A_573 = arith.constant 0 : i32
      %dma_start3A_574 = tpu.memref_slice %arg13[%dma_start3A_571, %dma_start3A_572, %dma_start3A_573] : memref<5x128x32xf32, #tpu.memory_space<vmem>> -> memref<1x128x32xf32, #tpu.memory_space<vmem>>
      %dma_start3A_575 = tpu.memref_squeeze %dma_start3A_574 : memref<1x128x32xf32, #tpu.memory_space<vmem>> -> memref<128x32xf32, #tpu.memory_space<vmem>>
      %dma_start3A_576 = arith.constant 64 : i32
      %dma_start3A_577 = tpu.memref_slice %arg8[%mul3A_557, %dma_start3A_576] : memref<819200x128xf32, #tpu.memory_space<hbm>> -> memref<128x32xf32, #tpu.memory_space<hbm>>
      %dma_start3A_578 = arith.constant 64 : i32
      %dma_start3A_579 = tpu.memref_slice %arg8[%mul3A_557, %dma_start3A_578] : memref<819200x128xf32, #tpu.memory_space<hbm>> -> memref<128x32xf32, #tpu.memory_space<hbm>>
      %dma_start3A_580 = arith.constant 0 : i32
      %dma_start3A_581 = arith.constant 0 : i32
      %dma_start3A_582 = tpu.memref_slice %arg13[%dma_start3A_571, %dma_start3A_580, %dma_start3A_581] : memref<5x128x32xf32, #tpu.memory_space<vmem>> -> memref<1x128x32xf32, #tpu.memory_space<vmem>>
      %dma_start3A_583 = tpu.memref_squeeze %dma_start3A_582 : memref<1x128x32xf32, #tpu.memory_space<vmem>> -> memref<128x32xf32, #tpu.memory_space<vmem>>
      tpu.enqueue_dma source(%dma_start3A_583 : memref<128x32xf32, #tpu.memory_space<vmem>>) target(%dma_start3A_579 : memref<128x32xf32, #tpu.memory_space<hbm>>) target_semaphore(%arg21 : memref<!tpu.dma_semaphore, #tpu.memory_space<semaphore_mem>>)
      %dma_start3A_584 = arith.constant 1 : i32
      %dma_start3A_585 = arith.constant 0 : i32
      %dma_start3A_586 = arith.constant 0 : i32
      %dma_start3A_587 = tpu.memref_slice %arg14[%dma_start3A_584, %dma_start3A_585, %dma_start3A_586] : memref<5x128x32xf32, #tpu.memory_space<vmem>> -> memref<1x128x32xf32, #tpu.memory_space<vmem>>
      %dma_start3A_588 = tpu.memref_squeeze %dma_start3A_587 : memref<1x128x32xf32, #tpu.memory_space<vmem>> -> memref<128x32xf32, #tpu.memory_space<vmem>>
      %dma_start3A_589 = arith.constant 96 : i32
      %dma_start3A_590 = tpu.memref_slice %arg8[%mul3A_557, %dma_start3A_589] : memref<819200x128xf32, #tpu.memory_space<hbm>> -> memref<128x32xf32, #tpu.memory_space<hbm>>
      %dma_start3A_591 = arith.constant 96 : i32
      %dma_start3A_592 = tpu.memref_slice %arg8[%mul3A_557, %dma_start3A_591] : memref<819200x128xf32, #tpu.memory_space<hbm>> -> memref<128x32xf32, #tpu.memory_space<hbm>>
      %dma_start3A_593 = arith.constant 0 : i32
      %dma_start3A_594 = arith.constant 0 : i32
      %dma_start3A_595 = tpu.memref_slice %arg14[%dma_start3A_584, %dma_start3A_593, %dma_start3A_594] : memref<5x128x32xf32, #tpu.memory_space<vmem>> -> memref<1x128x32xf32, #tpu.memory_space<vmem>>
      %dma_start3A_596 = tpu.memref_squeeze %dma_start3A_595 : memref<1x128x32xf32, #tpu.memory_space<vmem>> -> memref<128x32xf32, #tpu.memory_space<vmem>>
      tpu.enqueue_dma source(%dma_start3A_596 : memref<128x32xf32, #tpu.memory_space<vmem>>) target(%dma_start3A_592 : memref<128x32xf32, #tpu.memory_space<hbm>>) target_semaphore(%arg21 : memref<!tpu.dma_semaphore, #tpu.memory_space<semaphore_mem>>)
      %ge3A_597 = arith.constant 2 : i32
      %ge3A_598 = arith.cmpi sge, %add3A_507, %ge3A_597 : i32
      %convert_element_type3A_599 = arith.extui %ge3A_598 : i1 to i32
      %cond3A_600 = arith.constant 0 : i32
      %cond3A_601 = arith.cmpi ne, %convert_element_type3A_599, %cond3A_600 : i32
      scf.if %cond3A_601 {
        %mul3A_918 = arith.constant 128 : i32
        %mul3A_919 = arith.muli %mul3A_2, %mul3A_918 : i32
        %dma_wait3A_920 = arith.constant 4 : i32
        %dma_wait3A_921 = arith.constant 0 : i32
        %dma_wait3A_922 = arith.constant 0 : i32
        %dma_wait3A_923 = tpu.memref_slice %arg12[%dma_wait3A_920, %dma_wait3A_921, %dma_wait3A_922] : memref<5x128x64xf32, #tpu.memory_space<vmem>> -> memref<1x128x64xf32, #tpu.memory_space<vmem>>
        %dma_wait3A_924 = tpu.memref_squeeze %dma_wait3A_923 : memref<1x128x64xf32, #tpu.memory_space<vmem>> -> memref<128x64xf32, #tpu.memory_space<vmem>>
        %dma_wait3A_925 = arith.constant 0 : i32
        %dma_wait3A_926 = tpu.memref_slice %arg8[%mul3A_919, %dma_wait3A_925] : memref<819200x128xf32, #tpu.memory_space<hbm>> -> memref<128x64xf32, #tpu.memory_space<hbm>>
        %dma_wait3A_927 = arith.constant 0 : i32
        %dma_wait3A_928 = tpu.memref_slice %arg8[%mul3A_919, %dma_wait3A_927] : memref<819200x128xf32, #tpu.memory_space<hbm>> -> memref<128x64xf32, #tpu.memory_space<hbm>>
        %dma_wait3A_929 = arith.constant 0 : i32
        %dma_wait3A_930 = arith.constant 0 : i32
        %dma_wait3A_931 = tpu.memref_slice %arg12[%dma_wait3A_920, %dma_wait3A_929, %dma_wait3A_930] : memref<5x128x64xf32, #tpu.memory_space<vmem>> -> memref<1x128x64xf32, #tpu.memory_space<vmem>>
        %dma_wait3A_932 = tpu.memref_squeeze %dma_wait3A_931 : memref<1x128x64xf32, #tpu.memory_space<vmem>> -> memref<128x64xf32, #tpu.memory_space<vmem>>
        tpu.wait_dma2 semaphore(%arg24 : memref<!tpu.dma_semaphore, #tpu.memory_space<semaphore_mem>>) src(%dma_wait3A_932 : memref<128x64xf32, #tpu.memory_space<vmem>>) dst(%dma_wait3A_928 : memref<128x64xf32, #tpu.memory_space<hbm>>)
        %dma_wait3A_933 = arith.constant 4 : i32
        %dma_wait3A_934 = arith.constant 0 : i32
        %dma_wait3A_935 = arith.constant 0 : i32
        %dma_wait3A_936 = tpu.memref_slice %arg13[%dma_wait3A_933, %dma_wait3A_934, %dma_wait3A_935] : memref<5x128x32xf32, #tpu.memory_space<vmem>> -> memref<1x128x32xf32, #tpu.memory_space<vmem>>
        %dma_wait3A_937 = tpu.memref_squeeze %dma_wait3A_936 : memref<1x128x32xf32, #tpu.memory_space<vmem>> -> memref<128x32xf32, #tpu.memory_space<vmem>>
        %dma_wait3A_938 = arith.constant 64 : i32
        %dma_wait3A_939 = tpu.memref_slice %arg8[%mul3A_919, %dma_wait3A_938] : memref<819200x128xf32, #tpu.memory_space<hbm>> -> memref<128x32xf32, #tpu.memory_space<hbm>>
        %dma_wait3A_940 = arith.constant 64 : i32
        %dma_wait3A_941 = tpu.memref_slice %arg8[%mul3A_919, %dma_wait3A_940] : memref<819200x128xf32, #tpu.memory_space<hbm>> -> memref<128x32xf32, #tpu.memory_space<hbm>>
        %dma_wait3A_942 = arith.constant 0 : i32
        %dma_wait3A_943 = arith.constant 0 : i32
        %dma_wait3A_944 = tpu.memref_slice %arg13[%dma_wait3A_933, %dma_wait3A_942, %dma_wait3A_943] : memref<5x128x32xf32, #tpu.memory_space<vmem>> -> memref<1x128x32xf32, #tpu.memory_space<vmem>>
        %dma_wait3A_945 = tpu.memref_squeeze %dma_wait3A_944 : memref<1x128x32xf32, #tpu.memory_space<vmem>> -> memref<128x32xf32, #tpu.memory_space<vmem>>
        tpu.wait_dma2 semaphore(%arg24 : memref<!tpu.dma_semaphore, #tpu.memory_space<semaphore_mem>>) src(%dma_wait3A_945 : memref<128x32xf32, #tpu.memory_space<vmem>>) dst(%dma_wait3A_941 : memref<128x32xf32, #tpu.memory_space<hbm>>)
        %dma_wait3A_946 = arith.constant 4 : i32
        %dma_wait3A_947 = arith.constant 0 : i32
        %dma_wait3A_948 = arith.constant 0 : i32
        %dma_wait3A_949 = tpu.memref_slice %arg14[%dma_wait3A_946, %dma_wait3A_947, %dma_wait3A_948] : memref<5x128x32xf32, #tpu.memory_space<vmem>> -> memref<1x128x32xf32, #tpu.memory_space<vmem>>
        %dma_wait3A_950 = tpu.memref_squeeze %dma_wait3A_949 : memref<1x128x32xf32, #tpu.memory_space<vmem>> -> memref<128x32xf32, #tpu.memory_space<vmem>>
        %dma_wait3A_951 = arith.constant 96 : i32
        %dma_wait3A_952 = tpu.memref_slice %arg8[%mul3A_919, %dma_wait3A_951] : memref<819200x128xf32, #tpu.memory_space<hbm>> -> memref<128x32xf32, #tpu.memory_space<hbm>>
        %dma_wait3A_953 = arith.constant 96 : i32
        %dma_wait3A_954 = tpu.memref_slice %arg8[%mul3A_919, %dma_wait3A_953] : memref<819200x128xf32, #tpu.memory_space<hbm>> -> memref<128x32xf32, #tpu.memory_space<hbm>>
        %dma_wait3A_955 = arith.constant 0 : i32
        %dma_wait3A_956 = arith.constant 0 : i32
        %dma_wait3A_957 = tpu.memref_slice %arg14[%dma_wait3A_946, %dma_wait3A_955, %dma_wait3A_956] : memref<5x128x32xf32, #tpu.memory_space<vmem>> -> memref<1x128x32xf32, #tpu.memory_space<vmem>>
        %dma_wait3A_958 = tpu.memref_squeeze %dma_wait3A_957 : memref<1x128x32xf32, #tpu.memory_space<vmem>> -> memref<128x32xf32, #tpu.memory_space<vmem>>
        tpu.wait_dma2 semaphore(%arg24 : memref<!tpu.dma_semaphore, #tpu.memory_space<semaphore_mem>>) src(%dma_wait3A_958 : memref<128x32xf32, #tpu.memory_space<vmem>>) dst(%dma_wait3A_954 : memref<128x32xf32, #tpu.memory_space<hbm>>)
      } else {
      }
      %add3A_602 = arith.constant 3 : i32
      %add3A_603 = arith.addi %add3A_507, %add3A_602 : i32
      %lt3A_604 = arith.constant 100 : i32
      %lt3A_605 = arith.cmpi slt, %add3A_603, %lt3A_604 : i32
      %convert_element_type3A_606 = arith.extui %lt3A_605 : i1 to i32
      %cond3A_607 = arith.constant 0 : i32
      %cond3A_608 = arith.cmpi ne, %convert_element_type3A_606, %cond3A_607 : i32
      scf.if %cond3A_608 {
        %add3A_918 = arith.constant 3 : i32
        %add3A_919 = arith.addi %add3A_507, %add3A_918 : i32
        %dma_start3A_920 = arith.constant 4 : i32
        %dma_start3A_921 = arith.constant 0 : i32
        %dma_start3A_922 = arith.constant 0 : i32
        %dma_start3A_923 = tpu.memref_slice %arg12[%dma_start3A_920, %dma_start3A_921, %dma_start3A_922] : memref<5x128x64xf32, #tpu.memory_space<vmem>> -> memref<1x128x64xf32, #tpu.memory_space<vmem>>
        %dma_start3A_924 = tpu.memref_squeeze %dma_start3A_923 : memref<1x128x64xf32, #tpu.memory_space<vmem>> -> memref<128x64xf32, #tpu.memory_space<vmem>>
        %dma_start3A_925 = arith.constant 0 : i32
        %dma_start3A_926 = tpu.memref_slice %arg9[%add3A_919, %dma_start3A_925] : memref<100x128xi32, #tpu.memory_space<vmem>> -> memref<1x128xi32, #tpu.memory_space<vmem>>
        %dma_start3A_927 = tpu.memref_squeeze %dma_start3A_926 : memref<1x128xi32, #tpu.memory_space<vmem>> -> memref<128xi32, #tpu.memory_space<vmem>>
        %dma_start3A_928 = arith.constant 0 : i32
        %dma_start3A_929 = arith.constant 0 : i32
        %dma_start3A_930 = tpu.memref_slice %arg5[%dma_start3A_928, %dma_start3A_929] : memref<1000000x64xf32, #tpu.memory_space<hbm>> -> memref<1000000x64xf32, #tpu.memory_space<hbm>>
        tpu.enqueue_indirect_dma source(%dma_start3A_930 : memref<1000000x64xf32, #tpu.memory_space<hbm>>) target(%dma_start3A_924 : memref<128x64xf32, #tpu.memory_space<vmem>>) offsets(%dma_start3A_927 : memref<128xi32, #tpu.memory_space<vmem>>) semaphore(%arg19 : memref<!tpu.dma_semaphore, #tpu.memory_space<semaphore_mem>>)
        %dma_start3A_931 = arith.constant 4 : i32
        %dma_start3A_932 = arith.constant 0 : i32
        %dma_start3A_933 = arith.constant 0 : i32
        %dma_start3A_934 = tpu.memref_slice %arg13[%dma_start3A_931, %dma_start3A_932, %dma_start3A_933] : memref<5x128x32xf32, #tpu.memory_space<vmem>> -> memref<1x128x32xf32, #tpu.memory_space<vmem>>
        %dma_start3A_935 = tpu.memref_squeeze %dma_start3A_934 : memref<1x128x32xf32, #tpu.memory_space<vmem>> -> memref<128x32xf32, #tpu.memory_space<vmem>>
        %dma_start3A_936 = arith.constant 0 : i32
        %dma_start3A_937 = tpu.memref_slice %arg10[%add3A_919, %dma_start3A_936] : memref<100x128xi32, #tpu.memory_space<vmem>> -> memref<1x128xi32, #tpu.memory_space<vmem>>
        %dma_start3A_938 = tpu.memref_squeeze %dma_start3A_937 : memref<1x128xi32, #tpu.memory_space<vmem>> -> memref<128xi32, #tpu.memory_space<vmem>>
        %dma_start3A_939 = arith.constant 0 : i32
        %dma_start3A_940 = arith.constant 0 : i32
        %dma_start3A_941 = tpu.memref_slice %arg6[%dma_start3A_939, %dma_start3A_940] : memref<400x32xf32, #tpu.memory_space<hbm>> -> memref<400x32xf32, #tpu.memory_space<hbm>>
        tpu.enqueue_indirect_dma source(%dma_start3A_941 : memref<400x32xf32, #tpu.memory_space<hbm>>) target(%dma_start3A_935 : memref<128x32xf32, #tpu.memory_space<vmem>>) offsets(%dma_start3A_938 : memref<128xi32, #tpu.memory_space<vmem>>) semaphore(%arg19 : memref<!tpu.dma_semaphore, #tpu.memory_space<semaphore_mem>>)
        %dma_start3A_942 = arith.constant 4 : i32
        %dma_start3A_943 = arith.constant 0 : i32
        %dma_start3A_944 = arith.constant 0 : i32
        %dma_start3A_945 = tpu.memref_slice %arg14[%dma_start3A_942, %dma_start3A_943, %dma_start3A_944] : memref<5x128x32xf32, #tpu.memory_space<vmem>> -> memref<1x128x32xf32, #tpu.memory_space<vmem>>
        %dma_start3A_946 = tpu.memref_squeeze %dma_start3A_945 : memref<1x128x32xf32, #tpu.memory_space<vmem>> -> memref<128x32xf32, #tpu.memory_space<vmem>>
        %dma_start3A_947 = arith.constant 0 : i32
        %dma_start3A_948 = tpu.memref_slice %arg11[%add3A_919, %dma_start3A_947] : memref<100x128xi32, #tpu.memory_space<vmem>> -> memref<1x128xi32, #tpu.memory_space<vmem>>
        %dma_start3A_949 = tpu.memref_squeeze %dma_start3A_948 : memref<1x128xi32, #tpu.memory_space<vmem>> -> memref<128xi32, #tpu.memory_space<vmem>>
        %dma_start3A_950 = arith.constant 0 : i32
        %dma_start3A_951 = arith.constant 0 : i32
        %dma_start3A_952 = tpu.memref_slice %arg7[%dma_start3A_950, %dma_start3A_951] : memref<400x32xf32, #tpu.memory_space<hbm>> -> memref<400x32xf32, #tpu.memory_space<hbm>>
        tpu.enqueue_indirect_dma source(%dma_start3A_952 : memref<400x32xf32, #tpu.memory_space<hbm>>) target(%dma_start3A_946 : memref<128x32xf32, #tpu.memory_space<vmem>>) offsets(%dma_start3A_949 : memref<128xi32, #tpu.memory_space<vmem>>) semaphore(%arg19 : memref<!tpu.dma_semaphore, #tpu.memory_space<semaphore_mem>>)
      } else {
      }
      %add3A_609 = arith.constant 2 : i32
      %add3A_610 = arith.addi %mul3A_406, %add3A_609 : i32
      %dma_wait3A_611 = arith.constant 2 : i32
      %dma_wait3A_612 = arith.constant 0 : i32
      %dma_wait3A_613 = arith.constant 0 : i32
      %dma_wait3A_614 = tpu.memref_slice %arg12[%dma_wait3A_611, %dma_wait3A_612, %dma_wait3A_613] : memref<5x128x64xf32, #tpu.memory_space<vmem>> -> memref<1x128x64xf32, #tpu.memory_space<vmem>>
      %dma_wait3A_615 = tpu.memref_squeeze %dma_wait3A_614 : memref<1x128x64xf32, #tpu.memory_space<vmem>> -> memref<128x64xf32, #tpu.memory_space<vmem>>
      %dma_wait3A_616 = arith.constant 0 : i32
      %dma_wait3A_617 = arith.constant 0 : i32
      %dma_wait3A_618 = tpu.memref_slice %arg5[%dma_wait3A_616, %dma_wait3A_617] : memref<1000000x64xf32, #tpu.memory_space<hbm>> -> memref<128x64xf32, #tpu.memory_space<hbm>>
      %dma_wait3A_619 = arith.constant 0 : i32
      %dma_wait3A_620 = arith.constant 0 : i32
      %dma_wait3A_621 = tpu.memref_slice %arg12[%dma_wait3A_611, %dma_wait3A_619, %dma_wait3A_620] : memref<5x128x64xf32, #tpu.memory_space<vmem>> -> memref<1x128x64xf32, #tpu.memory_space<vmem>>
      %dma_wait3A_622 = tpu.memref_squeeze %dma_wait3A_621 : memref<1x128x64xf32, #tpu.memory_space<vmem>> -> memref<128x64xf32, #tpu.memory_space<vmem>>
      %dma_wait3A_623 = arith.constant 0 : i32
      %dma_wait3A_624 = arith.constant 0 : i32
      %dma_wait3A_625 = tpu.memref_slice %arg5[%dma_wait3A_623, %dma_wait3A_624] : memref<1000000x64xf32, #tpu.memory_space<hbm>> -> memref<128x64xf32, #tpu.memory_space<hbm>>
      tpu.wait_dma2 semaphore(%arg17 : memref<!tpu.dma_semaphore, #tpu.memory_space<semaphore_mem>>) src(%dma_wait3A_625 : memref<128x64xf32, #tpu.memory_space<hbm>>) dst(%dma_wait3A_622 : memref<128x64xf32, #tpu.memory_space<vmem>>)
      %dma_wait3A_626 = arith.constant 2 : i32
      %dma_wait3A_627 = arith.constant 0 : i32
      %dma_wait3A_628 = arith.constant 0 : i32
      %dma_wait3A_629 = tpu.memref_slice %arg13[%dma_wait3A_626, %dma_wait3A_627, %dma_wait3A_628] : memref<5x128x32xf32, #tpu.memory_space<vmem>> -> memref<1x128x32xf32, #tpu.memory_space<vmem>>
      %dma_wait3A_630 = tpu.memref_squeeze %dma_wait3A_629 : memref<1x128x32xf32, #tpu.memory_space<vmem>> -> memref<128x32xf32, #tpu.memory_space<vmem>>
      %dma_wait3A_631 = arith.constant 0 : i32
      %dma_wait3A_632 = arith.constant 0 : i32
      %dma_wait3A_633 = tpu.memref_slice %arg6[%dma_wait3A_631, %dma_wait3A_632] : memref<400x32xf32, #tpu.memory_space<hbm>> -> memref<128x32xf32, #tpu.memory_space<hbm>>
      %dma_wait3A_634 = arith.constant 0 : i32
      %dma_wait3A_635 = arith.constant 0 : i32
      %dma_wait3A_636 = tpu.memref_slice %arg13[%dma_wait3A_626, %dma_wait3A_634, %dma_wait3A_635] : memref<5x128x32xf32, #tpu.memory_space<vmem>> -> memref<1x128x32xf32, #tpu.memory_space<vmem>>
      %dma_wait3A_637 = tpu.memref_squeeze %dma_wait3A_636 : memref<1x128x32xf32, #tpu.memory_space<vmem>> -> memref<128x32xf32, #tpu.memory_space<vmem>>
      %dma_wait3A_638 = arith.constant 0 : i32
      %dma_wait3A_639 = arith.constant 0 : i32
      %dma_wait3A_640 = tpu.memref_slice %arg6[%dma_wait3A_638, %dma_wait3A_639] : memref<400x32xf32, #tpu.memory_space<hbm>> -> memref<128x32xf32, #tpu.memory_space<hbm>>
      tpu.wait_dma2 semaphore(%arg17 : memref<!tpu.dma_semaphore, #tpu.memory_space<semaphore_mem>>) src(%dma_wait3A_640 : memref<128x32xf32, #tpu.memory_space<hbm>>) dst(%dma_wait3A_637 : memref<128x32xf32, #tpu.memory_space<vmem>>)
      %dma_wait3A_641 = arith.constant 2 : i32
      %dma_wait3A_642 = arith.constant 0 : i32
      %dma_wait3A_643 = arith.constant 0 : i32
      %dma_wait3A_644 = tpu.memref_slice %arg14[%dma_wait3A_641, %dma_wait3A_642, %dma_wait3A_643] : memref<5x128x32xf32, #tpu.memory_space<vmem>> -> memref<1x128x32xf32, #tpu.memory_space<vmem>>
      %dma_wait3A_645 = tpu.memref_squeeze %dma_wait3A_644 : memref<1x128x32xf32, #tpu.memory_space<vmem>> -> memref<128x32xf32, #tpu.memory_space<vmem>>
      %dma_wait3A_646 = arith.constant 0 : i32
      %dma_wait3A_647 = arith.constant 0 : i32
      %dma_wait3A_648 = tpu.memref_slice %arg7[%dma_wait3A_646, %dma_wait3A_647] : memref<400x32xf32, #tpu.memory_space<hbm>> -> memref<128x32xf32, #tpu.memory_space<hbm>>
      %dma_wait3A_649 = arith.constant 0 : i32
      %dma_wait3A_650 = arith.constant 0 : i32
      %dma_wait3A_651 = tpu.memref_slice %arg14[%dma_wait3A_641, %dma_wait3A_649, %dma_wait3A_650] : memref<5x128x32xf32, #tpu.memory_space<vmem>> -> memref<1x128x32xf32, #tpu.memory_space<vmem>>
      %dma_wait3A_652 = tpu.memref_squeeze %dma_wait3A_651 : memref<1x128x32xf32, #tpu.memory_space<vmem>> -> memref<128x32xf32, #tpu.memory_space<vmem>>
      %dma_wait3A_653 = arith.constant 0 : i32
      %dma_wait3A_654 = arith.constant 0 : i32
      %dma_wait3A_655 = tpu.memref_slice %arg7[%dma_wait3A_653, %dma_wait3A_654] : memref<400x32xf32, #tpu.memory_space<hbm>> -> memref<128x32xf32, #tpu.memory_space<hbm>>
      tpu.wait_dma2 semaphore(%arg17 : memref<!tpu.dma_semaphore, #tpu.memory_space<semaphore_mem>>) src(%dma_wait3A_655 : memref<128x32xf32, #tpu.memory_space<hbm>>) dst(%dma_wait3A_652 : memref<128x32xf32, #tpu.memory_space<vmem>>)
      %add3A_656 = arith.constant 100 : i32
      %add3A_657 = arith.addi %mul3A_2, %add3A_656 : i32
      %add3A_658 = arith.addi %add3A_657, %add3A_610 : i32
      %mul3A_659 = arith.constant 128 : i32
      %mul3A_660 = arith.muli %add3A_658, %mul3A_659 : i32
      %dma_start3A_661 = arith.constant 2 : i32
      %dma_start3A_662 = arith.constant 0 : i32
      %dma_start3A_663 = arith.constant 0 : i32
      %dma_start3A_664 = tpu.memref_slice %arg12[%dma_start3A_661, %dma_start3A_662, %dma_start3A_663] : memref<5x128x64xf32, #tpu.memory_space<vmem>> -> memref<1x128x64xf32, #tpu.memory_space<vmem>>
      %dma_start3A_665 = tpu.memref_squeeze %dma_start3A_664 : memref<1x128x64xf32, #tpu.memory_space<vmem>> -> memref<128x64xf32, #tpu.memory_space<vmem>>
      %dma_start3A_666 = arith.constant 0 : i32
      %dma_start3A_667 = tpu.memref_slice %arg8[%mul3A_660, %dma_start3A_666] : memref<819200x128xf32, #tpu.memory_space<hbm>> -> memref<128x64xf32, #tpu.memory_space<hbm>>
      %dma_start3A_668 = arith.constant 0 : i32
      %dma_start3A_669 = tpu.memref_slice %arg8[%mul3A_660, %dma_start3A_668] : memref<819200x128xf32, #tpu.memory_space<hbm>> -> memref<128x64xf32, #tpu.memory_space<hbm>>
      %dma_start3A_670 = arith.constant 0 : i32
      %dma_start3A_671 = arith.constant 0 : i32
      %dma_start3A_672 = tpu.memref_slice %arg12[%dma_start3A_661, %dma_start3A_670, %dma_start3A_671] : memref<5x128x64xf32, #tpu.memory_space<vmem>> -> memref<1x128x64xf32, #tpu.memory_space<vmem>>
      %dma_start3A_673 = tpu.memref_squeeze %dma_start3A_672 : memref<1x128x64xf32, #tpu.memory_space<vmem>> -> memref<128x64xf32, #tpu.memory_space<vmem>>
      tpu.enqueue_dma source(%dma_start3A_673 : memref<128x64xf32, #tpu.memory_space<vmem>>) target(%dma_start3A_669 : memref<128x64xf32, #tpu.memory_space<hbm>>) target_semaphore(%arg22 : memref<!tpu.dma_semaphore, #tpu.memory_space<semaphore_mem>>)
      %dma_start3A_674 = arith.constant 2 : i32
      %dma_start3A_675 = arith.constant 0 : i32
      %dma_start3A_676 = arith.constant 0 : i32
      %dma_start3A_677 = tpu.memref_slice %arg13[%dma_start3A_674, %dma_start3A_675, %dma_start3A_676] : memref<5x128x32xf32, #tpu.memory_space<vmem>> -> memref<1x128x32xf32, #tpu.memory_space<vmem>>
      %dma_start3A_678 = tpu.memref_squeeze %dma_start3A_677 : memref<1x128x32xf32, #tpu.memory_space<vmem>> -> memref<128x32xf32, #tpu.memory_space<vmem>>
      %dma_start3A_679 = arith.constant 64 : i32
      %dma_start3A_680 = tpu.memref_slice %arg8[%mul3A_660, %dma_start3A_679] : memref<819200x128xf32, #tpu.memory_space<hbm>> -> memref<128x32xf32, #tpu.memory_space<hbm>>
      %dma_start3A_681 = arith.constant 64 : i32
      %dma_start3A_682 = tpu.memref_slice %arg8[%mul3A_660, %dma_start3A_681] : memref<819200x128xf32, #tpu.memory_space<hbm>> -> memref<128x32xf32, #tpu.memory_space<hbm>>
      %dma_start3A_683 = arith.constant 0 : i32
      %dma_start3A_684 = arith.constant 0 : i32
      %dma_start3A_685 = tpu.memref_slice %arg13[%dma_start3A_674, %dma_start3A_683, %dma_start3A_684] : memref<5x128x32xf32, #tpu.memory_space<vmem>> -> memref<1x128x32xf32, #tpu.memory_space<vmem>>
      %dma_start3A_686 = tpu.memref_squeeze %dma_start3A_685 : memref<1x128x32xf32, #tpu.memory_space<vmem>> -> memref<128x32xf32, #tpu.memory_space<vmem>>
      tpu.enqueue_dma source(%dma_start3A_686 : memref<128x32xf32, #tpu.memory_space<vmem>>) target(%dma_start3A_682 : memref<128x32xf32, #tpu.memory_space<hbm>>) target_semaphore(%arg22 : memref<!tpu.dma_semaphore, #tpu.memory_space<semaphore_mem>>)
      %dma_start3A_687 = arith.constant 2 : i32
      %dma_start3A_688 = arith.constant 0 : i32
      %dma_start3A_689 = arith.constant 0 : i32
      %dma_start3A_690 = tpu.memref_slice %arg14[%dma_start3A_687, %dma_start3A_688, %dma_start3A_689] : memref<5x128x32xf32, #tpu.memory_space<vmem>> -> memref<1x128x32xf32, #tpu.memory_space<vmem>>
      %dma_start3A_691 = tpu.memref_squeeze %dma_start3A_690 : memref<1x128x32xf32, #tpu.memory_space<vmem>> -> memref<128x32xf32, #tpu.memory_space<vmem>>
      %dma_start3A_692 = arith.constant 96 : i32
      %dma_start3A_693 = tpu.memref_slice %arg8[%mul3A_660, %dma_start3A_692] : memref<819200x128xf32, #tpu.memory_space<hbm>> -> memref<128x32xf32, #tpu.memory_space<hbm>>
      %dma_start3A_694 = arith.constant 96 : i32
      %dma_start3A_695 = tpu.memref_slice %arg8[%mul3A_660, %dma_start3A_694] : memref<819200x128xf32, #tpu.memory_space<hbm>> -> memref<128x32xf32, #tpu.memory_space<hbm>>
      %dma_start3A_696 = arith.constant 0 : i32
      %dma_start3A_697 = arith.constant 0 : i32
      %dma_start3A_698 = tpu.memref_slice %arg14[%dma_start3A_687, %dma_start3A_696, %dma_start3A_697] : memref<5x128x32xf32, #tpu.memory_space<vmem>> -> memref<1x128x32xf32, #tpu.memory_space<vmem>>
      %dma_start3A_699 = tpu.memref_squeeze %dma_start3A_698 : memref<1x128x32xf32, #tpu.memory_space<vmem>> -> memref<128x32xf32, #tpu.memory_space<vmem>>
      tpu.enqueue_dma source(%dma_start3A_699 : memref<128x32xf32, #tpu.memory_space<vmem>>) target(%dma_start3A_695 : memref<128x32xf32, #tpu.memory_space<hbm>>) target_semaphore(%arg22 : memref<!tpu.dma_semaphore, #tpu.memory_space<semaphore_mem>>)
      %ge3A_700 = arith.constant 2 : i32
      %ge3A_701 = arith.cmpi sge, %add3A_610, %ge3A_700 : i32
      %convert_element_type3A_702 = arith.extui %ge3A_701 : i1 to i32
      %cond3A_703 = arith.constant 0 : i32
      %cond3A_704 = arith.cmpi ne, %convert_element_type3A_702, %cond3A_703 : i32
      scf.if %cond3A_704 {
        %mul3A_918 = arith.constant 128 : i32
        %mul3A_919 = arith.muli %mul3A_2, %mul3A_918 : i32
        %dma_wait3A_920 = arith.constant 0 : i32
        %dma_wait3A_921 = arith.constant 0 : i32
        %dma_wait3A_922 = arith.constant 0 : i32
        %dma_wait3A_923 = tpu.memref_slice %arg12[%dma_wait3A_920, %dma_wait3A_921, %dma_wait3A_922] : memref<5x128x64xf32, #tpu.memory_space<vmem>> -> memref<1x128x64xf32, #tpu.memory_space<vmem>>
        %dma_wait3A_924 = tpu.memref_squeeze %dma_wait3A_923 : memref<1x128x64xf32, #tpu.memory_space<vmem>> -> memref<128x64xf32, #tpu.memory_space<vmem>>
        %dma_wait3A_925 = arith.constant 0 : i32
        %dma_wait3A_926 = tpu.memref_slice %arg8[%mul3A_919, %dma_wait3A_925] : memref<819200x128xf32, #tpu.memory_space<hbm>> -> memref<128x64xf32, #tpu.memory_space<hbm>>
        %dma_wait3A_927 = arith.constant 0 : i32
        %dma_wait3A_928 = tpu.memref_slice %arg8[%mul3A_919, %dma_wait3A_927] : memref<819200x128xf32, #tpu.memory_space<hbm>> -> memref<128x64xf32, #tpu.memory_space<hbm>>
        %dma_wait3A_929 = arith.constant 0 : i32
        %dma_wait3A_930 = arith.constant 0 : i32
        %dma_wait3A_931 = tpu.memref_slice %arg12[%dma_wait3A_920, %dma_wait3A_929, %dma_wait3A_930] : memref<5x128x64xf32, #tpu.memory_space<vmem>> -> memref<1x128x64xf32, #tpu.memory_space<vmem>>
        %dma_wait3A_932 = tpu.memref_squeeze %dma_wait3A_931 : memref<1x128x64xf32, #tpu.memory_space<vmem>> -> memref<128x64xf32, #tpu.memory_space<vmem>>
        tpu.wait_dma2 semaphore(%arg20 : memref<!tpu.dma_semaphore, #tpu.memory_space<semaphore_mem>>) src(%dma_wait3A_932 : memref<128x64xf32, #tpu.memory_space<vmem>>) dst(%dma_wait3A_928 : memref<128x64xf32, #tpu.memory_space<hbm>>)
        %dma_wait3A_933 = arith.constant 0 : i32
        %dma_wait3A_934 = arith.constant 0 : i32
        %dma_wait3A_935 = arith.constant 0 : i32
        %dma_wait3A_936 = tpu.memref_slice %arg13[%dma_wait3A_933, %dma_wait3A_934, %dma_wait3A_935] : memref<5x128x32xf32, #tpu.memory_space<vmem>> -> memref<1x128x32xf32, #tpu.memory_space<vmem>>
        %dma_wait3A_937 = tpu.memref_squeeze %dma_wait3A_936 : memref<1x128x32xf32, #tpu.memory_space<vmem>> -> memref<128x32xf32, #tpu.memory_space<vmem>>
        %dma_wait3A_938 = arith.constant 64 : i32
        %dma_wait3A_939 = tpu.memref_slice %arg8[%mul3A_919, %dma_wait3A_938] : memref<819200x128xf32, #tpu.memory_space<hbm>> -> memref<128x32xf32, #tpu.memory_space<hbm>>
        %dma_wait3A_940 = arith.constant 64 : i32
        %dma_wait3A_941 = tpu.memref_slice %arg8[%mul3A_919, %dma_wait3A_940] : memref<819200x128xf32, #tpu.memory_space<hbm>> -> memref<128x32xf32, #tpu.memory_space<hbm>>
        %dma_wait3A_942 = arith.constant 0 : i32
        %dma_wait3A_943 = arith.constant 0 : i32
        %dma_wait3A_944 = tpu.memref_slice %arg13[%dma_wait3A_933, %dma_wait3A_942, %dma_wait3A_943] : memref<5x128x32xf32, #tpu.memory_space<vmem>> -> memref<1x128x32xf32, #tpu.memory_space<vmem>>
        %dma_wait3A_945 = tpu.memref_squeeze %dma_wait3A_944 : memref<1x128x32xf32, #tpu.memory_space<vmem>> -> memref<128x32xf32, #tpu.memory_space<vmem>>
        tpu.wait_dma2 semaphore(%arg20 : memref<!tpu.dma_semaphore, #tpu.memory_space<semaphore_mem>>) src(%dma_wait3A_945 : memref<128x32xf32, #tpu.memory_space<vmem>>) dst(%dma_wait3A_941 : memref<128x32xf32, #tpu.memory_space<hbm>>)
        %dma_wait3A_946 = arith.constant 0 : i32
        %dma_wait3A_947 = arith.constant 0 : i32
        %dma_wait3A_948 = arith.constant 0 : i32
        %dma_wait3A_949 = tpu.memref_slice %arg14[%dma_wait3A_946, %dma_wait3A_947, %dma_wait3A_948] : memref<5x128x32xf32, #tpu.memory_space<vmem>> -> memref<1x128x32xf32, #tpu.memory_space<vmem>>
        %dma_wait3A_950 = tpu.memref_squeeze %dma_wait3A_949 : memref<1x128x32xf32, #tpu.memory_space<vmem>> -> memref<128x32xf32, #tpu.memory_space<vmem>>
        %dma_wait3A_951 = arith.constant 96 : i32
        %dma_wait3A_952 = tpu.memref_slice %arg8[%mul3A_919, %dma_wait3A_951] : memref<819200x128xf32, #tpu.memory_space<hbm>> -> memref<128x32xf32, #tpu.memory_space<hbm>>
        %dma_wait3A_953 = arith.constant 96 : i32
        %dma_wait3A_954 = tpu.memref_slice %arg8[%mul3A_919, %dma_wait3A_953] : memref<819200x128xf32, #tpu.memory_space<hbm>> -> memref<128x32xf32, #tpu.memory_space<hbm>>
        %dma_wait3A_955 = arith.constant 0 : i32
        %dma_wait3A_956 = arith.constant 0 : i32
        %dma_wait3A_957 = tpu.memref_slice %arg14[%dma_wait3A_946, %dma_wait3A_955, %dma_wait3A_956] : memref<5x128x32xf32, #tpu.memory_space<vmem>> -> memref<1x128x32xf32, #tpu.memory_space<vmem>>
        %dma_wait3A_958 = tpu.memref_squeeze %dma_wait3A_957 : memref<1x128x32xf32, #tpu.memory_space<vmem>> -> memref<128x32xf32, #tpu.memory_space<vmem>>
        tpu.wait_dma2 semaphore(%arg20 : memref<!tpu.dma_semaphore, #tpu.memory_space<semaphore_mem>>) src(%dma_wait3A_958 : memref<128x32xf32, #tpu.memory_space<vmem>>) dst(%dma_wait3A_954 : memref<128x32xf32, #tpu.memory_space<hbm>>)
      } else {
      }
      %add3A_705 = arith.constant 3 : i32
      %add3A_706 = arith.addi %add3A_610, %add3A_705 : i32
      %lt3A_707 = arith.constant 100 : i32
      %lt3A_708 = arith.cmpi slt, %add3A_706, %lt3A_707 : i32
      %convert_element_type3A_709 = arith.extui %lt3A_708 : i1 to i32
      %cond3A_710 = arith.constant 0 : i32
      %cond3A_711 = arith.cmpi ne, %convert_element_type3A_709, %cond3A_710 : i32
      scf.if %cond3A_711 {
        %add3A_918 = arith.constant 3 : i32
        %add3A_919 = arith.addi %add3A_610, %add3A_918 : i32
        %dma_start3A_920 = arith.constant 0 : i32
        %dma_start3A_921 = arith.constant 0 : i32
        %dma_start3A_922 = arith.constant 0 : i32
        %dma_start3A_923 = tpu.memref_slice %arg12[%dma_start3A_920, %dma_start3A_921, %dma_start3A_922] : memref<5x128x64xf32, #tpu.memory_space<vmem>> -> memref<1x128x64xf32, #tpu.memory_space<vmem>>
        %dma_start3A_924 = tpu.memref_squeeze %dma_start3A_923 : memref<1x128x64xf32, #tpu.memory_space<vmem>> -> memref<128x64xf32, #tpu.memory_space<vmem>>
        %dma_start3A_925 = arith.constant 0 : i32
        %dma_start3A_926 = tpu.memref_slice %arg9[%add3A_919, %dma_start3A_925] : memref<100x128xi32, #tpu.memory_space<vmem>> -> memref<1x128xi32, #tpu.memory_space<vmem>>
        %dma_start3A_927 = tpu.memref_squeeze %dma_start3A_926 : memref<1x128xi32, #tpu.memory_space<vmem>> -> memref<128xi32, #tpu.memory_space<vmem>>
        %dma_start3A_928 = arith.constant 0 : i32
        %dma_start3A_929 = arith.constant 0 : i32
        %dma_start3A_930 = tpu.memref_slice %arg5[%dma_start3A_928, %dma_start3A_929] : memref<1000000x64xf32, #tpu.memory_space<hbm>> -> memref<1000000x64xf32, #tpu.memory_space<hbm>>
        tpu.enqueue_indirect_dma source(%dma_start3A_930 : memref<1000000x64xf32, #tpu.memory_space<hbm>>) target(%dma_start3A_924 : memref<128x64xf32, #tpu.memory_space<vmem>>) offsets(%dma_start3A_927 : memref<128xi32, #tpu.memory_space<vmem>>) semaphore(%arg15 : memref<!tpu.dma_semaphore, #tpu.memory_space<semaphore_mem>>)
        %dma_start3A_931 = arith.constant 0 : i32
        %dma_start3A_932 = arith.constant 0 : i32
        %dma_start3A_933 = arith.constant 0 : i32
        %dma_start3A_934 = tpu.memref_slice %arg13[%dma_start3A_931, %dma_start3A_932, %dma_start3A_933] : memref<5x128x32xf32, #tpu.memory_space<vmem>> -> memref<1x128x32xf32, #tpu.memory_space<vmem>>
        %dma_start3A_935 = tpu.memref_squeeze %dma_start3A_934 : memref<1x128x32xf32, #tpu.memory_space<vmem>> -> memref<128x32xf32, #tpu.memory_space<vmem>>
        %dma_start3A_936 = arith.constant 0 : i32
        %dma_start3A_937 = tpu.memref_slice %arg10[%add3A_919, %dma_start3A_936] : memref<100x128xi32, #tpu.memory_space<vmem>> -> memref<1x128xi32, #tpu.memory_space<vmem>>
        %dma_start3A_938 = tpu.memref_squeeze %dma_start3A_937 : memref<1x128xi32, #tpu.memory_space<vmem>> -> memref<128xi32, #tpu.memory_space<vmem>>
        %dma_start3A_939 = arith.constant 0 : i32
        %dma_start3A_940 = arith.constant 0 : i32
        %dma_start3A_941 = tpu.memref_slice %arg6[%dma_start3A_939, %dma_start3A_940] : memref<400x32xf32, #tpu.memory_space<hbm>> -> memref<400x32xf32, #tpu.memory_space<hbm>>
        tpu.enqueue_indirect_dma source(%dma_start3A_941 : memref<400x32xf32, #tpu.memory_space<hbm>>) target(%dma_start3A_935 : memref<128x32xf32, #tpu.memory_space<vmem>>) offsets(%dma_start3A_938 : memref<128xi32, #tpu.memory_space<vmem>>) semaphore(%arg15 : memref<!tpu.dma_semaphore, #tpu.memory_space<semaphore_mem>>)
        %dma_start3A_942 = arith.constant 0 : i32
        %dma_start3A_943 = arith.constant 0 : i32
        %dma_start3A_944 = arith.constant 0 : i32
        %dma_start3A_945 = tpu.memref_slice %arg14[%dma_start3A_942, %dma_start3A_943, %dma_start3A_944] : memref<5x128x32xf32, #tpu.memory_space<vmem>> -> memref<1x128x32xf32, #tpu.memory_space<vmem>>
        %dma_start3A_946 = tpu.memref_squeeze %dma_start3A_945 : memref<1x128x32xf32, #tpu.memory_space<vmem>> -> memref<128x32xf32, #tpu.memory_space<vmem>>
        %dma_start3A_947 = arith.constant 0 : i32
        %dma_start3A_948 = tpu.memref_slice %arg11[%add3A_919, %dma_start3A_947] : memref<100x128xi32, #tpu.memory_space<vmem>> -> memref<1x128xi32, #tpu.memory_space<vmem>>
        %dma_start3A_949 = tpu.memref_squeeze %dma_start3A_948 : memref<1x128xi32, #tpu.memory_space<vmem>> -> memref<128xi32, #tpu.memory_space<vmem>>
        %dma_start3A_950 = arith.constant 0 : i32
        %dma_start3A_951 = arith.constant 0 : i32
        %dma_start3A_952 = tpu.memref_slice %arg7[%dma_start3A_950, %dma_start3A_951] : memref<400x32xf32, #tpu.memory_space<hbm>> -> memref<400x32xf32, #tpu.memory_space<hbm>>
        tpu.enqueue_indirect_dma source(%dma_start3A_952 : memref<400x32xf32, #tpu.memory_space<hbm>>) target(%dma_start3A_946 : memref<128x32xf32, #tpu.memory_space<vmem>>) offsets(%dma_start3A_949 : memref<128xi32, #tpu.memory_space<vmem>>) semaphore(%arg15 : memref<!tpu.dma_semaphore, #tpu.memory_space<semaphore_mem>>)
      } else {
      }
      %add3A_712 = arith.constant 3 : i32
      %add3A_713 = arith.addi %mul3A_406, %add3A_712 : i32
      %dma_wait3A_714 = arith.constant 3 : i32
      %dma_wait3A_715 = arith.constant 0 : i32
      %dma_wait3A_716 = arith.constant 0 : i32
      %dma_wait3A_717 = tpu.memref_slice %arg12[%dma_wait3A_714, %dma_wait3A_715, %dma_wait3A_716] : memref<5x128x64xf32, #tpu.memory_space<vmem>> -> memref<1x128x64xf32, #tpu.memory_space<vmem>>
      %dma_wait3A_718 = tpu.memref_squeeze %dma_wait3A_717 : memref<1x128x64xf32, #tpu.memory_space<vmem>> -> memref<128x64xf32, #tpu.memory_space<vmem>>
      %dma_wait3A_719 = arith.constant 0 : i32
      %dma_wait3A_720 = arith.constant 0 : i32
      %dma_wait3A_721 = tpu.memref_slice %arg5[%dma_wait3A_719, %dma_wait3A_720] : memref<1000000x64xf32, #tpu.memory_space<hbm>> -> memref<128x64xf32, #tpu.memory_space<hbm>>
      %dma_wait3A_722 = arith.constant 0 : i32
      %dma_wait3A_723 = arith.constant 0 : i32
      %dma_wait3A_724 = tpu.memref_slice %arg12[%dma_wait3A_714, %dma_wait3A_722, %dma_wait3A_723] : memref<5x128x64xf32, #tpu.memory_space<vmem>> -> memref<1x128x64xf32, #tpu.memory_space<vmem>>
      %dma_wait3A_725 = tpu.memref_squeeze %dma_wait3A_724 : memref<1x128x64xf32, #tpu.memory_space<vmem>> -> memref<128x64xf32, #tpu.memory_space<vmem>>
      %dma_wait3A_726 = arith.constant 0 : i32
      %dma_wait3A_727 = arith.constant 0 : i32
      %dma_wait3A_728 = tpu.memref_slice %arg5[%dma_wait3A_726, %dma_wait3A_727] : memref<1000000x64xf32, #tpu.memory_space<hbm>> -> memref<128x64xf32, #tpu.memory_space<hbm>>
      tpu.wait_dma2 semaphore(%arg18 : memref<!tpu.dma_semaphore, #tpu.memory_space<semaphore_mem>>) src(%dma_wait3A_728 : memref<128x64xf32, #tpu.memory_space<hbm>>) dst(%dma_wait3A_725 : memref<128x64xf32, #tpu.memory_space<vmem>>)
      %dma_wait3A_729 = arith.constant 3 : i32
      %dma_wait3A_730 = arith.constant 0 : i32
      %dma_wait3A_731 = arith.constant 0 : i32
      %dma_wait3A_732 = tpu.memref_slice %arg13[%dma_wait3A_729, %dma_wait3A_730, %dma_wait3A_731] : memref<5x128x32xf32, #tpu.memory_space<vmem>> -> memref<1x128x32xf32, #tpu.memory_space<vmem>>
      %dma_wait3A_733 = tpu.memref_squeeze %dma_wait3A_732 : memref<1x128x32xf32, #tpu.memory_space<vmem>> -> memref<128x32xf32, #tpu.memory_space<vmem>>
      %dma_wait3A_734 = arith.constant 0 : i32
      %dma_wait3A_735 = arith.constant 0 : i32
      %dma_wait3A_736 = tpu.memref_slice %arg6[%dma_wait3A_734, %dma_wait3A_735] : memref<400x32xf32, #tpu.memory_space<hbm>> -> memref<128x32xf32, #tpu.memory_space<hbm>>
      %dma_wait3A_737 = arith.constant 0 : i32
      %dma_wait3A_738 = arith.constant 0 : i32
      %dma_wait3A_739 = tpu.memref_slice %arg13[%dma_wait3A_729, %dma_wait3A_737, %dma_wait3A_738] : memref<5x128x32xf32, #tpu.memory_space<vmem>> -> memref<1x128x32xf32, #tpu.memory_space<vmem>>
      %dma_wait3A_740 = tpu.memref_squeeze %dma_wait3A_739 : memref<1x128x32xf32, #tpu.memory_space<vmem>> -> memref<128x32xf32, #tpu.memory_space<vmem>>
      %dma_wait3A_741 = arith.constant 0 : i32
      %dma_wait3A_742 = arith.constant 0 : i32
      %dma_wait3A_743 = tpu.memref_slice %arg6[%dma_wait3A_741, %dma_wait3A_742] : memref<400x32xf32, #tpu.memory_space<hbm>> -> memref<128x32xf32, #tpu.memory_space<hbm>>
      tpu.wait_dma2 semaphore(%arg18 : memref<!tpu.dma_semaphore, #tpu.memory_space<semaphore_mem>>) src(%dma_wait3A_743 : memref<128x32xf32, #tpu.memory_space<hbm>>) dst(%dma_wait3A_740 : memref<128x32xf32, #tpu.memory_space<vmem>>)
      %dma_wait3A_744 = arith.constant 3 : i32
      %dma_wait3A_745 = arith.constant 0 : i32
      %dma_wait3A_746 = arith.constant 0 : i32
      %dma_wait3A_747 = tpu.memref_slice %arg14[%dma_wait3A_744, %dma_wait3A_745, %dma_wait3A_746] : memref<5x128x32xf32, #tpu.memory_space<vmem>> -> memref<1x128x32xf32, #tpu.memory_space<vmem>>
      %dma_wait3A_748 = tpu.memref_squeeze %dma_wait3A_747 : memref<1x128x32xf32, #tpu.memory_space<vmem>> -> memref<128x32xf32, #tpu.memory_space<vmem>>
      %dma_wait3A_749 = arith.constant 0 : i32
      %dma_wait3A_750 = arith.constant 0 : i32
      %dma_wait3A_751 = tpu.memref_slice %arg7[%dma_wait3A_749, %dma_wait3A_750] : memref<400x32xf32, #tpu.memory_space<hbm>> -> memref<128x32xf32, #tpu.memory_space<hbm>>
      %dma_wait3A_752 = arith.constant 0 : i32
      %dma_wait3A_753 = arith.constant 0 : i32
      %dma_wait3A_754 = tpu.memref_slice %arg14[%dma_wait3A_744, %dma_wait3A_752, %dma_wait3A_753] : memref<5x128x32xf32, #tpu.memory_space<vmem>> -> memref<1x128x32xf32, #tpu.memory_space<vmem>>
      %dma_wait3A_755 = tpu.memref_squeeze %dma_wait3A_754 : memref<1x128x32xf32, #tpu.memory_space<vmem>> -> memref<128x32xf32, #tpu.memory_space<vmem>>
      %dma_wait3A_756 = arith.constant 0 : i32
      %dma_wait3A_757 = arith.constant 0 : i32
      %dma_wait3A_758 = tpu.memref_slice %arg7[%dma_wait3A_756, %dma_wait3A_757] : memref<400x32xf32, #tpu.memory_space<hbm>> -> memref<128x32xf32, #tpu.memory_space<hbm>>
      tpu.wait_dma2 semaphore(%arg18 : memref<!tpu.dma_semaphore, #tpu.memory_space<semaphore_mem>>) src(%dma_wait3A_758 : memref<128x32xf32, #tpu.memory_space<hbm>>) dst(%dma_wait3A_755 : memref<128x32xf32, #tpu.memory_space<vmem>>)
      %add3A_759 = arith.constant 100 : i32
      %add3A_760 = arith.addi %mul3A_2, %add3A_759 : i32
      %add3A_761 = arith.addi %add3A_760, %add3A_713 : i32
      %mul3A_762 = arith.constant 128 : i32
      %mul3A_763 = arith.muli %add3A_761, %mul3A_762 : i32
      %dma_start3A_764 = arith.constant 3 : i32
      %dma_start3A_765 = arith.constant 0 : i32
      %dma_start3A_766 = arith.constant 0 : i32
      %dma_start3A_767 = tpu.memref_slice %arg12[%dma_start3A_764, %dma_start3A_765, %dma_start3A_766] : memref<5x128x64xf32, #tpu.memory_space<vmem>> -> memref<1x128x64xf32, #tpu.memory_space<vmem>>
      %dma_start3A_768 = tpu.memref_squeeze %dma_start3A_767 : memref<1x128x64xf32, #tpu.memory_space<vmem>> -> memref<128x64xf32, #tpu.memory_space<vmem>>
      %dma_start3A_769 = arith.constant 0 : i32
      %dma_start3A_770 = tpu.memref_slice %arg8[%mul3A_763, %dma_start3A_769] : memref<819200x128xf32, #tpu.memory_space<hbm>> -> memref<128x64xf32, #tpu.memory_space<hbm>>
      %dma_start3A_771 = arith.constant 0 : i32
      %dma_start3A_772 = tpu.memref_slice %arg8[%mul3A_763, %dma_start3A_771] : memref<819200x128xf32, #tpu.memory_space<hbm>> -> memref<128x64xf32, #tpu.memory_space<hbm>>
      %dma_start3A_773 = arith.constant 0 : i32
      %dma_start3A_774 = arith.constant 0 : i32
      %dma_start3A_775 = tpu.memref_slice %arg12[%dma_start3A_764, %dma_start3A_773, %dma_start3A_774] : memref<5x128x64xf32, #tpu.memory_space<vmem>> -> memref<1x128x64xf32, #tpu.memory_space<vmem>>
      %dma_start3A_776 = tpu.memref_squeeze %dma_start3A_775 : memref<1x128x64xf32, #tpu.memory_space<vmem>> -> memref<128x64xf32, #tpu.memory_space<vmem>>
      tpu.enqueue_dma source(%dma_start3A_776 : memref<128x64xf32, #tpu.memory_space<vmem>>) target(%dma_start3A_772 : memref<128x64xf32, #tpu.memory_space<hbm>>) target_semaphore(%arg23 : memref<!tpu.dma_semaphore, #tpu.memory_space<semaphore_mem>>)
      %dma_start3A_777 = arith.constant 3 : i32
      %dma_start3A_778 = arith.constant 0 : i32
      %dma_start3A_779 = arith.constant 0 : i32
      %dma_start3A_780 = tpu.memref_slice %arg13[%dma_start3A_777, %dma_start3A_778, %dma_start3A_779] : memref<5x128x32xf32, #tpu.memory_space<vmem>> -> memref<1x128x32xf32, #tpu.memory_space<vmem>>
      %dma_start3A_781 = tpu.memref_squeeze %dma_start3A_780 : memref<1x128x32xf32, #tpu.memory_space<vmem>> -> memref<128x32xf32, #tpu.memory_space<vmem>>
      %dma_start3A_782 = arith.constant 64 : i32
      %dma_start3A_783 = tpu.memref_slice %arg8[%mul3A_763, %dma_start3A_782] : memref<819200x128xf32, #tpu.memory_space<hbm>> -> memref<128x32xf32, #tpu.memory_space<hbm>>
      %dma_start3A_784 = arith.constant 64 : i32
      %dma_start3A_785 = tpu.memref_slice %arg8[%mul3A_763, %dma_start3A_784] : memref<819200x128xf32, #tpu.memory_space<hbm>> -> memref<128x32xf32, #tpu.memory_space<hbm>>
      %dma_start3A_786 = arith.constant 0 : i32
      %dma_start3A_787 = arith.constant 0 : i32
      %dma_start3A_788 = tpu.memref_slice %arg13[%dma_start3A_777, %dma_start3A_786, %dma_start3A_787] : memref<5x128x32xf32, #tpu.memory_space<vmem>> -> memref<1x128x32xf32, #tpu.memory_space<vmem>>
      %dma_start3A_789 = tpu.memref_squeeze %dma_start3A_788 : memref<1x128x32xf32, #tpu.memory_space<vmem>> -> memref<128x32xf32, #tpu.memory_space<vmem>>
      tpu.enqueue_dma source(%dma_start3A_789 : memref<128x32xf32, #tpu.memory_space<vmem>>) target(%dma_start3A_785 : memref<128x32xf32, #tpu.memory_space<hbm>>) target_semaphore(%arg23 : memref<!tpu.dma_semaphore, #tpu.memory_space<semaphore_mem>>)
      %dma_start3A_790 = arith.constant 3 : i32
      %dma_start3A_791 = arith.constant 0 : i32
      %dma_start3A_792 = arith.constant 0 : i32
      %dma_start3A_793 = tpu.memref_slice %arg14[%dma_start3A_790, %dma_start3A_791, %dma_start3A_792] : memref<5x128x32xf32, #tpu.memory_space<vmem>> -> memref<1x128x32xf32, #tpu.memory_space<vmem>>
      %dma_start3A_794 = tpu.memref_squeeze %dma_start3A_793 : memref<1x128x32xf32, #tpu.memory_space<vmem>> -> memref<128x32xf32, #tpu.memory_space<vmem>>
      %dma_start3A_795 = arith.constant 96 : i32
      %dma_start3A_796 = tpu.memref_slice %arg8[%mul3A_763, %dma_start3A_795] : memref<819200x128xf32, #tpu.memory_space<hbm>> -> memref<128x32xf32, #tpu.memory_space<hbm>>
      %dma_start3A_797 = arith.constant 96 : i32
      %dma_start3A_798 = tpu.memref_slice %arg8[%mul3A_763, %dma_start3A_797] : memref<819200x128xf32, #tpu.memory_space<hbm>> -> memref<128x32xf32, #tpu.memory_space<hbm>>
      %dma_start3A_799 = arith.constant 0 : i32
      %dma_start3A_800 = arith.constant 0 : i32
      %dma_start3A_801 = tpu.memref_slice %arg14[%dma_start3A_790, %dma_start3A_799, %dma_start3A_800] : memref<5x128x32xf32, #tpu.memory_space<vmem>> -> memref<1x128x32xf32, #tpu.memory_space<vmem>>
      %dma_start3A_802 = tpu.memref_squeeze %dma_start3A_801 : memref<1x128x32xf32, #tpu.memory_space<vmem>> -> memref<128x32xf32, #tpu.memory_space<vmem>>
      tpu.enqueue_dma source(%dma_start3A_802 : memref<128x32xf32, #tpu.memory_space<vmem>>) target(%dma_start3A_798 : memref<128x32xf32, #tpu.memory_space<hbm>>) target_semaphore(%arg23 : memref<!tpu.dma_semaphore, #tpu.memory_space<semaphore_mem>>)
      %ge3A_803 = arith.constant 2 : i32
      %ge3A_804 = arith.cmpi sge, %add3A_713, %ge3A_803 : i32
      %convert_element_type3A_805 = arith.extui %ge3A_804 : i1 to i32
      %cond3A_806 = arith.constant 0 : i32
      %cond3A_807 = arith.cmpi ne, %convert_element_type3A_805, %cond3A_806 : i32
      scf.if %cond3A_807 {
        %mul3A_918 = arith.constant 128 : i32
        %mul3A_919 = arith.muli %mul3A_2, %mul3A_918 : i32
        %dma_wait3A_920 = arith.constant 1 : i32
        %dma_wait3A_921 = arith.constant 0 : i32
        %dma_wait3A_922 = arith.constant 0 : i32
        %dma_wait3A_923 = tpu.memref_slice %arg12[%dma_wait3A_920, %dma_wait3A_921, %dma_wait3A_922] : memref<5x128x64xf32, #tpu.memory_space<vmem>> -> memref<1x128x64xf32, #tpu.memory_space<vmem>>
        %dma_wait3A_924 = tpu.memref_squeeze %dma_wait3A_923 : memref<1x128x64xf32, #tpu.memory_space<vmem>> -> memref<128x64xf32, #tpu.memory_space<vmem>>
        %dma_wait3A_925 = arith.constant 0 : i32
        %dma_wait3A_926 = tpu.memref_slice %arg8[%mul3A_919, %dma_wait3A_925] : memref<819200x128xf32, #tpu.memory_space<hbm>> -> memref<128x64xf32, #tpu.memory_space<hbm>>
        %dma_wait3A_927 = arith.constant 0 : i32
        %dma_wait3A_928 = tpu.memref_slice %arg8[%mul3A_919, %dma_wait3A_927] : memref<819200x128xf32, #tpu.memory_space<hbm>> -> memref<128x64xf32, #tpu.memory_space<hbm>>
        %dma_wait3A_929 = arith.constant 0 : i32
        %dma_wait3A_930 = arith.constant 0 : i32
        %dma_wait3A_931 = tpu.memref_slice %arg12[%dma_wait3A_920, %dma_wait3A_929, %dma_wait3A_930] : memref<5x128x64xf32, #tpu.memory_space<vmem>> -> memref<1x128x64xf32, #tpu.memory_space<vmem>>
        %dma_wait3A_932 = tpu.memref_squeeze %dma_wait3A_931 : memref<1x128x64xf32, #tpu.memory_space<vmem>> -> memref<128x64xf32, #tpu.memory_space<vmem>>
        tpu.wait_dma2 semaphore(%arg21 : memref<!tpu.dma_semaphore, #tpu.memory_space<semaphore_mem>>) src(%dma_wait3A_932 : memref<128x64xf32, #tpu.memory_space<vmem>>) dst(%dma_wait3A_928 : memref<128x64xf32, #tpu.memory_space<hbm>>)
        %dma_wait3A_933 = arith.constant 1 : i32
        %dma_wait3A_934 = arith.constant 0 : i32
        %dma_wait3A_935 = arith.constant 0 : i32
        %dma_wait3A_936 = tpu.memref_slice %arg13[%dma_wait3A_933, %dma_wait3A_934, %dma_wait3A_935] : memref<5x128x32xf32, #tpu.memory_space<vmem>> -> memref<1x128x32xf32, #tpu.memory_space<vmem>>
        %dma_wait3A_937 = tpu.memref_squeeze %dma_wait3A_936 : memref<1x128x32xf32, #tpu.memory_space<vmem>> -> memref<128x32xf32, #tpu.memory_space<vmem>>
        %dma_wait3A_938 = arith.constant 64 : i32
        %dma_wait3A_939 = tpu.memref_slice %arg8[%mul3A_919, %dma_wait3A_938] : memref<819200x128xf32, #tpu.memory_space<hbm>> -> memref<128x32xf32, #tpu.memory_space<hbm>>
        %dma_wait3A_940 = arith.constant 64 : i32
        %dma_wait3A_941 = tpu.memref_slice %arg8[%mul3A_919, %dma_wait3A_940] : memref<819200x128xf32, #tpu.memory_space<hbm>> -> memref<128x32xf32, #tpu.memory_space<hbm>>
        %dma_wait3A_942 = arith.constant 0 : i32
        %dma_wait3A_943 = arith.constant 0 : i32
        %dma_wait3A_944 = tpu.memref_slice %arg13[%dma_wait3A_933, %dma_wait3A_942, %dma_wait3A_943] : memref<5x128x32xf32, #tpu.memory_space<vmem>> -> memref<1x128x32xf32, #tpu.memory_space<vmem>>
        %dma_wait3A_945 = tpu.memref_squeeze %dma_wait3A_944 : memref<1x128x32xf32, #tpu.memory_space<vmem>> -> memref<128x32xf32, #tpu.memory_space<vmem>>
        tpu.wait_dma2 semaphore(%arg21 : memref<!tpu.dma_semaphore, #tpu.memory_space<semaphore_mem>>) src(%dma_wait3A_945 : memref<128x32xf32, #tpu.memory_space<vmem>>) dst(%dma_wait3A_941 : memref<128x32xf32, #tpu.memory_space<hbm>>)
        %dma_wait3A_946 = arith.constant 1 : i32
        %dma_wait3A_947 = arith.constant 0 : i32
        %dma_wait3A_948 = arith.constant 0 : i32
        %dma_wait3A_949 = tpu.memref_slice %arg14[%dma_wait3A_946, %dma_wait3A_947, %dma_wait3A_948] : memref<5x128x32xf32, #tpu.memory_space<vmem>> -> memref<1x128x32xf32, #tpu.memory_space<vmem>>
        %dma_wait3A_950 = tpu.memref_squeeze %dma_wait3A_949 : memref<1x128x32xf32, #tpu.memory_space<vmem>> -> memref<128x32xf32, #tpu.memory_space<vmem>>
        %dma_wait3A_951 = arith.constant 96 : i32
        %dma_wait3A_952 = tpu.memref_slice %arg8[%mul3A_919, %dma_wait3A_951] : memref<819200x128xf32, #tpu.memory_space<hbm>> -> memref<128x32xf32, #tpu.memory_space<hbm>>
        %dma_wait3A_953 = arith.constant 96 : i32
        %dma_wait3A_954 = tpu.memref_slice %arg8[%mul3A_919, %dma_wait3A_953] : memref<819200x128xf32, #tpu.memory_space<hbm>> -> memref<128x32xf32, #tpu.memory_space<hbm>>
        %dma_wait3A_955 = arith.constant 0 : i32
        %dma_wait3A_956 = arith.constant 0 : i32
        %dma_wait3A_957 = tpu.memref_slice %arg14[%dma_wait3A_946, %dma_wait3A_955, %dma_wait3A_956] : memref<5x128x32xf32, #tpu.memory_space<vmem>> -> memref<1x128x32xf32, #tpu.memory_space<vmem>>
        %dma_wait3A_958 = tpu.memref_squeeze %dma_wait3A_957 : memref<1x128x32xf32, #tpu.memory_space<vmem>> -> memref<128x32xf32, #tpu.memory_space<vmem>>
        tpu.wait_dma2 semaphore(%arg21 : memref<!tpu.dma_semaphore, #tpu.memory_space<semaphore_mem>>) src(%dma_wait3A_958 : memref<128x32xf32, #tpu.memory_space<vmem>>) dst(%dma_wait3A_954 : memref<128x32xf32, #tpu.memory_space<hbm>>)
      } else {
      }
      %add3A_808 = arith.constant 3 : i32
      %add3A_809 = arith.addi %add3A_713, %add3A_808 : i32
      %lt3A_810 = arith.constant 100 : i32
      %lt3A_811 = arith.cmpi slt, %add3A_809, %lt3A_810 : i32
      %convert_element_type3A_812 = arith.extui %lt3A_811 : i1 to i32
      %cond3A_813 = arith.constant 0 : i32
      %cond3A_814 = arith.cmpi ne, %convert_element_type3A_812, %cond3A_813 : i32
      scf.if %cond3A_814 {
        %add3A_918 = arith.constant 3 : i32
        %add3A_919 = arith.addi %add3A_713, %add3A_918 : i32
        %dma_start3A_920 = arith.constant 1 : i32
        %dma_start3A_921 = arith.constant 0 : i32
        %dma_start3A_922 = arith.constant 0 : i32
        %dma_start3A_923 = tpu.memref_slice %arg12[%dma_start3A_920, %dma_start3A_921, %dma_start3A_922] : memref<5x128x64xf32, #tpu.memory_space<vmem>> -> memref<1x128x64xf32, #tpu.memory_space<vmem>>
        %dma_start3A_924 = tpu.memref_squeeze %dma_start3A_923 : memref<1x128x64xf32, #tpu.memory_space<vmem>> -> memref<128x64xf32, #tpu.memory_space<vmem>>
        %dma_start3A_925 = arith.constant 0 : i32
        %dma_start3A_926 = tpu.memref_slice %arg9[%add3A_919, %dma_start3A_925] : memref<100x128xi32, #tpu.memory_space<vmem>> -> memref<1x128xi32, #tpu.memory_space<vmem>>
        %dma_start3A_927 = tpu.memref_squeeze %dma_start3A_926 : memref<1x128xi32, #tpu.memory_space<vmem>> -> memref<128xi32, #tpu.memory_space<vmem>>
        %dma_start3A_928 = arith.constant 0 : i32
        %dma_start3A_929 = arith.constant 0 : i32
        %dma_start3A_930 = tpu.memref_slice %arg5[%dma_start3A_928, %dma_start3A_929] : memref<1000000x64xf32, #tpu.memory_space<hbm>> -> memref<1000000x64xf32, #tpu.memory_space<hbm>>
        tpu.enqueue_indirect_dma source(%dma_start3A_930 : memref<1000000x64xf32, #tpu.memory_space<hbm>>) target(%dma_start3A_924 : memref<128x64xf32, #tpu.memory_space<vmem>>) offsets(%dma_start3A_927 : memref<128xi32, #tpu.memory_space<vmem>>) semaphore(%arg16 : memref<!tpu.dma_semaphore, #tpu.memory_space<semaphore_mem>>)
        %dma_start3A_931 = arith.constant 1 : i32
        %dma_start3A_932 = arith.constant 0 : i32
        %dma_start3A_933 = arith.constant 0 : i32
        %dma_start3A_934 = tpu.memref_slice %arg13[%dma_start3A_931, %dma_start3A_932, %dma_start3A_933] : memref<5x128x32xf32, #tpu.memory_space<vmem>> -> memref<1x128x32xf32, #tpu.memory_space<vmem>>
        %dma_start3A_935 = tpu.memref_squeeze %dma_start3A_934 : memref<1x128x32xf32, #tpu.memory_space<vmem>> -> memref<128x32xf32, #tpu.memory_space<vmem>>
        %dma_start3A_936 = arith.constant 0 : i32
        %dma_start3A_937 = tpu.memref_slice %arg10[%add3A_919, %dma_start3A_936] : memref<100x128xi32, #tpu.memory_space<vmem>> -> memref<1x128xi32, #tpu.memory_space<vmem>>
        %dma_start3A_938 = tpu.memref_squeeze %dma_start3A_937 : memref<1x128xi32, #tpu.memory_space<vmem>> -> memref<128xi32, #tpu.memory_space<vmem>>
        %dma_start3A_939 = arith.constant 0 : i32
        %dma_start3A_940 = arith.constant 0 : i32
        %dma_start3A_941 = tpu.memref_slice %arg6[%dma_start3A_939, %dma_start3A_940] : memref<400x32xf32, #tpu.memory_space<hbm>> -> memref<400x32xf32, #tpu.memory_space<hbm>>
        tpu.enqueue_indirect_dma source(%dma_start3A_941 : memref<400x32xf32, #tpu.memory_space<hbm>>) target(%dma_start3A_935 : memref<128x32xf32, #tpu.memory_space<vmem>>) offsets(%dma_start3A_938 : memref<128xi32, #tpu.memory_space<vmem>>) semaphore(%arg16 : memref<!tpu.dma_semaphore, #tpu.memory_space<semaphore_mem>>)
        %dma_start3A_942 = arith.constant 1 : i32
        %dma_start3A_943 = arith.constant 0 : i32
        %dma_start3A_944 = arith.constant 0 : i32
        %dma_start3A_945 = tpu.memref_slice %arg14[%dma_start3A_942, %dma_start3A_943, %dma_start3A_944] : memref<5x128x32xf32, #tpu.memory_space<vmem>> -> memref<1x128x32xf32, #tpu.memory_space<vmem>>
        %dma_start3A_946 = tpu.memref_squeeze %dma_start3A_945 : memref<1x128x32xf32, #tpu.memory_space<vmem>> -> memref<128x32xf32, #tpu.memory_space<vmem>>
        %dma_start3A_947 = arith.constant 0 : i32
        %dma_start3A_948 = tpu.memref_slice %arg11[%add3A_919, %dma_start3A_947] : memref<100x128xi32, #tpu.memory_space<vmem>> -> memref<1x128xi32, #tpu.memory_space<vmem>>
        %dma_start3A_949 = tpu.memref_squeeze %dma_start3A_948 : memref<1x128xi32, #tpu.memory_space<vmem>> -> memref<128xi32, #tpu.memory_space<vmem>>
        %dma_start3A_950 = arith.constant 0 : i32
        %dma_start3A_951 = arith.constant 0 : i32
        %dma_start3A_952 = tpu.memref_slice %arg7[%dma_start3A_950, %dma_start3A_951] : memref<400x32xf32, #tpu.memory_space<hbm>> -> memref<400x32xf32, #tpu.memory_space<hbm>>
        tpu.enqueue_indirect_dma source(%dma_start3A_952 : memref<400x32xf32, #tpu.memory_space<hbm>>) target(%dma_start3A_946 : memref<128x32xf32, #tpu.memory_space<vmem>>) offsets(%dma_start3A_949 : memref<128xi32, #tpu.memory_space<vmem>>) semaphore(%arg16 : memref<!tpu.dma_semaphore, #tpu.memory_space<semaphore_mem>>)
      } else {
      }
      %add3A_815 = arith.constant 4 : i32
      %add3A_816 = arith.addi %mul3A_406, %add3A_815 : i32
      %dma_wait3A_817 = arith.constant 4 : i32
      %dma_wait3A_818 = arith.constant 0 : i32
      %dma_wait3A_819 = arith.constant 0 : i32
      %dma_wait3A_820 = tpu.memref_slice %arg12[%dma_wait3A_817, %dma_wait3A_818, %dma_wait3A_819] : memref<5x128x64xf32, #tpu.memory_space<vmem>> -> memref<1x128x64xf32, #tpu.memory_space<vmem>>
      %dma_wait3A_821 = tpu.memref_squeeze %dma_wait3A_820 : memref<1x128x64xf32, #tpu.memory_space<vmem>> -> memref<128x64xf32, #tpu.memory_space<vmem>>
      %dma_wait3A_822 = arith.constant 0 : i32
      %dma_wait3A_823 = arith.constant 0 : i32
      %dma_wait3A_824 = tpu.memref_slice %arg5[%dma_wait3A_822, %dma_wait3A_823] : memref<1000000x64xf32, #tpu.memory_space<hbm>> -> memref<128x64xf32, #tpu.memory_space<hbm>>
      %dma_wait3A_825 = arith.constant 0 : i32
      %dma_wait3A_826 = arith.constant 0 : i32
      %dma_wait3A_827 = tpu.memref_slice %arg12[%dma_wait3A_817, %dma_wait3A_825, %dma_wait3A_826] : memref<5x128x64xf32, #tpu.memory_space<vmem>> -> memref<1x128x64xf32, #tpu.memory_space<vmem>>
      %dma_wait3A_828 = tpu.memref_squeeze %dma_wait3A_827 : memref<1x128x64xf32, #tpu.memory_space<vmem>> -> memref<128x64xf32, #tpu.memory_space<vmem>>
      %dma_wait3A_829 = arith.constant 0 : i32
      %dma_wait3A_830 = arith.constant 0 : i32
      %dma_wait3A_831 = tpu.memref_slice %arg5[%dma_wait3A_829, %dma_wait3A_830] : memref<1000000x64xf32, #tpu.memory_space<hbm>> -> memref<128x64xf32, #tpu.memory_space<hbm>>
      tpu.wait_dma2 semaphore(%arg19 : memref<!tpu.dma_semaphore, #tpu.memory_space<semaphore_mem>>) src(%dma_wait3A_831 : memref<128x64xf32, #tpu.memory_space<hbm>>) dst(%dma_wait3A_828 : memref<128x64xf32, #tpu.memory_space<vmem>>)
      %dma_wait3A_832 = arith.constant 4 : i32
      %dma_wait3A_833 = arith.constant 0 : i32
      %dma_wait3A_834 = arith.constant 0 : i32
      %dma_wait3A_835 = tpu.memref_slice %arg13[%dma_wait3A_832, %dma_wait3A_833, %dma_wait3A_834] : memref<5x128x32xf32, #tpu.memory_space<vmem>> -> memref<1x128x32xf32, #tpu.memory_space<vmem>>
      %dma_wait3A_836 = tpu.memref_squeeze %dma_wait3A_835 : memref<1x128x32xf32, #tpu.memory_space<vmem>> -> memref<128x32xf32, #tpu.memory_space<vmem>>
      %dma_wait3A_837 = arith.constant 0 : i32
      %dma_wait3A_838 = arith.constant 0 : i32
      %dma_wait3A_839 = tpu.memref_slice %arg6[%dma_wait3A_837, %dma_wait3A_838] : memref<400x32xf32, #tpu.memory_space<hbm>> -> memref<128x32xf32, #tpu.memory_space<hbm>>
      %dma_wait3A_840 = arith.constant 0 : i32
      %dma_wait3A_841 = arith.constant 0 : i32
      %dma_wait3A_842 = tpu.memref_slice %arg13[%dma_wait3A_832, %dma_wait3A_840, %dma_wait3A_841] : memref<5x128x32xf32, #tpu.memory_space<vmem>> -> memref<1x128x32xf32, #tpu.memory_space<vmem>>
      %dma_wait3A_843 = tpu.memref_squeeze %dma_wait3A_842 : memref<1x128x32xf32, #tpu.memory_space<vmem>> -> memref<128x32xf32, #tpu.memory_space<vmem>>
      %dma_wait3A_844 = arith.constant 0 : i32
      %dma_wait3A_845 = arith.constant 0 : i32
      %dma_wait3A_846 = tpu.memref_slice %arg6[%dma_wait3A_844, %dma_wait3A_845] : memref<400x32xf32, #tpu.memory_space<hbm>> -> memref<128x32xf32, #tpu.memory_space<hbm>>
      tpu.wait_dma2 semaphore(%arg19 : memref<!tpu.dma_semaphore, #tpu.memory_space<semaphore_mem>>) src(%dma_wait3A_846 : memref<128x32xf32, #tpu.memory_space<hbm>>) dst(%dma_wait3A_843 : memref<128x32xf32, #tpu.memory_space<vmem>>)
      %dma_wait3A_847 = arith.constant 4 : i32
      %dma_wait3A_848 = arith.constant 0 : i32
      %dma_wait3A_849 = arith.constant 0 : i32
      %dma_wait3A_850 = tpu.memref_slice %arg14[%dma_wait3A_847, %dma_wait3A_848, %dma_wait3A_849] : memref<5x128x32xf32, #tpu.memory_space<vmem>> -> memref<1x128x32xf32, #tpu.memory_space<vmem>>
      %dma_wait3A_851 = tpu.memref_squeeze %dma_wait3A_850 : memref<1x128x32xf32, #tpu.memory_space<vmem>> -> memref<128x32xf32, #tpu.memory_space<vmem>>
      %dma_wait3A_852 = arith.constant 0 : i32
      %dma_wait3A_853 = arith.constant 0 : i32
      %dma_wait3A_854 = tpu.memref_slice %arg7[%dma_wait3A_852, %dma_wait3A_853] : memref<400x32xf32, #tpu.memory_space<hbm>> -> memref<128x32xf32, #tpu.memory_space<hbm>>
      %dma_wait3A_855 = arith.constant 0 : i32
      %dma_wait3A_856 = arith.constant 0 : i32
      %dma_wait3A_857 = tpu.memref_slice %arg14[%dma_wait3A_847, %dma_wait3A_855, %dma_wait3A_856] : memref<5x128x32xf32, #tpu.memory_space<vmem>> -> memref<1x128x32xf32, #tpu.memory_space<vmem>>
      %dma_wait3A_858 = tpu.memref_squeeze %dma_wait3A_857 : memref<1x128x32xf32, #tpu.memory_space<vmem>> -> memref<128x32xf32, #tpu.memory_space<vmem>>
      %dma_wait3A_859 = arith.constant 0 : i32
      %dma_wait3A_860 = arith.constant 0 : i32
      %dma_wait3A_861 = tpu.memref_slice %arg7[%dma_wait3A_859, %dma_wait3A_860] : memref<400x32xf32, #tpu.memory_space<hbm>> -> memref<128x32xf32, #tpu.memory_space<hbm>>
      tpu.wait_dma2 semaphore(%arg19 : memref<!tpu.dma_semaphore, #tpu.memory_space<semaphore_mem>>) src(%dma_wait3A_861 : memref<128x32xf32, #tpu.memory_space<hbm>>) dst(%dma_wait3A_858 : memref<128x32xf32, #tpu.memory_space<vmem>>)
      %add3A_862 = arith.constant 100 : i32
      %add3A_863 = arith.addi %mul3A_2, %add3A_862 : i32
      %add3A_864 = arith.addi %add3A_863, %add3A_816 : i32
      %mul3A_865 = arith.constant 128 : i32
      %mul3A_866 = arith.muli %add3A_864, %mul3A_865 : i32
      %dma_start3A_867 = arith.constant 4 : i32
      %dma_start3A_868 = arith.constant 0 : i32
      %dma_start3A_869 = arith.constant 0 : i32
      %dma_start3A_870 = tpu.memref_slice %arg12[%dma_start3A_867, %dma_start3A_868, %dma_start3A_869] : memref<5x128x64xf32, #tpu.memory_space<vmem>> -> memref<1x128x64xf32, #tpu.memory_space<vmem>>
      %dma_start3A_871 = tpu.memref_squeeze %dma_start3A_870 : memref<1x128x64xf32, #tpu.memory_space<vmem>> -> memref<128x64xf32, #tpu.memory_space<vmem>>
      %dma_start3A_872 = arith.constant 0 : i32
      %dma_start3A_873 = tpu.memref_slice %arg8[%mul3A_866, %dma_start3A_872] : memref<819200x128xf32, #tpu.memory_space<hbm>> -> memref<128x64xf32, #tpu.memory_space<hbm>>
      %dma_start3A_874 = arith.constant 0 : i32
      %dma_start3A_875 = tpu.memref_slice %arg8[%mul3A_866, %dma_start3A_874] : memref<819200x128xf32, #tpu.memory_space<hbm>> -> memref<128x64xf32, #tpu.memory_space<hbm>>
      %dma_start3A_876 = arith.constant 0 : i32
      %dma_start3A_877 = arith.constant 0 : i32
      %dma_start3A_878 = tpu.memref_slice %arg12[%dma_start3A_867, %dma_start3A_876, %dma_start3A_877] : memref<5x128x64xf32, #tpu.memory_space<vmem>> -> memref<1x128x64xf32, #tpu.memory_space<vmem>>
      %dma_start3A_879 = tpu.memref_squeeze %dma_start3A_878 : memref<1x128x64xf32, #tpu.memory_space<vmem>> -> memref<128x64xf32, #tpu.memory_space<vmem>>
      tpu.enqueue_dma source(%dma_start3A_879 : memref<128x64xf32, #tpu.memory_space<vmem>>) target(%dma_start3A_875 : memref<128x64xf32, #tpu.memory_space<hbm>>) target_semaphore(%arg24 : memref<!tpu.dma_semaphore, #tpu.memory_space<semaphore_mem>>)
      %dma_start3A_880 = arith.constant 4 : i32
      %dma_start3A_881 = arith.constant 0 : i32
      %dma_start3A_882 = arith.constant 0 : i32
      %dma_start3A_883 = tpu.memref_slice %arg13[%dma_start3A_880, %dma_start3A_881, %dma_start3A_882] : memref<5x128x32xf32, #tpu.memory_space<vmem>> -> memref<1x128x32xf32, #tpu.memory_space<vmem>>
      %dma_start3A_884 = tpu.memref_squeeze %dma_start3A_883 : memref<1x128x32xf32, #tpu.memory_space<vmem>> -> memref<128x32xf32, #tpu.memory_space<vmem>>
      %dma_start3A_885 = arith.constant 64 : i32
      %dma_start3A_886 = tpu.memref_slice %arg8[%mul3A_866, %dma_start3A_885] : memref<819200x128xf32, #tpu.memory_space<hbm>> -> memref<128x32xf32, #tpu.memory_space<hbm>>
      %dma_start3A_887 = arith.constant 64 : i32
      %dma_start3A_888 = tpu.memref_slice %arg8[%mul3A_866, %dma_start3A_887] : memref<819200x128xf32, #tpu.memory_space<hbm>> -> memref<128x32xf32, #tpu.memory_space<hbm>>
      %dma_start3A_889 = arith.constant 0 : i32
      %dma_start3A_890 = arith.constant 0 : i32
      %dma_start3A_891 = tpu.memref_slice %arg13[%dma_start3A_880, %dma_start3A_889, %dma_start3A_890] : memref<5x128x32xf32, #tpu.memory_space<vmem>> -> memref<1x128x32xf32, #tpu.memory_space<vmem>>
      %dma_start3A_892 = tpu.memref_squeeze %dma_start3A_891 : memref<1x128x32xf32, #tpu.memory_space<vmem>> -> memref<128x32xf32, #tpu.memory_space<vmem>>
      tpu.enqueue_dma source(%dma_start3A_892 : memref<128x32xf32, #tpu.memory_space<vmem>>) target(%dma_start3A_888 : memref<128x32xf32, #tpu.memory_space<hbm>>) target_semaphore(%arg24 : memref<!tpu.dma_semaphore, #tpu.memory_space<semaphore_mem>>)
      %dma_start3A_893 = arith.constant 4 : i32
      %dma_start3A_894 = arith.constant 0 : i32
      %dma_start3A_895 = arith.constant 0 : i32
      %dma_start3A_896 = tpu.memref_slice %arg14[%dma_start3A_893, %dma_start3A_894, %dma_start3A_895] : memref<5x128x32xf32, #tpu.memory_space<vmem>> -> memref<1x128x32xf32, #tpu.memory_space<vmem>>
      %dma_start3A_897 = tpu.memref_squeeze %dma_start3A_896 : memref<1x128x32xf32, #tpu.memory_space<vmem>> -> memref<128x32xf32, #tpu.memory_space<vmem>>
      %dma_start3A_898 = arith.constant 96 : i32
      %dma_start3A_899 = tpu.memref_slice %arg8[%mul3A_866, %dma_start3A_898] : memref<819200x128xf32, #tpu.memory_space<hbm>> -> memref<128x32xf32, #tpu.memory_space<hbm>>
      %dma_start3A_900 = arith.constant 96 : i32
      %dma_start3A_901 = tpu.memref_slice %arg8[%mul3A_866, %dma_start3A_900] : memref<819200x128xf32, #tpu.memory_space<hbm>> -> memref<128x32xf32, #tpu.memory_space<hbm>>
      %dma_start3A_902 = arith.constant 0 : i32
      %dma_start3A_903 = arith.constant 0 : i32
      %dma_start3A_904 = tpu.memref_slice %arg14[%dma_start3A_893, %dma_start3A_902, %dma_start3A_903] : memref<5x128x32xf32, #tpu.memory_space<vmem>> -> memref<1x128x32xf32, #tpu.memory_space<vmem>>
      %dma_start3A_905 = tpu.memref_squeeze %dma_start3A_904 : memref<1x128x32xf32, #tpu.memory_space<vmem>> -> memref<128x32xf32, #tpu.memory_space<vmem>>
      tpu.enqueue_dma source(%dma_start3A_905 : memref<128x32xf32, #tpu.memory_space<vmem>>) target(%dma_start3A_901 : memref<128x32xf32, #tpu.memory_space<hbm>>) target_semaphore(%arg24 : memref<!tpu.dma_semaphore, #tpu.memory_space<semaphore_mem>>)
      %ge3A_906 = arith.constant 2 : i32
      %ge3A_907 = arith.cmpi sge, %add3A_816, %ge3A_906 : i32
      %convert_element_type3A_908 = arith.extui %ge3A_907 : i1 to i32
      %cond3A_909 = arith.constant 0 : i32
      %cond3A_910 = arith.cmpi ne, %convert_element_type3A_908, %cond3A_909 : i32
      scf.if %cond3A_910 {
        %mul3A_918 = arith.constant 128 : i32
        %mul3A_919 = arith.muli %mul3A_2, %mul3A_918 : i32
        %dma_wait3A_920 = arith.constant 2 : i32
        %dma_wait3A_921 = arith.constant 0 : i32
        %dma_wait3A_922 = arith.constant 0 : i32
        %dma_wait3A_923 = tpu.memref_slice %arg12[%dma_wait3A_920, %dma_wait3A_921, %dma_wait3A_922] : memref<5x128x64xf32, #tpu.memory_space<vmem>> -> memref<1x128x64xf32, #tpu.memory_space<vmem>>
        %dma_wait3A_924 = tpu.memref_squeeze %dma_wait3A_923 : memref<1x128x64xf32, #tpu.memory_space<vmem>> -> memref<128x64xf32, #tpu.memory_space<vmem>>
        %dma_wait3A_925 = arith.constant 0 : i32
        %dma_wait3A_926 = tpu.memref_slice %arg8[%mul3A_919, %dma_wait3A_925] : memref<819200x128xf32, #tpu.memory_space<hbm>> -> memref<128x64xf32, #tpu.memory_space<hbm>>
        %dma_wait3A_927 = arith.constant 0 : i32
        %dma_wait3A_928 = tpu.memref_slice %arg8[%mul3A_919, %dma_wait3A_927] : memref<819200x128xf32, #tpu.memory_space<hbm>> -> memref<128x64xf32, #tpu.memory_space<hbm>>
        %dma_wait3A_929 = arith.constant 0 : i32
        %dma_wait3A_930 = arith.constant 0 : i32
        %dma_wait3A_931 = tpu.memref_slice %arg12[%dma_wait3A_920, %dma_wait3A_929, %dma_wait3A_930] : memref<5x128x64xf32, #tpu.memory_space<vmem>> -> memref<1x128x64xf32, #tpu.memory_space<vmem>>
        %dma_wait3A_932 = tpu.memref_squeeze %dma_wait3A_931 : memref<1x128x64xf32, #tpu.memory_space<vmem>> -> memref<128x64xf32, #tpu.memory_space<vmem>>
        tpu.wait_dma2 semaphore(%arg22 : memref<!tpu.dma_semaphore, #tpu.memory_space<semaphore_mem>>) src(%dma_wait3A_932 : memref<128x64xf32, #tpu.memory_space<vmem>>) dst(%dma_wait3A_928 : memref<128x64xf32, #tpu.memory_space<hbm>>)
        %dma_wait3A_933 = arith.constant 2 : i32
        %dma_wait3A_934 = arith.constant 0 : i32
        %dma_wait3A_935 = arith.constant 0 : i32
        %dma_wait3A_936 = tpu.memref_slice %arg13[%dma_wait3A_933, %dma_wait3A_934, %dma_wait3A_935] : memref<5x128x32xf32, #tpu.memory_space<vmem>> -> memref<1x128x32xf32, #tpu.memory_space<vmem>>
        %dma_wait3A_937 = tpu.memref_squeeze %dma_wait3A_936 : memref<1x128x32xf32, #tpu.memory_space<vmem>> -> memref<128x32xf32, #tpu.memory_space<vmem>>
        %dma_wait3A_938 = arith.constant 64 : i32
        %dma_wait3A_939 = tpu.memref_slice %arg8[%mul3A_919, %dma_wait3A_938] : memref<819200x128xf32, #tpu.memory_space<hbm>> -> memref<128x32xf32, #tpu.memory_space<hbm>>
        %dma_wait3A_940 = arith.constant 64 : i32
        %dma_wait3A_941 = tpu.memref_slice %arg8[%mul3A_919, %dma_wait3A_940] : memref<819200x128xf32, #tpu.memory_space<hbm>> -> memref<128x32xf32, #tpu.memory_space<hbm>>
        %dma_wait3A_942 = arith.constant 0 : i32
        %dma_wait3A_943 = arith.constant 0 : i32
        %dma_wait3A_944 = tpu.memref_slice %arg13[%dma_wait3A_933, %dma_wait3A_942, %dma_wait3A_943] : memref<5x128x32xf32, #tpu.memory_space<vmem>> -> memref<1x128x32xf32, #tpu.memory_space<vmem>>
        %dma_wait3A_945 = tpu.memref_squeeze %dma_wait3A_944 : memref<1x128x32xf32, #tpu.memory_space<vmem>> -> memref<128x32xf32, #tpu.memory_space<vmem>>
        tpu.wait_dma2 semaphore(%arg22 : memref<!tpu.dma_semaphore, #tpu.memory_space<semaphore_mem>>) src(%dma_wait3A_945 : memref<128x32xf32, #tpu.memory_space<vmem>>) dst(%dma_wait3A_941 : memref<128x32xf32, #tpu.memory_space<hbm>>)
        %dma_wait3A_946 = arith.constant 2 : i32
        %dma_wait3A_947 = arith.constant 0 : i32
        %dma_wait3A_948 = arith.constant 0 : i32
        %dma_wait3A_949 = tpu.memref_slice %arg14[%dma_wait3A_946, %dma_wait3A_947, %dma_wait3A_948] : memref<5x128x32xf32, #tpu.memory_space<vmem>> -> memref<1x128x32xf32, #tpu.memory_space<vmem>>
        %dma_wait3A_950 = tpu.memref_squeeze %dma_wait3A_949 : memref<1x128x32xf32, #tpu.memory_space<vmem>> -> memref<128x32xf32, #tpu.memory_space<vmem>>
        %dma_wait3A_951 = arith.constant 96 : i32
        %dma_wait3A_952 = tpu.memref_slice %arg8[%mul3A_919, %dma_wait3A_951] : memref<819200x128xf32, #tpu.memory_space<hbm>> -> memref<128x32xf32, #tpu.memory_space<hbm>>
        %dma_wait3A_953 = arith.constant 96 : i32
        %dma_wait3A_954 = tpu.memref_slice %arg8[%mul3A_919, %dma_wait3A_953] : memref<819200x128xf32, #tpu.memory_space<hbm>> -> memref<128x32xf32, #tpu.memory_space<hbm>>
        %dma_wait3A_955 = arith.constant 0 : i32
        %dma_wait3A_956 = arith.constant 0 : i32
        %dma_wait3A_957 = tpu.memref_slice %arg14[%dma_wait3A_946, %dma_wait3A_955, %dma_wait3A_956] : memref<5x128x32xf32, #tpu.memory_space<vmem>> -> memref<1x128x32xf32, #tpu.memory_space<vmem>>
        %dma_wait3A_958 = tpu.memref_squeeze %dma_wait3A_957 : memref<1x128x32xf32, #tpu.memory_space<vmem>> -> memref<128x32xf32, #tpu.memory_space<vmem>>
        tpu.wait_dma2 semaphore(%arg22 : memref<!tpu.dma_semaphore, #tpu.memory_space<semaphore_mem>>) src(%dma_wait3A_958 : memref<128x32xf32, #tpu.memory_space<vmem>>) dst(%dma_wait3A_954 : memref<128x32xf32, #tpu.memory_space<hbm>>)
      } else {
      }
      %add3A_911 = arith.constant 3 : i32
      %add3A_912 = arith.addi %add3A_816, %add3A_911 : i32
      %lt3A_913 = arith.constant 100 : i32
      %lt3A_914 = arith.cmpi slt, %add3A_912, %lt3A_913 : i32
      %convert_element_type3A_915 = arith.extui %lt3A_914 : i1 to i32
      %cond3A_916 = arith.constant 0 : i32
      %cond3A_917 = arith.cmpi ne, %convert_element_type3A_915, %cond3A_916 : i32
      scf.if %cond3A_917 {
        %add3A_918 = arith.constant 3 : i32
        %add3A_919 = arith.addi %add3A_816, %add3A_918 : i32
        %dma_start3A_920 = arith.constant 2 : i32
        %dma_start3A_921 = arith.constant 0 : i32
        %dma_start3A_922 = arith.constant 0 : i32
        %dma_start3A_923 = tpu.memref_slice %arg12[%dma_start3A_920, %dma_start3A_921, %dma_start3A_922] : memref<5x128x64xf32, #tpu.memory_space<vmem>> -> memref<1x128x64xf32, #tpu.memory_space<vmem>>
        %dma_start3A_924 = tpu.memref_squeeze %dma_start3A_923 : memref<1x128x64xf32, #tpu.memory_space<vmem>> -> memref<128x64xf32, #tpu.memory_space<vmem>>
        %dma_start3A_925 = arith.constant 0 : i32
        %dma_start3A_926 = tpu.memref_slice %arg9[%add3A_919, %dma_start3A_925] : memref<100x128xi32, #tpu.memory_space<vmem>> -> memref<1x128xi32, #tpu.memory_space<vmem>>
        %dma_start3A_927 = tpu.memref_squeeze %dma_start3A_926 : memref<1x128xi32, #tpu.memory_space<vmem>> -> memref<128xi32, #tpu.memory_space<vmem>>
        %dma_start3A_928 = arith.constant 0 : i32
        %dma_start3A_929 = arith.constant 0 : i32
        %dma_start3A_930 = tpu.memref_slice %arg5[%dma_start3A_928, %dma_start3A_929] : memref<1000000x64xf32, #tpu.memory_space<hbm>> -> memref<1000000x64xf32, #tpu.memory_space<hbm>>
        tpu.enqueue_indirect_dma source(%dma_start3A_930 : memref<1000000x64xf32, #tpu.memory_space<hbm>>) target(%dma_start3A_924 : memref<128x64xf32, #tpu.memory_space<vmem>>) offsets(%dma_start3A_927 : memref<128xi32, #tpu.memory_space<vmem>>) semaphore(%arg17 : memref<!tpu.dma_semaphore, #tpu.memory_space<semaphore_mem>>)
        %dma_start3A_931 = arith.constant 2 : i32
        %dma_start3A_932 = arith.constant 0 : i32
        %dma_start3A_933 = arith.constant 0 : i32
        %dma_start3A_934 = tpu.memref_slice %arg13[%dma_start3A_931, %dma_start3A_932, %dma_start3A_933] : memref<5x128x32xf32, #tpu.memory_space<vmem>> -> memref<1x128x32xf32, #tpu.memory_space<vmem>>
        %dma_start3A_935 = tpu.memref_squeeze %dma_start3A_934 : memref<1x128x32xf32, #tpu.memory_space<vmem>> -> memref<128x32xf32, #tpu.memory_space<vmem>>
        %dma_start3A_936 = arith.constant 0 : i32
        %dma_start3A_937 = tpu.memref_slice %arg10[%add3A_919, %dma_start3A_936] : memref<100x128xi32, #tpu.memory_space<vmem>> -> memref<1x128xi32, #tpu.memory_space<vmem>>
        %dma_start3A_938 = tpu.memref_squeeze %dma_start3A_937 : memref<1x128xi32, #tpu.memory_space<vmem>> -> memref<128xi32, #tpu.memory_space<vmem>>
        %dma_start3A_939 = arith.constant 0 : i32
        %dma_start3A_940 = arith.constant 0 : i32
        %dma_start3A_941 = tpu.memref_slice %arg6[%dma_start3A_939, %dma_start3A_940] : memref<400x32xf32, #tpu.memory_space<hbm>> -> memref<400x32xf32, #tpu.memory_space<hbm>>
        tpu.enqueue_indirect_dma source(%dma_start3A_941 : memref<400x32xf32, #tpu.memory_space<hbm>>) target(%dma_start3A_935 : memref<128x32xf32, #tpu.memory_space<vmem>>) offsets(%dma_start3A_938 : memref<128xi32, #tpu.memory_space<vmem>>) semaphore(%arg17 : memref<!tpu.dma_semaphore, #tpu.memory_space<semaphore_mem>>)
        %dma_start3A_942 = arith.constant 2 : i32
        %dma_start3A_943 = arith.constant 0 : i32
        %dma_start3A_944 = arith.constant 0 : i32
        %dma_start3A_945 = tpu.memref_slice %arg14[%dma_start3A_942, %dma_start3A_943, %dma_start3A_944] : memref<5x128x32xf32, #tpu.memory_space<vmem>> -> memref<1x128x32xf32, #tpu.memory_space<vmem>>
        %dma_start3A_946 = tpu.memref_squeeze %dma_start3A_945 : memref<1x128x32xf32, #tpu.memory_space<vmem>> -> memref<128x32xf32, #tpu.memory_space<vmem>>
        %dma_start3A_947 = arith.constant 0 : i32
        %dma_start3A_948 = tpu.memref_slice %arg11[%add3A_919, %dma_start3A_947] : memref<100x128xi32, #tpu.memory_space<vmem>> -> memref<1x128xi32, #tpu.memory_space<vmem>>
        %dma_start3A_949 = tpu.memref_squeeze %dma_start3A_948 : memref<1x128xi32, #tpu.memory_space<vmem>> -> memref<128xi32, #tpu.memory_space<vmem>>
        %dma_start3A_950 = arith.constant 0 : i32
        %dma_start3A_951 = arith.constant 0 : i32
        %dma_start3A_952 = tpu.memref_slice %arg7[%dma_start3A_950, %dma_start3A_951] : memref<400x32xf32, #tpu.memory_space<hbm>> -> memref<400x32xf32, #tpu.memory_space<hbm>>
        tpu.enqueue_indirect_dma source(%dma_start3A_952 : memref<400x32xf32, #tpu.memory_space<hbm>>) target(%dma_start3A_946 : memref<128x32xf32, #tpu.memory_space<vmem>>) offsets(%dma_start3A_949 : memref<128xi32, #tpu.memory_space<vmem>>) semaphore(%arg17 : memref<!tpu.dma_semaphore, #tpu.memory_space<semaphore_mem>>)
      } else {
      }
    }
    %scan3A_321 = arith.constant 20 : i32
    %mul3A_322 = arith.constant 128 : i32
    %mul3A_323 = arith.muli %mul3A_2, %mul3A_322 : i32
    %dma_wait3A_324 = arith.constant 3 : i32
    %dma_wait3A_325 = arith.constant 0 : i32
    %dma_wait3A_326 = arith.constant 0 : i32
    %dma_wait3A_327 = tpu.memref_slice %arg12[%dma_wait3A_324, %dma_wait3A_325, %dma_wait3A_326] : memref<5x128x64xf32, #tpu.memory_space<vmem>> -> memref<1x128x64xf32, #tpu.memory_space<vmem>>
    %dma_wait3A_328 = tpu.memref_squeeze %dma_wait3A_327 : memref<1x128x64xf32, #tpu.memory_space<vmem>> -> memref<128x64xf32, #tpu.memory_space<vmem>>
    %dma_wait3A_329 = arith.constant 0 : i32
    %dma_wait3A_330 = tpu.memref_slice %arg8[%mul3A_323, %dma_wait3A_329] : memref<819200x128xf32, #tpu.memory_space<hbm>> -> memref<128x64xf32, #tpu.memory_space<hbm>>
    %dma_wait3A_331 = arith.constant 0 : i32
    %dma_wait3A_332 = tpu.memref_slice %arg8[%mul3A_323, %dma_wait3A_331] : memref<819200x128xf32, #tpu.memory_space<hbm>> -> memref<128x64xf32, #tpu.memory_space<hbm>>
    %dma_wait3A_333 = arith.constant 0 : i32
    %dma_wait3A_334 = arith.constant 0 : i32
    %dma_wait3A_335 = tpu.memref_slice %arg12[%dma_wait3A_324, %dma_wait3A_333, %dma_wait3A_334] : memref<5x128x64xf32, #tpu.memory_space<vmem>> -> memref<1x128x64xf32, #tpu.memory_space<vmem>>
    %dma_wait3A_336 = tpu.memref_squeeze %dma_wait3A_335 : memref<1x128x64xf32, #tpu.memory_space<vmem>> -> memref<128x64xf32, #tpu.memory_space<vmem>>
    tpu.wait_dma2 semaphore(%arg23 : memref<!tpu.dma_semaphore, #tpu.memory_space<semaphore_mem>>) src(%dma_wait3A_336 : memref<128x64xf32, #tpu.memory_space<vmem>>) dst(%dma_wait3A_332 : memref<128x64xf32, #tpu.memory_space<hbm>>)
    %dma_wait3A_337 = arith.constant 3 : i32
    %dma_wait3A_338 = arith.constant 0 : i32
    %dma_wait3A_339 = arith.constant 0 : i32
    %dma_wait3A_340 = tpu.memref_slice %arg13[%dma_wait3A_337, %dma_wait3A_338, %dma_wait3A_339] : memref<5x128x32xf32, #tpu.memory_space<vmem>> -> memref<1x128x32xf32, #tpu.memory_space<vmem>>
    %dma_wait3A_341 = tpu.memref_squeeze %dma_wait3A_340 : memref<1x128x32xf32, #tpu.memory_space<vmem>> -> memref<128x32xf32, #tpu.memory_space<vmem>>
    %dma_wait3A_342 = arith.constant 64 : i32
    %dma_wait3A_343 = tpu.memref_slice %arg8[%mul3A_323, %dma_wait3A_342] : memref<819200x128xf32, #tpu.memory_space<hbm>> -> memref<128x32xf32, #tpu.memory_space<hbm>>
    %dma_wait3A_344 = arith.constant 64 : i32
    %dma_wait3A_345 = tpu.memref_slice %arg8[%mul3A_323, %dma_wait3A_344] : memref<819200x128xf32, #tpu.memory_space<hbm>> -> memref<128x32xf32, #tpu.memory_space<hbm>>
    %dma_wait3A_346 = arith.constant 0 : i32
    %dma_wait3A_347 = arith.constant 0 : i32
    %dma_wait3A_348 = tpu.memref_slice %arg13[%dma_wait3A_337, %dma_wait3A_346, %dma_wait3A_347] : memref<5x128x32xf32, #tpu.memory_space<vmem>> -> memref<1x128x32xf32, #tpu.memory_space<vmem>>
    %dma_wait3A_349 = tpu.memref_squeeze %dma_wait3A_348 : memref<1x128x32xf32, #tpu.memory_space<vmem>> -> memref<128x32xf32, #tpu.memory_space<vmem>>
    tpu.wait_dma2 semaphore(%arg23 : memref<!tpu.dma_semaphore, #tpu.memory_space<semaphore_mem>>) src(%dma_wait3A_349 : memref<128x32xf32, #tpu.memory_space<vmem>>) dst(%dma_wait3A_345 : memref<128x32xf32, #tpu.memory_space<hbm>>)
    %dma_wait3A_350 = arith.constant 3 : i32
    %dma_wait3A_351 = arith.constant 0 : i32
    %dma_wait3A_352 = arith.constant 0 : i32
    %dma_wait3A_353 = tpu.memref_slice %arg14[%dma_wait3A_350, %dma_wait3A_351, %dma_wait3A_352] : memref<5x128x32xf32, #tpu.memory_space<vmem>> -> memref<1x128x32xf32, #tpu.memory_space<vmem>>
    %dma_wait3A_354 = tpu.memref_squeeze %dma_wait3A_353 : memref<1x128x32xf32, #tpu.memory_space<vmem>> -> memref<128x32xf32, #tpu.memory_space<vmem>>
    %dma_wait3A_355 = arith.constant 96 : i32
    %dma_wait3A_356 = tpu.memref_slice %arg8[%mul3A_323, %dma_wait3A_355] : memref<819200x128xf32, #tpu.memory_space<hbm>> -> memref<128x32xf32, #tpu.memory_space<hbm>>
    %dma_wait3A_357 = arith.constant 96 : i32
    %dma_wait3A_358 = tpu.memref_slice %arg8[%mul3A_323, %dma_wait3A_357] : memref<819200x128xf32, #tpu.memory_space<hbm>> -> memref<128x32xf32, #tpu.memory_space<hbm>>
    %dma_wait3A_359 = arith.constant 0 : i32
    %dma_wait3A_360 = arith.constant 0 : i32
    %dma_wait3A_361 = tpu.memref_slice %arg14[%dma_wait3A_350, %dma_wait3A_359, %dma_wait3A_360] : memref<5x128x32xf32, #tpu.memory_space<vmem>> -> memref<1x128x32xf32, #tpu.memory_space<vmem>>
    %dma_wait3A_362 = tpu.memref_squeeze %dma_wait3A_361 : memref<1x128x32xf32, #tpu.memory_space<vmem>> -> memref<128x32xf32, #tpu.memory_space<vmem>>
    tpu.wait_dma2 semaphore(%arg23 : memref<!tpu.dma_semaphore, #tpu.memory_space<semaphore_mem>>) src(%dma_wait3A_362 : memref<128x32xf32, #tpu.memory_space<vmem>>) dst(%dma_wait3A_358 : memref<128x32xf32, #tpu.memory_space<hbm>>)
    %mul3A_363 = arith.constant 128 : i32
    %mul3A_364 = arith.muli %mul3A_2, %mul3A_363 : i32
    %dma_wait3A_365 = arith.constant 4 : i32
    %dma_wait3A_366 = arith.constant 0 : i32
    %dma_wait3A_367 = arith.constant 0 : i32
    %dma_wait3A_368 = tpu.memref_slice %arg12[%dma_wait3A_365, %dma_wait3A_366, %dma_wait3A_367] : memref<5x128x64xf32, #tpu.memory_space<vmem>> -> memref<1x128x64xf32, #tpu.memory_space<vmem>>
    %dma_wait3A_369 = tpu.memref_squeeze %dma_wait3A_368 : memref<1x128x64xf32, #tpu.memory_space<vmem>> -> memref<128x64xf32, #tpu.memory_space<vmem>>
    %dma_wait3A_370 = arith.constant 0 : i32
    %dma_wait3A_371 = tpu.memref_slice %arg8[%mul3A_364, %dma_wait3A_370] : memref<819200x128xf32, #tpu.memory_space<hbm>> -> memref<128x64xf32, #tpu.memory_space<hbm>>
    %dma_wait3A_372 = arith.constant 0 : i32
    %dma_wait3A_373 = tpu.memref_slice %arg8[%mul3A_364, %dma_wait3A_372] : memref<819200x128xf32, #tpu.memory_space<hbm>> -> memref<128x64xf32, #tpu.memory_space<hbm>>
    %dma_wait3A_374 = arith.constant 0 : i32
    %dma_wait3A_375 = arith.constant 0 : i32
    %dma_wait3A_376 = tpu.memref_slice %arg12[%dma_wait3A_365, %dma_wait3A_374, %dma_wait3A_375] : memref<5x128x64xf32, #tpu.memory_space<vmem>> -> memref<1x128x64xf32, #tpu.memory_space<vmem>>
    %dma_wait3A_377 = tpu.memref_squeeze %dma_wait3A_376 : memref<1x128x64xf32, #tpu.memory_space<vmem>> -> memref<128x64xf32, #tpu.memory_space<vmem>>
    tpu.wait_dma2 semaphore(%arg24 : memref<!tpu.dma_semaphore, #tpu.memory_space<semaphore_mem>>) src(%dma_wait3A_377 : memref<128x64xf32, #tpu.memory_space<vmem>>) dst(%dma_wait3A_373 : memref<128x64xf32, #tpu.memory_space<hbm>>)
    %dma_wait3A_378 = arith.constant 4 : i32
    %dma_wait3A_379 = arith.constant 0 : i32
    %dma_wait3A_380 = arith.constant 0 : i32
    %dma_wait3A_381 = tpu.memref_slice %arg13[%dma_wait3A_378, %dma_wait3A_379, %dma_wait3A_380] : memref<5x128x32xf32, #tpu.memory_space<vmem>> -> memref<1x128x32xf32, #tpu.memory_space<vmem>>
    %dma_wait3A_382 = tpu.memref_squeeze %dma_wait3A_381 : memref<1x128x32xf32, #tpu.memory_space<vmem>> -> memref<128x32xf32, #tpu.memory_space<vmem>>
    %dma_wait3A_383 = arith.constant 64 : i32
    %dma_wait3A_384 = tpu.memref_slice %arg8[%mul3A_364, %dma_wait3A_383] : memref<819200x128xf32, #tpu.memory_space<hbm>> -> memref<128x32xf32, #tpu.memory_space<hbm>>
    %dma_wait3A_385 = arith.constant 64 : i32
    %dma_wait3A_386 = tpu.memref_slice %arg8[%mul3A_364, %dma_wait3A_385] : memref<819200x128xf32, #tpu.memory_space<hbm>> -> memref<128x32xf32, #tpu.memory_space<hbm>>
    %dma_wait3A_387 = arith.constant 0 : i32
    %dma_wait3A_388 = arith.constant 0 : i32
    %dma_wait3A_389 = tpu.memref_slice %arg13[%dma_wait3A_378, %dma_wait3A_387, %dma_wait3A_388] : memref<5x128x32xf32, #tpu.memory_space<vmem>> -> memref<1x128x32xf32, #tpu.memory_space<vmem>>
    %dma_wait3A_390 = tpu.memref_squeeze %dma_wait3A_389 : memref<1x128x32xf32, #tpu.memory_space<vmem>> -> memref<128x32xf32, #tpu.memory_space<vmem>>
    tpu.wait_dma2 semaphore(%arg24 : memref<!tpu.dma_semaphore, #tpu.memory_space<semaphore_mem>>) src(%dma_wait3A_390 : memref<128x32xf32, #tpu.memory_space<vmem>>) dst(%dma_wait3A_386 : memref<128x32xf32, #tpu.memory_space<hbm>>)
    %dma_wait3A_391 = arith.constant 4 : i32
    %dma_wait3A_392 = arith.constant 0 : i32
    %dma_wait3A_393 = arith.constant 0 : i32
    %dma_wait3A_394 = tpu.memref_slice %arg14[%dma_wait3A_391, %dma_wait3A_392, %dma_wait3A_393] : memref<5x128x32xf32, #tpu.memory_space<vmem>> -> memref<1x128x32xf32, #tpu.memory_space<vmem>>
    %dma_wait3A_395 = tpu.memref_squeeze %dma_wait3A_394 : memref<1x128x32xf32, #tpu.memory_space<vmem>> -> memref<128x32xf32, #tpu.memory_space<vmem>>
    %dma_wait3A_396 = arith.constant 96 : i32
    %dma_wait3A_397 = tpu.memref_slice %arg8[%mul3A_364, %dma_wait3A_396] : memref<819200x128xf32, #tpu.memory_space<hbm>> -> memref<128x32xf32, #tpu.memory_space<hbm>>
    %dma_wait3A_398 = arith.constant 96 : i32
    %dma_wait3A_399 = tpu.memref_slice %arg8[%mul3A_364, %dma_wait3A_398] : memref<819200x128xf32, #tpu.memory_space<hbm>> -> memref<128x32xf32, #tpu.memory_space<hbm>>
    %dma_wait3A_400 = arith.constant 0 : i32
    %dma_wait3A_401 = arith.constant 0 : i32
    %dma_wait3A_402 = tpu.memref_slice %arg14[%dma_wait3A_391, %dma_wait3A_400, %dma_wait3A_401] : memref<5x128x32xf32, #tpu.memory_space<vmem>> -> memref<1x128x32xf32, #tpu.memory_space<vmem>>
    %dma_wait3A_403 = tpu.memref_squeeze %dma_wait3A_402 : memref<1x128x32xf32, #tpu.memory_space<vmem>> -> memref<128x32xf32, #tpu.memory_space<vmem>>
    tpu.wait_dma2 semaphore(%arg24 : memref<!tpu.dma_semaphore, #tpu.memory_space<semaphore_mem>>) src(%dma_wait3A_403 : memref<128x32xf32, #tpu.memory_space<vmem>>) dst(%dma_wait3A_399 : memref<128x32xf32, #tpu.memory_space<hbm>>)
    return
  }
}

</mosaic_0001>

<sc_bundles>
// kernel: kernel.3.cloned.1.call-start
scs
__scs_entry_jumppad:
0x0: {  	(pc) =	sbr.rel $0x88, $3  }
0x1: {  	(tag) =	ssettag $0x0;
	lr =	simm.s32 $0x1  }
0x2: {  	[smem:$0x3F9B] =	sst lr;
	_ =	strace $0xD0000000  }
0x3: {  	_ = 	snop  }
0x4: {  	_ = 	snop  }
0x5: {  	_ = 	snop  }
0x6: {  	_ = 	snop  }
0x7: {  	_ = 	snop  }
__scs_overlays_trampoline_lowered:
0x8: {  	[smem:$0x3FAA] =	sst s0  }
0x9: {  	[smem:$0x3FAB] =	sst s1  }
0xa: {  	[smem:$0x3FAC] =	sst s2  }
0xb: {  	[smem:$0x3FAD] =	sst s3  }
0xc: {  	[smem:$0x3FAE] =	sst s4  }
0xd: {  	[smem:$0x3FAF] =	sst s5  }
0xe: {  	[smem:$0x3FB0] =	sst s6  }
0xf: {  	[smem:$0x3FB1] =	sst s7  }
0x10: {  	[smem:$0x3FB2] =	sst s8  }
0x11: {  	[smem:$0x3FB3] =	sst s9;
	s0 =	simm.s32 @!p0 $0x0  }
0x12: {  	s1 =	sld [smem:$0x3F99];
	s0 =	simm.s32 @p0 $0x1  }
0x13: {  	[smem:$0x3FB4] =	sst s0;
	s0 =	simm.s32 @!p1 $0x0  }
0x14: {  	s2 =	sld [smem:$0x3F98];
	s0 =	simm.s32 @p1 $0x1  }
0x15: {  	[smem:$0x3FB5] =	sst s0;
	s0 =	simm.s32 @!p2 $0x0  }
0x16: {  	s3 =	sld [smem:$0x3FDB];
	s0 =	simm.s32 @p2 $0x1  }
0x17: {  	s4 =	simm.s32 $0x1BF5;
	[smem:$0x3FB7] =	sst s0  }
0x18: {  	s0 =	sld [smem:$0x3F9A];
	_ =	swait.ge [sflag:s4], $0x0  }
0x19: {  	s7 =	sld [smem:$0x3F9B]  }
0x1a: {  	s8 =	sadd.s32 $0xFFFFE003, lr  }
0x1b: {  	s9 =	sadd.s32 $0xFFFFFEF7, lr;
	s5 =	simm.s32 $0xFFFFFFFF;
	p2 =	slt.u32 s8, $0xFFFFF086  }
0x1c: {  	p1 =	slt.u32 s9, $0xF7A;
	s5 =	simm.s32 @!p2 $0x0  }
0x1d: {  	s5 =	simm.s32 @p1 $0x1;
	p0 =	seq.s32 s7, s2  }
0x1e: {  	s7 =	smul.u32 @!p0 $0xF7A, s2;
	p2 =	seq.s32 @!p0 s5, $0x0  }
0x1f: {  	s9 =	smul.u32 $0xF7A, s1;
	s8 =	simm.s32 @!p0 $0x1BF5;
	p2 =	por !p2, p0  }
0x20: {  	[sflag:s8] =	ssyncset.s32 @!p0 $0xFFFFF086;
	s6 =	sadd.s32 @!p0 s3, s7;
	s7 =	simm.s32 @!p0 $0x108  }
0x21: {  	s3 =	sadd.s32 s3, s9;
	s6 =	sadd.s32 @!p0 $0x88, s6;
	s7 =	simm.s32 @p2 $0x1082  }
0x22: {  	[simem:s7], [sflag:s8] =	dma.local @!p0 [hbm:s6], $0xF7A  }
0x23: {  	s9 =	sor.u32 $0xD0000000, s2;
	s6 =	simm.s32 $0x108;
	_ =	swait.ge @!p0 [sflag:s8], $0x0  }
0x24: {  	s3 =	sadd.s32 $0x88, s3;
	s6 =	simm.s32 @!p1 $0x1082;
	[sflag:s4] =	ssyncset.s32 $0xFFFFF086  }
0x25: {  	[simem:s6], [sflag:s4] =	dma.local [hbm:s3], $0xF7A  }
0x26: {  	[smem:$0x3F9B] =	sst s1;
	(tag) =	ssettag s2;
	_ =	strace s9  }
0x27: {  	s1 =	sld [smem:$0x3FAB]  }
0x28: {  	s2 =	sld [smem:$0x3FAC]  }
0x29: {  	s4 =	sld [smem:$0x3FAE]  }
0x2a: {  	p0 =	seq.s32 s5, $0x0;
	s5 =	sld [smem:$0x3FAF]  }
0x2b: {  	s6 =	sld [smem:$0x3FB0]  }
0x2c: {  	s7 =	sld [smem:$0x3FB1]  }
0x2d: {  	s3 =	simm.s32 $0x108;
	s8 =	sld [smem:$0x3FB2]  }
0x2e: {  	s3 =	simm.s32 @!p0 $0x1082;
	s9 =	sld [smem:$0x3FB3]  }
0x2f: {  	lr =	sadd.s32 s0, s3;
	s0 =	sld [smem:$0x3FAA]  }
0x30: {  	s3 =	sld [smem:$0x3FAD]  }
0x31: {  	[smem:$0x3FB6] =	sst s10  }
0x32: {  	s10 =	sld [smem:$0x3FB4];
	_ =	sdelay $0x3  }
0x33: {  	p0 =	seq.s32 s10, $0x1;
	s10 =	sld [smem:$0x3FB6];
	_ =	sdelay $0x3  }
0x34: {  	[smem:$0x3FB6] =	sst s10  }
0x35: {  	s10 =	sld [smem:$0x3FB5];
	_ =	sdelay $0x3  }
0x36: {  	p1 =	seq.s32 s10, $0x1;
	s10 =	sld [smem:$0x3FB6];
	_ =	sdelay $0x3  }
0x37: {  	[smem:$0x3FB6] =	sst s10  }
0x38: {  	s10 =	sld [smem:$0x3FB7]  }
0x39: {  	_ = 	snop;
	(pc) =	sbr.ind lr, $3  }
0x3a: {  	_ = 	snop  }
0x3b: {  	_ = 	snop  }
0x3c: {  	p2 =	seq.s32 s10, $0x1;
	s10 =	sld [smem:$0x3FB6]  }
0x3d: {  	_ =	shalt  }
0x3e: {  	_ =	shalt  }
0x3f: {  	_ =	shalt  }
0x40: {  	_ =	shalt  }
0x41: {  	_ =	shalt  }
0x42: {  	_ =	shalt  }
0x43: {  	_ =	shalt  }
0x44: {  	_ =	shalt  }
0x45: {  	_ =	shalt  }
0x46: {  	_ =	shalt  }
0x47: {  	_ =	shalt  }
0x48: {  	_ =	shalt  }
0x49: {  	_ =	shalt  }
0x4a: {  	_ =	shalt  }
0x4b: {  	_ =	shalt  }
0x4c: {  	_ =	shalt  }
0x4d: {  	_ =	shalt  }
0x4e: {  	_ =	shalt  }
0x4f: {  	_ =	shalt  }
0x50: {  	_ =	shalt  }
0x51: {  	_ =	shalt  }
0x52: {  	_ =	shalt  }
0x53: {  	_ =	shalt  }
0x54: {  	_ =	shalt  }
0x55: {  	_ =	shalt  }
0x56: {  	_ =	shalt  }
0x57: {  	_ =	shalt  }
0x58: {  	_ =	shalt  }
0x59: {  	_ =	shalt  }
0x5a: {  	_ =	shalt  }
0x5b: {  	_ =	shalt  }
0x5c: {  	_ =	shalt  }
0x5d: {  	_ =	shalt  }
0x5e: {  	_ =	shalt  }
0x5f: {  	_ =	shalt  }
0x60: {  	_ =	shalt  }
0x61: {  	_ =	shalt  }
0x62: {  	_ =	shalt  }
0x63: {  	_ =	shalt  }
0x64: {  	_ =	shalt  }
0x65: {  	_ =	shalt  }
0x66: {  	_ =	shalt  }
0x67: {  	_ =	shalt  }
0x68: {  	_ =	shalt  }
0x69: {  	_ =	shalt  }
0x6a: {  	_ =	shalt  }
0x6b: {  	_ =	shalt  }
0x6c: {  	_ =	shalt  }
0x6d: {  	_ =	shalt  }
0x6e: {  	_ =	shalt  }
0x6f: {  	_ =	shalt  }
0x70: {  	_ =	shalt  }
0x71: {  	_ =	shalt  }
0x72: {  	_ =	shalt  }
0x73: {  	_ =	shalt  }
0x74: {  	_ =	shalt  }
0x75: {  	_ =	shalt  }
0x76: {  	_ =	shalt  }
0x77: {  	_ =	shalt  }
0x78: {  	_ =	shalt  }
0x79: {  	_ =	shalt  }
0x7a: {  	_ =	shalt  }
0x7b: {  	_ =	shalt  }
0x7c: {  	_ =	shalt  }
0x7d: {  	_ =	shalt  }
0x7e: {  	_ =	shalt  }
0x7f: {  	_ =	shalt  }
0x80: {  	_ =	shalt  }
0x81: {  	_ =	shalt  }
0x82: {  	_ =	shalt  }
0x83: {  	_ =	shalt  }
0x84: {  	_ =	shalt  }
0x85: {  	_ =	shalt  }
0x86: {  	_ =	shalt  }
0x87: {  	_ =	shalt  }
.Lfunc_end0:
.L_simem_size_0:
called_computation_lowered:
.L_overlay_start_0:
0x88: {  	s2 =	sld [smem:$0x3FD9]  }
0x89: {  	s3 =	sld [smem:$0x3FFE];
	_ =	sdelay $0x1  }
0x8a: {  	s1 =	srdreg.scid  }
0x8b: {  	s0 =	sand.u32 $0x1, s1  }
0x8c: {  	s17 =	sshll.u32 s0, $0xA;
	s2 =	sadd.s32 s3, s2  }
0x8d: {  	s2 =	sadd.s32 s2, s17  }
0x8e: {  	[smem:$0x3FC2] =	sst s2  }
0x8f: {  	_ = 	snop  }
0x90: {  	s2 =	sld [smem:$0x3FD0];
	(tm) =	ssettm $0x1  }
0x91: {  	s18 =	sld [smem:$0x3FFB];
	_ =	sdelay $0x3  }
0x92: {  	_ =	strace s18  }
0x93: {  	s3 =	sld [smem:$0x3FFC];
	_ =	sdelay $0x3  }
0x94: {  	_ =	strace s3  }
0x95: {  	s3 =	sld [smem:$0x3FFD];
	_ =	sdelay $0x3  }
0x96: {  	_ =	strace s3  }
0x97: {  	_ =	strace $0x8FFFFFFF  }
0x98: {  	s19 =	sld [smem:$0x3FDB];
	_ =	sdelay $0x1  }
0x99: {  	s4 =	simm.s32 $_scs_section_size  }
0x9a: {  	s5 =	simm.s32 $_size__tile_overlayer_lowered;
	s6 =	simm.s32 $_tile_overlayer_lowered  }
0x9b: {  	s22 =	simm.s32 $0x1BFF;
	s21 =	sshll.u32 s6, $0x1;
	s3 =	sadd.s32 s4, s19  }
0x9c: {  	s7 =	simm.s32 $0x0;
	s20 =	sshll.u32 s5, $0x1;
	s5 =	sadd.s32 s21, s3  }
0x9d: {  	[timem:s7], [sflag:s22] =	dma.local [hbm:s5], s20  }
0x9e: {  	_ =	swait.ge [sflag:s22], s20  }
0x9f: {  	s4 =	ssub.s32 $0x0, s20;
	[sflag:s22] =	ssyncset.done $0x0  }
0xa0: {  	[sflag:s22] =	ssyncadd.s32 s4;
	_ =	sdelay $0x1  }
0xa1: {  	s23 =	simm.s32 $0x1B8B  }
0xa2: {  	_ =	swait.ge [sflag:s23], $0x1  }
0xa3: {  	[sflag:s23] =	ssyncset.done $0x0  }
0xa4: {  	s25 =	simm.s32 $0x1B8E;
	s24 =	sld [smem:$0x3FFE];
	[sflag:s23] =	ssyncadd.s32 $0xFFFFFFFF  }
0xa5: {  	s26 =	simm.s32 $execute0_lowered;
	[smem:$0x3FD2] =	sst s25  }
0xa6: {  	s5 =	sshll.u32 s26, $0x1;
	_ =	strace $0x80000046;
	[dreg:$0x1] =	wrdreg $0xFFFFFFFF  }
0xa7: {  	s28 =	simm.s32 $_size_execute0_lowered;
	s3 =	sadd.s32 s3, s5;
	[dreg:$0x0] =	wrdreg $0x0  }
0xa8: {  	s5 =	sshll.u32 s28, $0x1;
	[dreg:$0x2] =	wrdreg s3  }
0xa9: {  	[dreg:$0x3] =	wrdreg s5  }
0xaa: {  	[dreg:$0x4] =	wrdreg $0xC0  }
0xab: {  	_ =	task [dreg:s7], $0x5FFFF  }
0xac: {  	[dreg:$0x1] =	wrdreg $0xFFFFFFFF  }
0xad: {  	[dreg:$0x0] =	wrdreg $0x60  }
0xae: {  	[dreg:$0x2] =	wrdreg s24  }
0xaf: {  	[dreg:$0x3] =	wrdreg s2  }
0xb0: {  	[dreg:$0x4] =	wrdreg $0x9  }
0xb1: {  	_ =	task.clear_ibuf [dreg:s7], $0x5FFFF;
	_ =	strace $0x90000046  }
0xb2: {  	s29 =	simm.s32 $0x9;
	_ =	strace $0x80000048  }
0xb3: {  	_ =	swait.ge [sflag:s29], $0x1  }
0xb4: {  	[sflag:s29] =	ssyncadd.s32 $0xFFFFFFFF  }
0xb5: {  	_ =	strace $0x90000048  }
0xb6: {  	_ =	sfence  }
0xb7: {  	s30 =	sld [smem:$0x0];
	_ =	sdelay $0x2  }
0xb8: {  	s31 =	sshll.u32 s1, $0xD;
	s1 =	sshrl.u32 s1, $0x2  }
0xb9: {  	s3 =	sand.u32 $0x4000, s31;
	s1 =	sadd.s32 s1, s30  }
0xba: {  	s0 =	sor.u32 s3, s0;
	s1 =	sshll.u32 s1, $0x11  }
0xbb: {  	s0 =	sor.u32 s1, s0  }
0xbc: {  	s0 =	sadd.s32 $0x8F2B, s0  }
0xbd: {  	[sflag:s0] =	ssyncadd.remote.s32 $0x1  }
0xbe: {  	_ =	sfence.sel $0xFFFF  }
0xbf: {  	[dreg:$0x0] =	wrdreg $0xFFFFFFFF;
	(pc) =	sbr.abs _section_cstart, $3  }
0xc0: {  	[dreg:$0x1] =	wrdreg $0xFFFFFFFF  }
0xc1: {  	_ =	task.clear_ibuf [dreg:s7], $0x2FFFF;
	_ =	strace $0x9FFFFFFF  }
0xc2: {  	(tm) =	ssettm $0x7FFFFFFF  }
0xc3: {  	_ =	shalt  }
tec
execute0_lowered:
.L_overlay_start_1:
0x0: {  	(tag) =	ssettag $0x1  }
0x1: {  	s0 =	rddreg [dreg:$0x0]  }
0x2: {  	s1 =	rddreg [dreg:$0x1];
	s2 =	simm.s32 $0x0  }
0x3: {  	s3 =	srdreg.scid;
	s12 =	stileid.u32;
	s29 =	simm.s32 $0xD600  }
0x4: {  	s31 =	simm.s32 $0x15600;
	s13 =	simm.s32 $0x1C600;
	s14 =	simm.s32 $0x3  }
0x5: {  	s28 =	simm.s32 $0x6;
	s30 =	simm.s32 $0x4;
	[smem:$0x7FF] =	sst s2  }
0x6: {  	s16 =	sadd.s32 $0x32E00, s0;
	s6 =	sadd.s32 $0x19E00, s0;
	s7 =	sand.u32 $0x1, s3  }
0x7: {  	s17 =	sshll.u32 s12, $0x1;
	s8 =	sadd.s32 $0xE00, s0;
	s3 =	sadd.s32 $0xF43200, s0  }
0x8: {  	s5 =	sadd.s32 $0x4BE00, s0;
	s21 =	smul.u32 $0xC8000, s12;
	s12 =	simm.s32 $0x2  }
0x9: {  	s9 =	ssub.s32 $0x2, s7;
	s4 =	sor.u32 s7, s17;
	s7 =	smul.u32 $0x64000, s7  }
0xa: {  	_ =	strace $0x80000047;
	s10 =	sshrl.u32 s9, $0x1;
	s11 =	smul.u32 $0xC80, s4  }
0xb: {  	s4 =	sadd.s32 $0x4C600, s0;
	s1 =	sadd.s32 s21, s1;
	s18 =	ssub.s32 s9, s10  }
0xc: {  	s26 =	sadd.s32 s7, s1;
	s7 =	simm.s32 $0x40;
	s9 =	simm.s32 $0xF600  }
0xd: {  	s10 =	simm.s32 $0x16600;
	s19 =	sadd.s32 s16, s11;
	s20 =	sadd.s32 s6, s11  }
0xe: {  	s22 =	sadd.s32 s8, s11;
	s23 =	sadd.s32 $0x640, s11;
	[dreg:$0x3] =	wrdreg s19  }
0xf: {  	s0 =	smax.u32 s18, $0x1;
	s1 =	sadd.s32 $0x1008, s26;
	[dreg:$0x4] =	wrdreg s20  }
0x10: {  	s18 =	simm.s32 $0x80;
	s11 =	simm.s32 $0x1B600;
	[dreg:$0x5] =	wrdreg s22  }
0x11: {  	s2 =	sadd.s32 s16, s23;
	s24 =	sadd.s32 s6, s23;
	[dreg:$0x9] =	wrdreg s0  }
0x12: {  	s25 =	sadd.s32 s8, s23;
	[dreg:$0xa] =	wrdreg s1;
	s0 =	sadd.s32 $0x3400C, s26  }
.Ltmp0:
0x13: {  	s26 =	simm.s32 $0x19600;
	[dreg:$0x6] =	wrdreg s2;
	(pc) =	sbr.rel .LBB2_1-.Ltmp0, $4  }
0x14: {  	s6 =	simm.s32 $0x1;
	s8 =	simm.s32 $0x20;
	[dreg:$0x7] =	wrdreg s24  }
0x15: {  	s23 =	simm.s32 $0x11600;
	s1 =	simm.s32 $0x5;
	[dreg:$0x8] =	wrdreg s25  }
0x16: {  	s16 =	simm.s32 $0x8;
	s19 =	simm.s32 $0x0;
	[dreg:$0xb] =	wrdreg s0  }
0x17: {  	s2 =	simm.s32 $0x1A600;
	s25 =	simm.s32 $0x17600;
	s0 =	simm.s32 $0x7  }
.LBB2_7:
0x18: {  	s15 =	simm.s32 $0x9  }
0x19: {  	_ =	swait.ge [sflag:s15], $0x2000  }
0x1a: {  	[sflag:s15] =	ssyncset.done $0x0  }
0x1b: {  	[sflag:s15] =	ssyncadd.s32 $0xFFFFE000  }
0x1c: {  	_ =	swait.ge [sflag:s15], $0x1000  }
0x1d: {  	[sflag:s15] =	ssyncset.done $0x0  }
0x1e: {  	[sflag:s15] =	ssyncadd.s32 $0xFFFFF000  }
0x1f: {  	_ =	swait.ge [sflag:s15], $0x1000  }
0x20: {  	[sflag:s15] =	ssyncset.done $0x0  }
0x21: {  	s17 =	simm.s32 $0xA;
	[sflag:s15] =	ssyncadd.s32 $0xFFFFF000  }
0x22: {  	_ =	swait.ge [sflag:s17], $0x2000  }
0x23: {  	[sflag:s17] =	ssyncset.done $0x0  }
0x24: {  	[sflag:s17] =	ssyncadd.s32 $0xFFFFE000  }
0x25: {  	_ =	swait.ge [sflag:s17], $0x1000  }
0x26: {  	[sflag:s17] =	ssyncset.done $0x0  }
0x27: {  	[sflag:s17] =	ssyncadd.s32 $0xFFFFF000  }
0x28: {  	_ =	swait.ge [sflag:s17], $0x1000  }
0x29: {  	s19 =	rddreg [dreg:$0xc]  }
0x2a: {  	s24 =	rddreg [dreg:$0x9];
	s19 =	sadd.s32 $0x1, s19  }
0x2b: {  	p0 =	sne.s32 s19, s24  }
.Ltmp1:
0x2c: {  	_ = 	snop;
	(pc) =	sbr.rel @!p0 .LBB2_8-.Ltmp1, $3  }
0x2d: {  	_ =	sdelay $0x1  }
0x2e: {  	[sflag:s17] =	ssyncset.done $0x0  }
0x2f: {  	[sflag:s17] =	ssyncadd.s32 $0xFFFFF000  }
.LBB2_1:
0x30: {  	[dreg:$0xc] =	wrdreg s19  }
0x31: {  	s15 =	simm.s32 $0x0;
	s17 =	rddreg [dreg:$0x3];
	s24 =	simm.s32 $0xB  }
0x32: {  	[tilespmem:s15], [sflag:$0xB] =	stream.linear.gather [hbm4b:s17+s15], $0x3200, $0x38;
	[tilespmem:$0x1D600] =	vst v63  }
0x33: {  	_ =	swait.ge [sflag:s24], $0x3200  }
0x34: {  	[sflag:s24] =	ssyncset.done $0x0  }
0x35: {  	s20 =	simm.s32 $0x3200;
	s21 =	rddreg [dreg:$0x4];
	[sflag:s24] =	ssyncadd.s32 $0xFFFFCE00  }
0x36: {  	[tilespmem:s20], [sflag:$0xB] =	stream.linear.gather [hbm4b:s21+s15], $0x3200, $0x38;
	[tilespmem:$0x1D600] =	vst v63  }
0x37: {  	_ =	swait.ge [sflag:s24], $0x3200  }
0x38: {  	[sflag:s24] =	ssyncset.done $0x0  }
0x39: {  	s21 =	simm.s32 $0x6400;
	s22 =	rddreg [dreg:$0x5];
	[sflag:s24] =	ssyncadd.s32 $0xFFFFCE00  }
0x3a: {  	[tilespmem:s21], [sflag:$0xB] =	stream.linear.gather [hbm4b:s22+s15], $0x3200, $0x38;
	[tilespmem:$0x1D600] =	vst v63  }
0x3b: {  	_ =	swait.ge [sflag:s24], $0x3200  }
0x3c: {  	[sflag:s24] =	ssyncset.done $0x0  }
0x3d: {  	[sflag:s24] =	ssyncadd.s32 $0xFFFFCE00;
	s24 =	simm.s32 $0x9600  }
0x3e: {  	[tilespmem:s24], [sflag:$0x1] =	stream.indirect.gather [hbm4b:s3+s18], $0x40, s15, s18, $0xb8;
	[tilespmem:$0x1D600] =	vst v63  }
0x3f: {  	s19 =	simm.s32 $0x13600  }
0x40: {  	[tilespmem:s19], [sflag:$0x1] =	stream.indirect.gather [hbm4b:s4+s18], $0x20, s20, s18, $0xb8;
	[tilespmem:$0x1D600] =	vst v63  }
0x41: {  	s22 =	simm.s32 $0x18600  }
0x42: {  	[tilespmem:s22], [sflag:$0x1] =	stream.indirect.gather [hbm4b:s5+s18], $0x20, s21, s18, $0xb8;
	[tilespmem:$0x1D600] =	vst v63  }
0x43: {  	s24 =	simm.s32 $0xB600  }
0x44: {  	[tilespmem:s24], [sflag:$0x2] =	stream.indirect.gather [hbm4b:s3+s18], $0x40, s18, s18, $0xb8;
	[tilespmem:$0x1D600] =	vst v63  }
0x45: {  	s17 =	simm.s32 $0x3280;
	s19 =	simm.s32 $0x14600  }
0x46: {  	[tilespmem:s19], [sflag:$0x2] =	stream.indirect.gather [hbm4b:s4+s18], $0x20, s17, s18, $0xb8;
	[tilespmem:$0x1D600] =	vst v63  }
0x47: {  	s20 =	simm.s32 $0x6480  }
0x48: {  	[tilespmem:s26], [sflag:$0x2] =	stream.indirect.gather [hbm4b:s5+s18], $0x20, s20, s18, $0xb8;
	[tilespmem:$0x1D600] =	vst v63  }
0x49: {  	s21 =	simm.s32 $0x100  }
0x4a: {  	[tilespmem:s29], [sflag:$0x3] =	stream.indirect.gather [hbm4b:s3+s18], $0x40, s21, s18, $0xb8;
	[tilespmem:$0x1D600] =	vst v63  }
0x4b: {  	s22 =	simm.s32 $0x3300  }
0x4c: {  	[tilespmem:s31], [sflag:$0x3] =	stream.indirect.gather [hbm4b:s4+s18], $0x20, s22, s18, $0xb8;
	[tilespmem:$0x1D600] =	vst v63  }
0x4d: {  	s15 =	simm.s32 $0x0;
	s24 =	simm.s32 $0x6500;
	s17 =	rddreg [dreg:$0xa]  }
0x4e: {  	[tilespmem:s2], [sflag:$0x3] =	stream.indirect.gather [hbm4b:s5+s18], $0x20, s24, s18, $0xb8;
	[tilespmem:$0x1D600] =	vst v63  }
.LBB2_2:
0x4f: {  	_ =	swait.ge [sflag:s6], $0x2000  }
0x50: {  	[sflag:s6] =	ssyncset.done $0x0  }
0x51: {  	[sflag:s6] =	ssyncadd.s32 $0xFFFFE000  }
0x52: {  	_ =	swait.ge [sflag:s6], $0x1000  }
0x53: {  	[sflag:s6] =	ssyncset.done $0x0  }
0x54: {  	[sflag:s6] =	ssyncadd.s32 $0xFFFFF000  }
0x55: {  	_ =	swait.ge [sflag:s6], $0x1000  }
0x56: {  	[sflag:s6] =	ssyncset.done $0x0  }
0x57: {  	s19 =	sadd.s32 $0xFFFFEFF8, s17;
	s20 =	simm.s32 $0x9600;
	[sflag:s6] =	ssyncadd.s32 $0xFFFFF000  }
0x58: {  	[hbm4b:s19+s7] =	stream.strided.scatter [tilespmem:s20], [sflag:$0x6], $0x2000, s18, s7, $0x38;
	[tilespmem:$0x1D600] =	vst v63  }
0x59: {  	s22 =	sadd.s32 $0xFFFFF000, s17;
	s24 =	simm.s32 $0x13600;
	p0 =	seq.s32 s15, $0x0  }
0x5a: {  	[hbm4b:s22+s8] =	stream.strided.scatter [tilespmem:s24], [sflag:$0x6], $0x1000, s18, s8, $0x38;
	[tilespmem:$0x1D600] =	vst v63  }
0x5b: {  	s21 =	sadd.s32 $0xFFFFF004, s17;
	s20 =	simm.s32 @!p0 $0x9;
	s22 =	simm.s32 $0x18600  }
0x5c: {  	[hbm4b:s21+s8] =	stream.strided.scatter [tilespmem:s22], [sflag:$0x6], $0x1000, s18, s8, $0x38;
	[tilespmem:$0x1D600] =	vst v63  }
0x5d: {  	_ =	swait.ge @!p0 [sflag:s20], $0x2000  }
0x5e: {  	[sflag:s20] =	ssyncset.done @!p0 $0x0  }
0x5f: {  	[sflag:s20] =	ssyncadd.s32 @!p0 $0xFFFFE000  }
0x60: {  	_ =	swait.ge @!p0 [sflag:s20], $0x1000  }
0x61: {  	[sflag:s20] =	ssyncset.done @!p0 $0x0  }
0x62: {  	[sflag:s20] =	ssyncadd.s32 @!p0 $0xFFFFF000  }
0x63: {  	_ =	swait.ge @!p0 [sflag:s20], $0x1000  }
0x64: {  	s19 =	sshra.s32 s15, $0x2;
	[sflag:s20] =	ssyncset.done @!p0 $0x0  }
0x65: {  	s24 =	sadd.s32 $0x180, s19;
	[sflag:s20] =	ssyncadd.s32 @!p0 $0xFFFFF000  }
0x66: {  	[tilespmem:s9], [sflag:$0x4] =	stream.indirect.gather [hbm4b:s3+s18], $0x40, s24, s18, $0xb8;
	[tilespmem:$0x1D600] =	vst v63  }
0x67: {  	s21 =	sadd.s32 $0x3380, s19  }
0x68: {  	[tilespmem:s10], [sflag:$0x4] =	stream.indirect.gather [hbm4b:s4+s18], $0x20, s21, s18, $0xb8;
	[tilespmem:$0x1D600] =	vst v63  }
0x69: {  	s22 =	sadd.s32 $0x6580, s19  }
0x6a: {  	[tilespmem:s11], [sflag:$0x4] =	stream.indirect.gather [hbm4b:s5+s18], $0x20, s22, s18, $0xb8;
	[tilespmem:$0x1D600] =	vst v63  }
0x6b: {  	_ =	swait.ge [sflag:s12], $0x2000  }
0x6c: {  	[sflag:s12] =	ssyncset.done $0x0  }
0x6d: {  	[sflag:s12] =	ssyncadd.s32 $0xFFFFE000  }
0x6e: {  	_ =	swait.ge [sflag:s12], $0x1000  }
0x6f: {  	[sflag:s12] =	ssyncset.done $0x0  }
0x70: {  	[sflag:s12] =	ssyncadd.s32 $0xFFFFF000  }
0x71: {  	_ =	swait.ge [sflag:s12], $0x1000  }
0x72: {  	[sflag:s12] =	ssyncset.done $0x0  }
0x73: {  	s24 =	sadd.s32 $0xFFFFF7F8, s17;
	s21 =	simm.s32 $0xB600;
	[sflag:s12] =	ssyncadd.s32 $0xFFFFF000  }
0x74: {  	[hbm4b:s24+s7] =	stream.strided.scatter [tilespmem:s21], [sflag:$0x7], $0x2000, s18, s7, $0x38;
	[tilespmem:$0x1D600] =	vst v63  }
0x75: {  	s22 =	simm.s32 $0x14600;
	s21 =	sadd.s32 $0xFFFFF800, s17  }
0x76: {  	[hbm4b:s21+s8] =	stream.strided.scatter [tilespmem:s22], [sflag:$0x7], $0x1000, s18, s8, $0x38;
	[tilespmem:$0x1D600] =	vst v63  }
0x77: {  	s20 =	simm.s32 @!p0 $0xA;
	s24 =	sadd.s32 $0xFFFFF804, s17  }
0x78: {  	[hbm4b:s24+s8] =	stream.strided.scatter [tilespmem:s26], [sflag:$0x7], $0x1000, s18, s8, $0x38;
	[tilespmem:$0x1D600] =	vst v63  }
0x79: {  	_ =	swait.ge @!p0 [sflag:s20], $0x2000  }
0x7a: {  	[sflag:s20] =	ssyncset.done @!p0 $0x0  }
0x7b: {  	[sflag:s20] =	ssyncadd.s32 @!p0 $0xFFFFE000  }
0x7c: {  	_ =	swait.ge @!p0 [sflag:s20], $0x1000  }
0x7d: {  	[sflag:s20] =	ssyncset.done @!p0 $0x0  }
0x7e: {  	[sflag:s20] =	ssyncadd.s32 @!p0 $0xFFFFF000  }
0x7f: {  	_ =	swait.ge @!p0 [sflag:s20], $0x1000  }
0x80: {  	[sflag:s20] =	ssyncset.done @!p0 $0x0  }
0x81: {  	s21 =	sadd.s32 $0x200, s19;
	[sflag:s20] =	ssyncadd.s32 @!p0 $0xFFFFF000  }
0x82: {  	[tilespmem:s23], [sflag:$0x5] =	stream.indirect.gather [hbm4b:s3+s18], $0x40, s21, s18, $0xb8;
	[tilespmem:$0x1D600] =	vst v63  }
0x83: {  	s22 =	sadd.s32 $0x3400, s19  }
0x84: {  	[tilespmem:s25], [sflag:$0x5] =	stream.indirect.gather [hbm4b:s4+s18], $0x20, s22, s18, $0xb8;
	[tilespmem:$0x1D600] =	vst v63  }
0x85: {  	s24 =	sadd.s32 $0x6600, s19  }
0x86: {  	[tilespmem:s13], [sflag:$0x5] =	stream.indirect.gather [hbm4b:s5+s18], $0x20, s24, s18, $0xb8;
	[tilespmem:$0x1D600] =	vst v63  }
0x87: {  	_ =	swait.ge [sflag:s14], $0x2000  }
0x88: {  	[sflag:s14] =	ssyncset.done $0x0  }
0x89: {  	[sflag:s14] =	ssyncadd.s32 $0xFFFFE000  }
0x8a: {  	_ =	swait.ge [sflag:s14], $0x1000  }
0x8b: {  	[sflag:s14] =	ssyncset.done $0x0  }
0x8c: {  	[sflag:s14] =	ssyncadd.s32 $0xFFFFF000  }
0x8d: {  	_ =	swait.ge [sflag:s14], $0x1000  }
0x8e: {  	[sflag:s14] =	ssyncset.done $0x0  }
0x8f: {  	s21 =	sadd.s32 $0xFFFFFFF8, s17;
	[sflag:s14] =	ssyncadd.s32 $0xFFFFF000  }
0x90: {  	[hbm4b:s21+s7] =	stream.strided.scatter [tilespmem:s29], [sflag:$0x8], $0x2000, s18, s7, $0x38;
	[tilespmem:$0x1D600] =	vst v63  }
0x91: {  	_ = 	snop  }
0x92: {  	[hbm4b:s17+s8] =	stream.strided.scatter [tilespmem:s31], [sflag:$0x8], $0x1000, s18, s8, $0x38;
	[tilespmem:$0x1D600] =	vst v63  }
0x93: {  	s22 =	sadd.s32 $0x4, s17  }
0x94: {  	[hbm4b:s22+s8] =	stream.strided.scatter [tilespmem:s2], [sflag:$0x8], $0x1000, s18, s8, $0x38;
	[tilespmem:$0x1D600] =	vst v63  }
0x95: {  	_ =	swait.ge [sflag:s28], $0x2000  }
0x96: {  	[sflag:s28] =	ssyncset.done $0x0  }
0x97: {  	[sflag:s28] =	ssyncadd.s32 $0xFFFFE000  }
0x98: {  	_ =	swait.ge [sflag:s28], $0x1000  }
0x99: {  	[sflag:s28] =	ssyncset.done $0x0  }
0x9a: {  	[sflag:s28] =	ssyncadd.s32 $0xFFFFF000  }
0x9b: {  	p0 =	seq.s32 s15, $0xBE00;
	_ =	swait.ge [sflag:s28], $0x1000  }
0x9c: {  	s20 =	sshra.s32 @!p0 s15, $0x2;
	s24 =	simm.s32 @!p0 $0x9600;
	[sflag:s28] =	ssyncset.done $0x0  }
0x9d: {  	s21 =	sadd.s32 @!p0 $0x280, s20;
	s22 =	simm.s32 @!p0 $0x80;
	[sflag:s28] =	ssyncadd.s32 $0xFFFFF000  }
0x9e: {  	[tilespmem:s24], [sflag:$0x1] =	stream.indirect.gather @!p0 [hbm4b:s3+s22], $0x40, s21, s22, $0xb8;
	[tilespmem:$0x1D600] =	vst v63  }
0x9f: {  	s21 =	sadd.s32 @!p0 $0x3480, s20;
	s24 =	simm.s32 @!p0 $0x13600  }
0xa0: {  	[tilespmem:s24], [sflag:$0x1] =	stream.indirect.gather @!p0 [hbm4b:s4+s22], $0x20, s21, s22, $0xb8;
	[tilespmem:$0x1D600] =	vst v63  }
0xa1: {  	s21 =	sadd.s32 @!p0 $0x6680, s20;
	s24 =	simm.s32 @!p0 $0x18600  }
0xa2: {  	[tilespmem:s24], [sflag:$0x1] =	stream.indirect.gather @!p0 [hbm4b:s5+s22], $0x20, s21, s22, $0xb8;
	[tilespmem:$0x1D600] =	vst v63  }
0xa3: {  	_ =	swait.ge [sflag:s30], $0x2000  }
0xa4: {  	[sflag:s30] =	ssyncset.done $0x0  }
0xa5: {  	[sflag:s30] =	ssyncadd.s32 $0xFFFFE000  }
0xa6: {  	_ =	swait.ge [sflag:s30], $0x1000  }
0xa7: {  	[sflag:s30] =	ssyncset.done $0x0  }
0xa8: {  	[sflag:s30] =	ssyncadd.s32 $0xFFFFF000  }
0xa9: {  	_ =	swait.ge [sflag:s30], $0x1000  }
0xaa: {  	[sflag:s30] =	ssyncset.done $0x0  }
0xab: {  	s24 =	sadd.s32 $0x7F8, s17;
	[sflag:s30] =	ssyncadd.s32 $0xFFFFF000  }
0xac: {  	[hbm4b:s24+s7] =	stream.strided.scatter [tilespmem:s9], [sflag:$0x9], $0x2000, s18, s7, $0x38;
	[tilespmem:$0x1D600] =	vst v63  }
0xad: {  	s24 =	sadd.s32 $0x800, s17  }
0xae: {  	[hbm4b:s24+s8] =	stream.strided.scatter [tilespmem:s10], [sflag:$0x9], $0x1000, s18, s8, $0x38;
	[tilespmem:$0x1D600] =	vst v63  }
0xaf: {  	s24 =	sadd.s32 $0x804, s17  }
0xb0: {  	[hbm4b:s24+s8] =	stream.strided.scatter [tilespmem:s11], [sflag:$0x9], $0x1000, s18, s8, $0x38;
	[tilespmem:$0x1D600] =	vst v63  }
0xb1: {  	_ =	swait.ge [sflag:s0], $0x2000  }
0xb2: {  	[sflag:s0] =	ssyncset.done $0x0  }
0xb3: {  	[sflag:s0] =	ssyncadd.s32 $0xFFFFE000  }
0xb4: {  	_ =	swait.ge [sflag:s0], $0x1000  }
0xb5: {  	[sflag:s0] =	ssyncset.done $0x0  }
0xb6: {  	[sflag:s0] =	ssyncadd.s32 $0xFFFFF000  }
0xb7: {  	_ =	swait.ge [sflag:s0], $0x1000  }
0xb8: {  	[sflag:s0] =	ssyncset.done $0x0  }
0xb9: {  	s21 =	sadd.s32 @!p0 $0x300, s20;
	s24 =	simm.s32 @!p0 $0xB600;
	[sflag:s0] =	ssyncadd.s32 $0xFFFFF000  }
0xba: {  	[tilespmem:s24], [sflag:$0x2] =	stream.indirect.gather @!p0 [hbm4b:s3+s22], $0x40, s21, s22, $0xb8;
	[tilespmem:$0x1D600] =	vst v63  }
0xbb: {  	s21 =	sadd.s32 @!p0 $0x3500, s20;
	s24 =	simm.s32 @!p0 $0x14600  }
0xbc: {  	[tilespmem:s24], [sflag:$0x2] =	stream.indirect.gather @!p0 [hbm4b:s4+s22], $0x20, s21, s22, $0xb8;
	[tilespmem:$0x1D600] =	vst v63  }
0xbd: {  	s20 =	sadd.s32 @!p0 $0x6700, s20;
	s21 =	simm.s32 @!p0 $0x19600  }
0xbe: {  	[tilespmem:s21], [sflag:$0x2] =	stream.indirect.gather @!p0 [hbm4b:s5+s22], $0x20, s20, s22, $0xb8;
	[tilespmem:$0x1D600] =	vst v63  }
0xbf: {  	_ =	swait.ge [sflag:s1], $0x2000  }
0xc0: {  	[sflag:s1] =	ssyncset.done $0x0  }
0xc1: {  	[sflag:s1] =	ssyncadd.s32 $0xFFFFE000  }
0xc2: {  	_ =	swait.ge [sflag:s1], $0x1000  }
0xc3: {  	[sflag:s1] =	ssyncset.done $0x0  }
0xc4: {  	[sflag:s1] =	ssyncadd.s32 $0xFFFFF000  }
0xc5: {  	_ =	swait.ge [sflag:s1], $0x1000  }
0xc6: {  	[sflag:s1] =	ssyncset.done $0x0  }
0xc7: {  	s21 =	sadd.s32 $0xFF8, s17;
	[sflag:s1] =	ssyncadd.s32 $0xFFFFF000  }
0xc8: {  	[hbm4b:s21+s7] =	stream.strided.scatter [tilespmem:s23], [sflag:$0xA], $0x2000, s18, s7, $0x38;
	[tilespmem:$0x1D600] =	vst v63  }
0xc9: {  	s22 =	sadd.s32 $0x1000, s17  }
0xca: {  	[hbm4b:s22+s8] =	stream.strided.scatter [tilespmem:s25], [sflag:$0xA], $0x1000, s18, s8, $0x38;
	[tilespmem:$0x1D600] =	vst v63  }
0xcb: {  	s24 =	sadd.s32 $0x1004, s17  }
0xcc: {  	[hbm4b:s24+s8] =	stream.strided.scatter [tilespmem:s13], [sflag:$0xA], $0x1000, s18, s8, $0x38;
	[tilespmem:$0x1D600] =	vst v63  }
0xcd: {  	_ =	swait.ge [sflag:s16], $0x2000  }
0xce: {  	[sflag:s16] =	ssyncset.done $0x0  }
0xcf: {  	[sflag:s16] =	ssyncadd.s32 $0xFFFFE000  }
0xd0: {  	_ =	swait.ge [sflag:s16], $0x1000  }
.Ltmp2:
0xd1: {  	[sflag:s16] =	ssyncset.done $0x0;
	(pc) =	sbr.rel @p0 .LBB2_4-.Ltmp2, $4  }
0xd2: {  	[sflag:s16] =	ssyncadd.s32 $0xFFFFF000  }
0xd3: {  	_ =	swait.ge [sflag:s16], $0x1000  }
0xd4: {  	[sflag:s16] =	ssyncset.done $0x0  }
0xd5: {  	[sflag:s16] =	ssyncadd.s32 $0xFFFFF000  }
0xd6: {  	s20 =	sadd.s32 $0x380, s19  }
0xd7: {  	[tilespmem:s29], [sflag:$0x3] =	stream.indirect.gather [hbm4b:s3+s18], $0x40, s20, s18, $0xb8;
	[tilespmem:$0x1D600] =	vst v63  }
.Ltmp3:
0xd8: {  	_ = 	snop;
	(pc) =	sbr.rel .LBB2_2-.Ltmp3, $4  }
0xd9: {  	s22 =	sadd.s32 $0x3580, s19  }
0xda: {  	[tilespmem:s31], [sflag:$0x3] =	stream.indirect.gather [hbm4b:s4+s18], $0x20, s22, s18, $0xb8;
	[tilespmem:$0x1D600] =	vst v63  }
0xdb: {  	s24 =	sadd.s32 $0x6780, s19;
	s15 =	sadd.s32 $0xA00, s15;
	s17 =	sadd.s32 $0x2800, s17  }
0xdc: {  	[tilespmem:s2], [sflag:$0x3] =	stream.indirect.gather [hbm4b:s5+s18], $0x20, s24, s18, $0xb8;
	[tilespmem:$0x1D600] =	vst v63  }
.LBB2_4:
0xdd: {  	s15 =	simm.s32 $0x9  }
0xde: {  	_ =	swait.ge [sflag:s15], $0x2000  }
0xdf: {  	[sflag:s15] =	ssyncset.done $0x0  }
0xe0: {  	[sflag:s15] =	ssyncadd.s32 $0xFFFFE000  }
0xe1: {  	_ =	swait.ge [sflag:s15], $0x1000  }
0xe2: {  	[sflag:s15] =	ssyncset.done $0x0  }
0xe3: {  	[sflag:s15] =	ssyncadd.s32 $0xFFFFF000  }
0xe4: {  	_ =	swait.ge [sflag:s15], $0x1000  }
0xe5: {  	[sflag:s15] =	ssyncset.done $0x0  }
0xe6: {  	s19 =	simm.s32 $0xA;
	[sflag:s15] =	ssyncadd.s32 $0xFFFFF000  }
0xe7: {  	_ =	swait.ge [sflag:s19], $0x2000  }
0xe8: {  	[sflag:s19] =	ssyncset.done $0x0  }
0xe9: {  	[sflag:s19] =	ssyncadd.s32 $0xFFFFE000  }
0xea: {  	_ =	swait.ge [sflag:s19], $0x1000  }
0xeb: {  	[sflag:s19] =	ssyncset.done $0x0  }
0xec: {  	[sflag:s19] =	ssyncadd.s32 $0xFFFFF000  }
0xed: {  	_ =	swait.ge [sflag:s19], $0x1000  }
0xee: {  	s17 =	simm.s32 $0x0;
	[sflag:s19] =	ssyncset.done $0x0  }
0xef: {  	s20 =	rddreg [dreg:$0x6];
	[sflag:s19] =	ssyncadd.s32 $0xFFFFF000;
	s19 =	simm.s32 $0xB  }
0xf0: {  	[tilespmem:s17], [sflag:$0xB] =	stream.linear.gather [hbm4b:s20+s17], $0x3200, $0x38;
	[tilespmem:$0x1D600] =	vst v63  }
0xf1: {  	_ =	swait.ge [sflag:s19], $0x3200  }
0xf2: {  	[sflag:s19] =	ssyncset.done $0x0  }
0xf3: {  	s20 =	simm.s32 $0x3200;
	s21 =	rddreg [dreg:$0x7];
	[sflag:s19] =	ssyncadd.s32 $0xFFFFCE00  }
0xf4: {  	[tilespmem:s20], [sflag:$0xB] =	stream.linear.gather [hbm4b:s21+s17], $0x3200, $0x38;
	[tilespmem:$0x1D600] =	vst v63  }
0xf5: {  	_ =	swait.ge [sflag:s19], $0x3200  }
0xf6: {  	[sflag:s19] =	ssyncset.done $0x0  }
0xf7: {  	s21 =	simm.s32 $0x6400;
	s22 =	rddreg [dreg:$0x8];
	[sflag:s19] =	ssyncadd.s32 $0xFFFFCE00  }
0xf8: {  	[tilespmem:s21], [sflag:$0xB] =	stream.linear.gather [hbm4b:s22+s17], $0x3200, $0x38;
	[tilespmem:$0x1D600] =	vst v63  }
0xf9: {  	_ =	swait.ge [sflag:s19], $0x3200  }
0xfa: {  	[sflag:s19] =	ssyncset.done $0x0  }
0xfb: {  	s24 =	simm.s32 $0x9600;
	[sflag:s19] =	ssyncadd.s32 $0xFFFFCE00  }
0xfc: {  	[tilespmem:s24], [sflag:$0x1] =	stream.indirect.gather [hbm4b:s3+s18], $0x40, s17, s18, $0xb8;
	[tilespmem:$0x1D600] =	vst v63  }
0xfd: {  	s19 =	simm.s32 $0x13600  }
0xfe: {  	[tilespmem:s19], [sflag:$0x1] =	stream.indirect.gather [hbm4b:s4+s18], $0x20, s20, s18, $0xb8;
	[tilespmem:$0x1D600] =	vst v63  }
0xff: {  	s20 =	simm.s32 $0x18600  }
0x100: {  	[tilespmem:s20], [sflag:$0x1] =	stream.indirect.gather [hbm4b:s5+s18], $0x20, s21, s18, $0xb8;
	[tilespmem:$0x1D600] =	vst v63  }
0x101: {  	s21 =	simm.s32 $0xB600  }
0x102: {  	[tilespmem:s21], [sflag:$0x2] =	stream.indirect.gather [hbm4b:s3+s18], $0x40, s18, s18, $0xb8;
	[tilespmem:$0x1D600] =	vst v63  }
0x103: {  	s22 =	simm.s32 $0x3280;
	s24 =	simm.s32 $0x14600  }
0x104: {  	[tilespmem:s24], [sflag:$0x2] =	stream.indirect.gather [hbm4b:s4+s18], $0x20, s22, s18, $0xb8;
	[tilespmem:$0x1D600] =	vst v63  }
0x105: {  	s20 =	simm.s32 $0x6480  }
0x106: {  	[tilespmem:s26], [sflag:$0x2] =	stream.indirect.gather [hbm4b:s5+s18], $0x20, s20, s18, $0xb8;
	[tilespmem:$0x1D600] =	vst v63  }
0x107: {  	s21 =	simm.s32 $0x100  }
0x108: {  	[tilespmem:s29], [sflag:$0x3] =	stream.indirect.gather [hbm4b:s3+s18], $0x40, s21, s18, $0xb8;
	[tilespmem:$0x1D600] =	vst v63  }
0x109: {  	s22 =	simm.s32 $0x3300  }
0x10a: {  	[tilespmem:s31], [sflag:$0x3] =	stream.indirect.gather [hbm4b:s4+s18], $0x20, s22, s18, $0xb8;
	[tilespmem:$0x1D600] =	vst v63  }
0x10b: {  	s15 =	rddreg [dreg:$0xb];
	s24 =	simm.s32 $0x6500  }
0x10c: {  	[tilespmem:s2], [sflag:$0x3] =	stream.indirect.gather [hbm4b:s5+s18], $0x20, s24, s18, $0xb8;
	[tilespmem:$0x1D600] =	vst v63  }
.LBB2_5:
0x10d: {  	_ =	swait.ge [sflag:s6], $0x2000  }
0x10e: {  	[sflag:s6] =	ssyncset.done $0x0  }
0x10f: {  	[sflag:s6] =	ssyncadd.s32 $0xFFFFE000  }
0x110: {  	_ =	swait.ge [sflag:s6], $0x1000  }
0x111: {  	[sflag:s6] =	ssyncset.done $0x0  }
0x112: {  	[sflag:s6] =	ssyncadd.s32 $0xFFFFF000  }
0x113: {  	_ =	swait.ge [sflag:s6], $0x1000  }
0x114: {  	[sflag:s6] =	ssyncset.done $0x0  }
0x115: {  	s19 =	sadd.s32 $0xFFFFDFF4, s15;
	s20 =	simm.s32 $0x9600;
	[sflag:s6] =	ssyncadd.s32 $0xFFFFF000  }
0x116: {  	[hbm4b:s19+s7] =	stream.strided.scatter [tilespmem:s20], [sflag:$0x6], $0x2000, s18, s7, $0x38;
	[tilespmem:$0x1D600] =	vst v63  }
0x117: {  	s22 =	sadd.s32 $0xFFFFDFFC, s15;
	s24 =	simm.s32 $0x13600;
	p0 =	seq.s32 s17, $0x0  }
0x118: {  	[hbm4b:s22+s8] =	stream.strided.scatter [tilespmem:s24], [sflag:$0x6], $0x1000, s18, s8, $0x38;
	[tilespmem:$0x1D600] =	vst v63  }
0x119: {  	s21 =	sadd.s32 $0xFFFFE000, s15;
	s20 =	simm.s32 @!p0 $0x9;
	s22 =	simm.s32 $0x18600  }
0x11a: {  	[hbm4b:s21+s8] =	stream.strided.scatter [tilespmem:s22], [sflag:$0x6], $0x1000, s18, s8, $0x38;
	[tilespmem:$0x1D600] =	vst v63  }
0x11b: {  	_ =	swait.ge @!p0 [sflag:s20], $0x2000  }
0x11c: {  	[sflag:s20] =	ssyncset.done @!p0 $0x0  }
0x11d: {  	[sflag:s20] =	ssyncadd.s32 @!p0 $0xFFFFE000  }
0x11e: {  	_ =	swait.ge @!p0 [sflag:s20], $0x1000  }
0x11f: {  	[sflag:s20] =	ssyncset.done @!p0 $0x0  }
0x120: {  	[sflag:s20] =	ssyncadd.s32 @!p0 $0xFFFFF000  }
0x121: {  	_ =	swait.ge @!p0 [sflag:s20], $0x1000  }
0x122: {  	s19 =	sshra.s32 s17, $0x2;
	[sflag:s20] =	ssyncset.done @!p0 $0x0  }
0x123: {  	s24 =	sadd.s32 $0x180, s19;
	[sflag:s20] =	ssyncadd.s32 @!p0 $0xFFFFF000  }
0x124: {  	[tilespmem:s9], [sflag:$0x4] =	stream.indirect.gather [hbm4b:s3+s18], $0x40, s24, s18, $0xb8;
	[tilespmem:$0x1D600] =	vst v63  }
0x125: {  	s21 =	sadd.s32 $0x3380, s19  }
0x126: {  	[tilespmem:s10], [sflag:$0x4] =	stream.indirect.gather [hbm4b:s4+s18], $0x20, s21, s18, $0xb8;
	[tilespmem:$0x1D600] =	vst v63  }
0x127: {  	s22 =	sadd.s32 $0x6580, s19  }
0x128: {  	[tilespmem:s11], [sflag:$0x4] =	stream.indirect.gather [hbm4b:s5+s18], $0x20, s22, s18, $0xb8;
	[tilespmem:$0x1D600] =	vst v63  }
0x129: {  	_ =	swait.ge [sflag:s12], $0x2000  }
0x12a: {  	[sflag:s12] =	ssyncset.done $0x0  }
0x12b: {  	[sflag:s12] =	ssyncadd.s32 $0xFFFFE000  }
0x12c: {  	_ =	swait.ge [sflag:s12], $0x1000  }
0x12d: {  	[sflag:s12] =	ssyncset.done $0x0  }
0x12e: {  	[sflag:s12] =	ssyncadd.s32 $0xFFFFF000  }
0x12f: {  	_ =	swait.ge [sflag:s12], $0x1000  }
0x130: {  	[sflag:s12] =	ssyncset.done $0x0  }
0x131: {  	s24 =	sadd.s32 $0xFFFFE7F4, s15;
	s21 =	simm.s32 $0xB600;
	[sflag:s12] =	ssyncadd.s32 $0xFFFFF000  }
0x132: {  	[hbm4b:s24+s7] =	stream.strided.scatter [tilespmem:s21], [sflag:$0x7], $0x2000, s18, s7, $0x38;
	[tilespmem:$0x1D600] =	vst v63  }
0x133: {  	s22 =	sadd.s32 $0xFFFFE7FC, s15;
	s24 =	simm.s32 $0x14600  }
0x134: {  	[hbm4b:s22+s8] =	stream.strided.scatter [tilespmem:s24], [sflag:$0x7], $0x1000, s18, s8, $0x38;
	[tilespmem:$0x1D600] =	vst v63  }
0x135: {  	s20 =	simm.s32 @!p0 $0xA;
	s22 =	sadd.s32 $0xFFFFE800, s15  }
0x136: {  	[hbm4b:s22+s8] =	stream.strided.scatter [tilespmem:s26], [sflag:$0x7], $0x1000, s18, s8, $0x38;
	[tilespmem:$0x1D600] =	vst v63  }
0x137: {  	_ =	swait.ge @!p0 [sflag:s20], $0x2000  }
0x138: {  	[sflag:s20] =	ssyncset.done @!p0 $0x0  }
0x139: {  	[sflag:s20] =	ssyncadd.s32 @!p0 $0xFFFFE000  }
0x13a: {  	_ =	swait.ge @!p0 [sflag:s20], $0x1000  }
0x13b: {  	[sflag:s20] =	ssyncset.done @!p0 $0x0  }
0x13c: {  	[sflag:s20] =	ssyncadd.s32 @!p0 $0xFFFFF000  }
0x13d: {  	_ =	swait.ge @!p0 [sflag:s20], $0x1000  }
0x13e: {  	[sflag:s20] =	ssyncset.done @!p0 $0x0  }
0x13f: {  	s24 =	sadd.s32 $0x200, s19;
	[sflag:s20] =	ssyncadd.s32 @!p0 $0xFFFFF000  }
0x140: {  	[tilespmem:s23], [sflag:$0x5] =	stream.indirect.gather [hbm4b:s3+s18], $0x40, s24, s18, $0xb8;
	[tilespmem:$0x1D600] =	vst v63  }
0x141: {  	s21 =	sadd.s32 $0x3400, s19  }
0x142: {  	[tilespmem:s25], [sflag:$0x5] =	stream.indirect.gather [hbm4b:s4+s18], $0x20, s21, s18, $0xb8;
	[tilespmem:$0x1D600] =	vst v63  }
0x143: {  	s22 =	sadd.s32 $0x6600, s19  }
0x144: {  	[tilespmem:s13], [sflag:$0x5] =	stream.indirect.gather [hbm4b:s5+s18], $0x20, s22, s18, $0xb8;
	[tilespmem:$0x1D600] =	vst v63  }
0x145: {  	_ =	swait.ge [sflag:s14], $0x2000  }
0x146: {  	[sflag:s14] =	ssyncset.done $0x0  }
0x147: {  	[sflag:s14] =	ssyncadd.s32 $0xFFFFE000  }
0x148: {  	_ =	swait.ge [sflag:s14], $0x1000  }
0x149: {  	[sflag:s14] =	ssyncset.done $0x0  }
0x14a: {  	[sflag:s14] =	ssyncadd.s32 $0xFFFFF000  }
0x14b: {  	_ =	swait.ge [sflag:s14], $0x1000  }
0x14c: {  	[sflag:s14] =	ssyncset.done $0x0  }
0x14d: {  	s24 =	sadd.s32 $0xFFFFEFF4, s15;
	[sflag:s14] =	ssyncadd.s32 $0xFFFFF000  }
0x14e: {  	[hbm4b:s24+s7] =	stream.strided.scatter [tilespmem:s29], [sflag:$0x8], $0x2000, s18, s7, $0x38;
	[tilespmem:$0x1D600] =	vst v63  }
0x14f: {  	s21 =	sadd.s32 $0xFFFFEFFC, s15  }
0x150: {  	[hbm4b:s21+s8] =	stream.strided.scatter [tilespmem:s31], [sflag:$0x8], $0x1000, s18, s8, $0x38;
	[tilespmem:$0x1D600] =	vst v63  }
0x151: {  	s22 =	sadd.s32 $0xFFFFF000, s15  }
0x152: {  	[hbm4b:s22+s8] =	stream.strided.scatter [tilespmem:s2], [sflag:$0x8], $0x1000, s18, s8, $0x38;
	[tilespmem:$0x1D600] =	vst v63  }
0x153: {  	_ =	swait.ge [sflag:s28], $0x2000  }
0x154: {  	[sflag:s28] =	ssyncset.done $0x0  }
0x155: {  	[sflag:s28] =	ssyncadd.s32 $0xFFFFE000  }
0x156: {  	_ =	swait.ge [sflag:s28], $0x1000  }
0x157: {  	[sflag:s28] =	ssyncset.done $0x0  }
0x158: {  	[sflag:s28] =	ssyncadd.s32 $0xFFFFF000  }
0x159: {  	p0 =	seq.s32 s17, $0xBE00;
	_ =	swait.ge [sflag:s28], $0x1000  }
0x15a: {  	s20 =	sshra.s32 @!p0 s17, $0x2;
	s24 =	simm.s32 @!p0 $0x9600;
	[sflag:s28] =	ssyncset.done $0x0  }
0x15b: {  	s21 =	sadd.s32 @!p0 $0x280, s20;
	s22 =	simm.s32 @!p0 $0x80;
	[sflag:s28] =	ssyncadd.s32 $0xFFFFF000  }
0x15c: {  	[tilespmem:s24], [sflag:$0x1] =	stream.indirect.gather @!p0 [hbm4b:s3+s22], $0x40, s21, s22, $0xb8;
	[tilespmem:$0x1D600] =	vst v63  }
0x15d: {  	s21 =	sadd.s32 @!p0 $0x3480, s20;
	s24 =	simm.s32 @!p0 $0x13600  }
0x15e: {  	[tilespmem:s24], [sflag:$0x1] =	stream.indirect.gather @!p0 [hbm4b:s4+s22], $0x20, s21, s22, $0xb8;
	[tilespmem:$0x1D600] =	vst v63  }
0x15f: {  	s21 =	sadd.s32 @!p0 $0x6680, s20;
	s24 =	simm.s32 @!p0 $0x18600  }
0x160: {  	[tilespmem:s24], [sflag:$0x1] =	stream.indirect.gather @!p0 [hbm4b:s5+s22], $0x20, s21, s22, $0xb8;
	[tilespmem:$0x1D600] =	vst v63  }
0x161: {  	_ =	swait.ge [sflag:s30], $0x2000  }
0x162: {  	[sflag:s30] =	ssyncset.done $0x0  }
0x163: {  	[sflag:s30] =	ssyncadd.s32 $0xFFFFE000  }
0x164: {  	_ =	swait.ge [sflag:s30], $0x1000  }
0x165: {  	[sflag:s30] =	ssyncset.done $0x0  }
0x166: {  	[sflag:s30] =	ssyncadd.s32 $0xFFFFF000  }
0x167: {  	_ =	swait.ge [sflag:s30], $0x1000  }
0x168: {  	[sflag:s30] =	ssyncset.done $0x0  }
0x169: {  	s24 =	sadd.s32 $0xFFFFF7F4, s15;
	[sflag:s30] =	ssyncadd.s32 $0xFFFFF000  }
0x16a: {  	[hbm4b:s24+s7] =	stream.strided.scatter [tilespmem:s9], [sflag:$0x9], $0x2000, s18, s7, $0x38;
	[tilespmem:$0x1D600] =	vst v63  }
0x16b: {  	s24 =	sadd.s32 $0xFFFFF7FC, s15  }
0x16c: {  	[hbm4b:s24+s8] =	stream.strided.scatter [tilespmem:s10], [sflag:$0x9], $0x1000, s18, s8, $0x38;
	[tilespmem:$0x1D600] =	vst v63  }
0x16d: {  	s24 =	sadd.s32 $0xFFFFF800, s15  }
0x16e: {  	[hbm4b:s24+s8] =	stream.strided.scatter [tilespmem:s11], [sflag:$0x9], $0x1000, s18, s8, $0x38;
	[tilespmem:$0x1D600] =	vst v63  }
0x16f: {  	_ =	swait.ge [sflag:s0], $0x2000  }
0x170: {  	[sflag:s0] =	ssyncset.done $0x0  }
0x171: {  	[sflag:s0] =	ssyncadd.s32 $0xFFFFE000  }
0x172: {  	_ =	swait.ge [sflag:s0], $0x1000  }
0x173: {  	[sflag:s0] =	ssyncset.done $0x0  }
0x174: {  	[sflag:s0] =	ssyncadd.s32 $0xFFFFF000  }
0x175: {  	_ =	swait.ge [sflag:s0], $0x1000  }
0x176: {  	[sflag:s0] =	ssyncset.done $0x0  }
0x177: {  	s21 =	sadd.s32 @!p0 $0x300, s20;
	s24 =	simm.s32 @!p0 $0xB600;
	[sflag:s0] =	ssyncadd.s32 $0xFFFFF000  }
0x178: {  	[tilespmem:s24], [sflag:$0x2] =	stream.indirect.gather @!p0 [hbm4b:s3+s22], $0x40, s21, s22, $0xb8;
	[tilespmem:$0x1D600] =	vst v63  }
0x179: {  	s21 =	sadd.s32 @!p0 $0x3500, s20;
	s24 =	simm.s32 @!p0 $0x14600  }
0x17a: {  	[tilespmem:s24], [sflag:$0x2] =	stream.indirect.gather @!p0 [hbm4b:s4+s22], $0x20, s21, s22, $0xb8;
	[tilespmem:$0x1D600] =	vst v63  }
0x17b: {  	s20 =	sadd.s32 @!p0 $0x6700, s20;
	s21 =	simm.s32 @!p0 $0x19600  }
0x17c: {  	[tilespmem:s21], [sflag:$0x2] =	stream.indirect.gather @!p0 [hbm4b:s5+s22], $0x20, s20, s22, $0xb8;
	[tilespmem:$0x1D600] =	vst v63  }
0x17d: {  	_ =	swait.ge [sflag:s1], $0x2000  }
0x17e: {  	[sflag:s1] =	ssyncset.done $0x0  }
0x17f: {  	[sflag:s1] =	ssyncadd.s32 $0xFFFFE000  }
0x180: {  	_ =	swait.ge [sflag:s1], $0x1000  }
0x181: {  	[sflag:s1] =	ssyncset.done $0x0  }
0x182: {  	[sflag:s1] =	ssyncadd.s32 $0xFFFFF000  }
0x183: {  	_ =	swait.ge [sflag:s1], $0x1000  }
0x184: {  	[sflag:s1] =	ssyncset.done $0x0  }
0x185: {  	s22 =	sadd.s32 $0xFFFFFFF4, s15;
	[sflag:s1] =	ssyncadd.s32 $0xFFFFF000  }
0x186: {  	[hbm4b:s22+s7] =	stream.strided.scatter [tilespmem:s23], [sflag:$0xA], $0x2000, s18, s7, $0x38;
	[tilespmem:$0x1D600] =	vst v63  }
0x187: {  	s24 =	sadd.s32 $0xFFFFFFFC, s15  }
0x188: {  	[hbm4b:s24+s8] =	stream.strided.scatter [tilespmem:s25], [sflag:$0xA], $0x1000, s18, s8, $0x38;
	[tilespmem:$0x1D600] =	vst v63  }
0x189: {  	_ = 	snop  }
0x18a: {  	[hbm4b:s15+s8] =	stream.strided.scatter [tilespmem:s13], [sflag:$0xA], $0x1000, s18, s8, $0x38;
	[tilespmem:$0x1D600] =	vst v63  }
0x18b: {  	_ =	swait.ge [sflag:s16], $0x2000  }
0x18c: {  	[sflag:s16] =	ssyncset.done $0x0  }
0x18d: {  	[sflag:s16] =	ssyncadd.s32 $0xFFFFE000  }
0x18e: {  	_ =	swait.ge [sflag:s16], $0x1000  }
.Ltmp4:
0x18f: {  	[sflag:s16] =	ssyncset.done $0x0;
	(pc) =	sbr.rel @p0 .LBB2_7-.Ltmp4, $4  }
0x190: {  	[sflag:s16] =	ssyncadd.s32 $0xFFFFF000  }
0x191: {  	_ =	swait.ge [sflag:s16], $0x1000  }
0x192: {  	[sflag:s16] =	ssyncset.done $0x0  }
0x193: {  	[sflag:s16] =	ssyncadd.s32 $0xFFFFF000  }
0x194: {  	s20 =	sadd.s32 $0x380, s19  }
0x195: {  	[tilespmem:s29], [sflag:$0x3] =	stream.indirect.gather [hbm4b:s3+s18], $0x40, s20, s18, $0xb8;
	[tilespmem:$0x1D600] =	vst v63  }
.Ltmp5:
0x196: {  	_ = 	snop;
	(pc) =	sbr.rel .LBB2_5-.Ltmp5, $4  }
0x197: {  	s22 =	sadd.s32 $0x3580, s19  }
0x198: {  	[tilespmem:s31], [sflag:$0x3] =	stream.indirect.gather [hbm4b:s4+s18], $0x20, s22, s18, $0xb8;
	[tilespmem:$0x1D600] =	vst v63  }
0x199: {  	s24 =	sadd.s32 $0x6780, s19;
	s17 =	sadd.s32 $0xA00, s17;
	s15 =	sadd.s32 $0x2800, s15  }
0x19a: {  	[tilespmem:s2], [sflag:$0x3] =	stream.indirect.gather [hbm4b:s5+s18], $0x20, s24, s18, $0xb8;
	[tilespmem:$0x1D600] =	vst v63  }
.LBB2_8:
0x19b: {  	_ =	sfence.sel $0x180000  }
0x19c: {  	[bflag:$0x0] =	sbarrier.arrive $0xFFFF  }
0x19d: {  	_ =	strace $0x90000047  }
0x19e: {  	s0 =	stileid.u32;
	[bflag:$0x2] =	sbarrier.arrive $0xFFFF  }
0x19f: {  	p0 =	sne.s32 s0, $0x0;
	s0 =	rddreg [dreg:$0x2]  }
0x1a0: {  	s0 =	sadd.s32 @!p0 $0x100000, s0  }
0x1a1: {  	[sflag:s0] =	ssyncadd.tile.s32 @!p0 $0x1;
	_ =	shalt  }
.Lfunc_end2:
_tile_overlayer_lowered:
.L_overlay_start_2:
0x1a2: {  	(tag) =	ssettag $0x2  }
0x1a3: {  	s0 =	rddreg [dreg:$0x0];
	s2 =	stileid.u32  }
0x1a4: {  	s1 =	rddreg [dreg:$0x1];
	p0 =	sne.s32 s2, $0x0  }
0x1a5: {  	s3 =	rddreg [dreg:$0x2];
	[bflag:$0x3] =	sbarrier.arrive $0xFFFF;
	s2 =	simm.s32 @!p0 $0x1C0B  }
0x1a6: {  	[timem:s3], [sflag:s2] =	dma.local @!p0 [hbm:s0], s1  }
0x1a7: {  	s0 =	simm.s32 @!p0 $0xB  }
0x1a8: {  	_ =	swait.ge @!p0 [sflag:s0], s1  }
0x1a9: {  	s1 =	ssub.s32 @!p0 $0x0, s1;
	[sflag:s0] =	ssyncset.done @!p0 $0x0  }
0x1aa: {  	[sflag:s0] =	ssyncadd.s32 @!p0 s1  }
0x1ab: {  	[bflag:$0x3] =	sbarrier.arrive $0xFFFF  }
0x1ac: {  	_ =	shalt  }

</sc_bundles>
